<compile_context>
chip_gen: v7x
topology: tpu7x:2x2x1
jax: 0.10.2.dev20260603
libtpu: 0.0.44.dev20260713+nightly
codegen_flags: <defaults>
</compile_context>

<pallas_src>
import jax
import jax.numpy as jnp
from jax import lax
from jax.experimental import pallas as pl
from jax.experimental.pallas import tpu as pltpu
from jax.experimental.pallas import tpu_sc as plsc

F32 = jnp.float32
I32 = jnp.int32

NP_REAL = 10000
ROWS = 10240
HALF = 128
EP_PAD = 163840
CHUNK = 128
N_SUBCORES = 16
CHUNKS_TOTAL = EP_PAD // CHUNK
CHUNKS_PER_TILE = CHUNKS_TOTAL // N_SUBCORES
ROWS_PER_TILE = ROWS // N_SUBCORES



def _seg_sum_body(x_hbm, src_hbm, dst_hbm, zeros_hbm, out_hbm,
                  i0, i1, i2, i3, d0, d1, d2, d3, rows0, rows1, acc,
                  is0, is1, is2, is3, ds0, ds1, ds2, ds3,
                  gsem0, gsem1, ssem0, ssem1):
    c = lax.axis_index("c")
    s = lax.axis_index("s")
    isrc = (i0, i1, i2, i3)
    idst = (d0, d1, d2, d3)
    isem = (is0, is1, is2, is3)
    dsem = (ds0, ds1, ds2, ds3)
    rows = (rows0, rows1)
    gsem = (gsem0, gsem1)
    ssem = (ssem0, ssem1)
    sbase = c * EP_PAD + s * CHUNKS_PER_TILE * CHUNK
    dbase = s * CHUNKS_PER_TILE * CHUNK

    pltpu.sync_copy(zeros_hbm.at[pl.ds(s * ROWS_PER_TILE, ROWS_PER_TILE)],
                    acc.at[pl.ds(s * ROWS_PER_TILE, ROWS_PER_TILE)])
    plsc.subcore_barrier()

    def fire_src(j, k):
        pltpu.async_copy(src_hbm.at[pl.ds(sbase + j * CHUNK, CHUNK)],
                         isrc[k], isem[k])

    def wait_src(j, k):
        pltpu.make_async_copy(src_hbm.at[pl.ds(sbase + j * CHUNK, CHUNK)],
                              isrc[k], isem[k]).wait()

    def fire_dst(j, k):
        pltpu.async_copy(dst_hbm.at[pl.ds(dbase + j * CHUNK, CHUNK)],
                         idst[k], dsem[k])

    def wait_dst(j, k):
        pltpu.make_async_copy(dst_hbm.at[pl.ds(dbase + j * CHUNK, CHUNK)],
                              idst[k], dsem[k]).wait()

    def fire_gather(k, b):
        pltpu.async_copy(x_hbm.at[isrc[k]], rows[b], gsem[b])

    def wait_gather(k, b):
        pltpu.make_async_copy(x_hbm.at[isrc[k]], rows[b], gsem[b]).wait()

    def fire_scatter(k, b):
        pltpu.async_copy(rows[b], acc.at[idst[k]], ssem[b], add=True)

    def wait_scatter(k, b):
        pltpu.make_async_copy(rows[b], acc.at[idst[k]], ssem[b]).wait()

    def step(j, k, first=False, fire_next=True, load_src=True,
             load_dst=True):
        kf, bf = (k + 1) % 4, (k + 1) % 2
        b = k % 2
        if fire_next:
            wait_src(j + 1, kf)
            if not first:
                wait_scatter(kf, bf)
                if load_dst:
                    fire_dst(j + 3, (k + 3) % 4)
            fire_gather(kf, bf)
        wait_gather(k, b)
        if load_src:
            fire_src(j + 4, k)
        wait_dst(j, k)
        fire_scatter(k, b)

    for k in range(4):
        fire_src(k, k)
        fire_dst(k, k)
    wait_src(0, 0)
    fire_gather(0, 0)
    step(0, 0, first=True)
    for k in (1, 2, 3):
        step(k, k)

    def group(g, carry):
        j = 4 * g
        for k in range(4):
            step(j + k, k)
        return carry

    lax.fori_loop(1, CHUNKS_PER_TILE // 4 - 1, group, 0)
    j = CHUNKS_PER_TILE - 4
    step(j, 0, load_src=False)
    step(j + 1, 1, load_src=False, load_dst=False)
    step(j + 2, 2, load_src=False, load_dst=False)
    step(j + 3, 3, fire_next=False, load_src=False)
    wait_scatter(2, 0)
    wait_scatter(3, 1)
    plsc.subcore_barrier()
    pltpu.sync_copy(acc.at[pl.ds(s * ROWS_PER_TILE, ROWS_PER_TILE)],
                    out_hbm.at[pl.ds(c * ROWS + s * ROWS_PER_TILE,
                                     ROWS_PER_TILE)])


def _seg_sum_sc(x_stack, src2, dst, zeros):
    mesh = plsc.VectorSubcoreMesh(core_axis_name="c", subcore_axis_name="s")
    f = pl.kernel(
        _seg_sum_body,
        out_type=jax.ShapeDtypeStruct((2 * ROWS, HALF), F32),
        mesh=mesh,
        scratch_types=(
            [pltpu.VMEM((CHUNK,), I32)] * 8
            + [pltpu.VMEM((CHUNK, HALF), F32)] * 2
            + [pltpu.VMEM_SHARED((ROWS, HALF), F32)]
            + [pltpu.SemaphoreType.DMA] * 12
        ),
    )
    return f(x_stack, src2, dst, zeros)


def _layer1_kernel(ha_ref, hb_ref, x_ref, w_ref, out_ref):
    hcat = jnp.concatenate([ha_ref[0], hb_ref[0]], axis=1)
    y = jnp.maximum(jnp.dot(hcat + x_ref[...], w_ref[...],
                            preferred_element_type=F32), 0.0)
    out_ref[0] = y[:, :HALF]
    out_ref[1] = y[:, HALF:]


def _layer1_tc(hseg, xp_pad, W1):
    nblk = ROWS // 512
    return pl.pallas_call(
        _layer1_kernel,
        grid=(nblk,),
        in_specs=[
            pl.BlockSpec((1, 512, HALF), lambda i: (0, i, 0)),
            pl.BlockSpec((1, 512, HALF), lambda i: (1, i, 0)),
            pl.BlockSpec((512, 2 * HALF), lambda i: (i, 0)),
            pl.BlockSpec((2 * HALF, 2 * HALF), lambda i: (0, 0)),
        ],
        out_specs=pl.BlockSpec((2, 512, HALF), lambda i: (0, i, 0)),
        out_shape=jax.ShapeDtypeStruct((2, ROWS, HALF), F32),
    )(hseg.reshape(2, ROWS, HALF), hseg.reshape(2, ROWS, HALF), xp_pad, W1)


def _reduce_kernel(h2a_ref, h2b_ref, h1a_ref, h1b_ref, w_ref, out_ref):
    h2 = jnp.concatenate([h2a_ref[0], h2b_ref[0]], axis=1)
    h1 = jnp.concatenate([h1a_ref[0], h1b_ref[0]], axis=1)
    y = jnp.maximum(jnp.dot(h2 + h1, w_ref[...],
                            preferred_element_type=F32), 0.0)
    part = jnp.sum(y, axis=0, keepdims=True)

    @pl.when(pl.program_id(0) == 0)
    def _():
        out_ref[...] = jnp.zeros_like(out_ref)

    out_ref[0:1, :] += part


def _reduce_tc(h2, h1, W2):
    nblk = ROWS // 512
    return pl.pallas_call(
        _reduce_kernel,
        grid=(nblk,),
        in_specs=[
            pl.BlockSpec((1, 512, HALF), lambda i: (0, i, 0)),
            pl.BlockSpec((1, 512, HALF), lambda i: (1, i, 0)),
            pl.BlockSpec((1, 512, HALF), lambda i: (0, i, 0)),
            pl.BlockSpec((1, 512, HALF), lambda i: (1, i, 0)),
            pl.BlockSpec((2 * HALF, 2 * HALF), lambda i: (0, 0)),
        ],
        out_specs=pl.BlockSpec((8, 2 * HALF), lambda i: (0, 0)),
        out_shape=jax.ShapeDtypeStruct((8, 2 * HALF), F32),
    )(h2.reshape(2, ROWS, HALF), h2.reshape(2, ROWS, HALF),
      h1.reshape(2, ROWS, HALF), h1.reshape(2, ROWS, HALF), W2)


NLIG = 40
NPADL = 48
EPS = 1e-8


def _decode_kernel(pocket_ref, xl_ref, el_ref, uv_ref, attr_ref,
                   wl1_ref, wl2_ref, wd1_ref, wd2_ref, wf_ref, bf_ref,
                   wgz_ref, wglab_ref,
                   wht_ref, whzp_ref, whzl_ref, whzu_ref, whlabu_ref,
                   whzv_ref, whlabv_ref, whzg_ref, bh_ref,
                   out_ref):
    T = attr_ref.shape[0]
    z_pocket = pocket_ref[0:1, :] * (1.0 / NP_REAL)

    x_l = xl_ref[...]
    rows40 = lax.broadcasted_iota(I32, (NLIG, 80), 0)
    dstm = (rows40 == el_ref[1:2, :]).astype(F32)
    srcm = (rows40 == el_ref[0:1, :]).astype(F32)
    A_l = lax.dot_general(dstm, srcm, (((1,), (1,)), ((), ())),
                          preferred_element_type=F32)
    h = jnp.maximum(jnp.dot(jnp.dot(A_l, x_l, preferred_element_type=F32)
                            + x_l, wl1_ref[...],
                            preferred_element_type=F32), 0.0)
    z_la = jnp.maximum(
        jnp.dot(jnp.dot(A_l, h, preferred_element_type=F32) + h,
                wl2_ref[...], preferred_element_type=F32), 0.0)
    z_ligand = jnp.sum(z_la, axis=0, keepdims=True) * (1.0 / NLIG)

    flog = jnp.dot(z_la, wf_ref[...], preferred_element_type=F32) \
        + bf_ref[...]
    fmax = jnp.max(flog, axis=1, keepdims=True)
    fexp = jnp.exp(flog - fmax)
    x_label = fexp / jnp.sum(fexp, axis=1, keepdims=True)
    x_l4 = x_l[:, 4:14]
    logp = jnp.sum(jnp.log(jnp.sum(x_label * x_l4, axis=1) + EPS))

    rowsl = lax.broadcasted_iota(I32, (NPADL, 1), 0)
    lab_valid = (rowsl < NLIG).astype(F32)
    lab_pad = jnp.pad(x_label, ((0, NPADL - NLIG), (0, 0))) * lab_valid

    labg = jnp.dot(lab_pad, wglab_ref[...],
                   preferred_element_type=F32)
    c0 = jnp.dot(z_pocket, whzp_ref[...], preferred_element_type=F32) \
        + jnp.dot(z_ligand, whzl_ref[...], preferred_element_type=F32) \
        + bh_ref[...]

    u0 = uv_ref[0]
    v0 = uv_ref[T]
    ci = lax.broadcasted_iota(I32, (NPADL, NPADL), 0)
    cj = lax.broadcasted_iota(I32, (NPADL, NPADL), 1)
    A0 = ((ci == v0) & (cj == u0)).astype(F32)
    h0 = jnp.dot(A0, lab_pad, preferred_element_type=F32)
    h1_0 = jnp.maximum(jnp.dot(h0 + lab_pad, wd1_ref[...],
                               preferred_element_type=F32), 0.0)
    h2_0 = jnp.dot(A0, h1_0, preferred_element_type=F32)
    z0 = jnp.maximum(jnp.dot(h2_0 + h1_0, wd2_ref[...],
                             preferred_element_type=F32), 0.0)
    z0 = z0 * lab_valid
    zg0 = jnp.sum(z0, axis=0, keepdims=True) * (1.0 / NLIG)

    nrow_valid = (rowsl <= NLIG)

    def step(t, carry):
        A, z_pad, zg, lp, act = carry
        u = uv_ref[t]
        v = uv_ref[T + t]
        logits = jnp.dot(z_pad, wgz_ref[...],
                         preferred_element_type=F32) + labg
        masked = jnp.where(nrow_valid, logits, -1e30)
        mx = jnp.max(masked)
        lse = mx + jnp.log(jnp.sum(jnp.exp(masked - mx)))
        lv = jnp.sum(jnp.where(rowsl == v, logits, 0.0))
        lp = lp + lv - lse
        oh_u = (lax.broadcasted_iota(I32, (1, NPADL), 1) == u).astype(F32)
        oh_v = (lax.broadcasted_iota(I32, (1, NPADL), 1) == v).astype(F32)
        zu = jnp.dot(oh_u, z_pad, preferred_element_type=F32)
        zv = jnp.dot(oh_v, z_pad, preferred_element_type=F32)
        labu = jnp.dot(oh_u, lab_pad, preferred_element_type=F32)
        labv = jnp.dot(oh_v, lab_pad, preferred_element_type=F32)
        e = (t.astype(F32) * wht_ref[...] + c0
             + jnp.dot(zu, whzu_ref[...], preferred_element_type=F32)
             + jnp.dot(labu, whlabu_ref[...], preferred_element_type=F32)
             + jnp.dot(zv, whzv_ref[...], preferred_element_type=F32)
             + jnp.dot(labv, whlabv_ref[...], preferred_element_type=F32)
             + jnp.dot(zg, whzg_ref[...], preferred_element_type=F32))
        emax = jnp.max(e)
        eexp = jnp.exp(e - emax)
        et = eexp / jnp.sum(eexp)
        attr = attr_ref[pl.ds(t, 1), :]
        lp = lp + jnp.log(jnp.sum(et * attr) + EPS)
        ok = (u != v).astype(F32)
        m1 = ((ci == v) & (cj == u)).astype(F32)
        m2 = ((ci == u) & (cj == v)).astype(F32)
        A = A + ok * (m1 + m2)
        act = jnp.maximum(act, ok)
        hh = jnp.dot(A, lab_pad, preferred_element_type=F32)
        hh1 = jnp.maximum(jnp.dot(hh + lab_pad, wd1_ref[...],
                                  preferred_element_type=F32), 0.0)
        hh2 = jnp.dot(A, hh1, preferred_element_type=F32)
        z_new = jnp.maximum(jnp.dot(hh2 + hh1, wd2_ref[...],
                                    preferred_element_type=F32), 0.0)
        z_new = z_new * lab_valid
        z_pad = act * z_new + (1.0 - act) * z_pad
        zg = jnp.sum(z_pad, axis=0, keepdims=True) * (1.0 / NLIG)
        return (A, z_pad, zg, lp, act)

    A_init = jnp.zeros((NPADL, NPADL), F32)
    carry = (A_init, z0, zg0, logp, jnp.zeros((), F32))
    _, _, _, logp, _ = lax.fori_loop(0, T, step, carry)
    out_ref[0, 0] = logp


def _decode_tc(pocket_sum, x_l, edge_index_l, uv, bfs_attr,
               Wl1, Wl2, Wd1, Wd2, Wf, bf, Wg, bg, Wh, bh):
    D = Wd2.shape[0]
    A = Wf.shape[1]
    o1, o2, o3, o4, o5, o6, o7 = (1, 1 + D, 1 + 2 * D, 1 + 3 * D,
                                  1 + 3 * D + A, 1 + 4 * D + A,
                                  1 + 4 * D + 2 * A)
    wgz = Wg[o5:o6]
    wglab = Wg[o6:o7]
    smem = pl.BlockSpec(memory_space=pltpu.SMEM)
    vmem = pl.BlockSpec(memory_space=pltpu.VMEM)
    args = (pocket_sum, x_l, edge_index_l, uv, bfs_attr,
            Wl1, Wl2, Wd1, Wd2, Wf, bf.reshape(1, A),
            wgz, wglab,
            Wh[0:o1], Wh[o1:o2], Wh[o2:o3], Wh[o3:o4], Wh[o4:o5],
            Wh[o5:o6], Wh[o6:o7], Wh[o7:], bh.reshape(1, 3))
    specs = [vmem] * len(args)
    specs[3] = smem
    return pl.pallas_call(
        _decode_kernel,
        in_specs=specs,
        out_specs=pl.BlockSpec(memory_space=pltpu.SMEM),
        out_shape=jax.ShapeDtypeStruct((1, 1), F32),
    )(*args)


def kernel(x_p, edge_index_p, x_l, edge_index_l, bfs_index, bfs_attr,
           Wp1, Wp2, Wl1, Wl2, Wd1, Wd2, Wf, bf, Wg, bg, Wh, bh):
    Np, D = x_p.shape
    Ep = edge_index_p.shape[1]
    xp_pad = jnp.zeros((ROWS, D), F32).at[:Np].set(x_p)
    x_stack = xp_pad.reshape(ROWS, 2, HALF).transpose(1, 0, 2) \
                    .reshape(2 * ROWS, HALF)
    src = edge_index_p[0].astype(I32)
    dst = edge_index_p[1].astype(I32)
    src_p = jnp.concatenate([src, jnp.full((EP_PAD - Ep,), Np, I32)])
    dst_p = jnp.concatenate([dst, jnp.zeros((EP_PAD - Ep,), I32)])
    src2 = jnp.concatenate([src_p, src_p + ROWS])
    zeros = jnp.zeros((ROWS, HALF), F32)

    hseg = _seg_sum_sc(x_stack, src2, dst_p, zeros)
    h1 = _layer1_tc(hseg, xp_pad, Wp1)
    h2 = _seg_sum_sc(h1.reshape(2 * ROWS, HALF), src2, dst_p, zeros)
    pocket_sum = _reduce_tc(h2, h1, Wp2)

    uv = jnp.concatenate([bfs_index[:, 0].astype(I32),
                          bfs_index[:, 1].astype(I32)])
    out = _decode_tc(pocket_sum, x_l, edge_index_l.astype(I32), uv,
                     bfs_attr, Wl1, Wl2, Wd1, Wd2, Wf, bf, Wg, bg, Wh, bh)
    return out[0, 0]

# --- scband reference (transcript-rebuilt; emitter-appended) ---
"""Pipeline reference for scband-teacher-forcer-81338090651873 (READ-ONLY COPY).

The authoritative reference and input builder live on the scoring server;
editing this copy changes nothing except your own understanding.
"""

import jax, jax.numpy as jnp
import numpy as np


def _gcn2(x, src, dst, W1, W2):
    n = x.shape[0]
    h = jax.ops.segment_sum(x[src], dst, num_segments=n)
    h = jax.nn.relu((h + x) @ W1)
    h2 = jax.ops.segment_sum(h[src], dst, num_segments=n)
    return jax.nn.relu((h2 + h) @ W2)


def _gcn2_masked(x, src, dst, w, W1, W2):
    n = x.shape[0]
    h = jax.ops.segment_sum(x[src] * w[:, None], dst, num_segments=n)
    h = jax.nn.relu((h + x) @ W1)
    h2 = jax.ops.segment_sum(h[src] * w[:, None], dst, num_segments=n)
    return jax.nn.relu((h2 + h) @ W2)


def setup_inputs(seed: int = 0) -> dict:
    key = jax.random.key(seed)
    ks = jax.random.split(key, 20)
    Np, Ep, Nl, El, T = 10000, 160000, 40, 80, 39
    D, A, B = 256, 10, 3
    s = 0.05
    phi_dim = 1 + 5 * D + 2 * A
    return {
        'x_p': jax.random.normal(ks[0], (Np, D), dtype=jnp.float32),
        'edge_index_p': jax.random.randint(ks[1], (2, Ep), 0, Np),
        'x_l': jax.random.uniform(ks[2], (Nl, 4 + A), dtype=jnp.float32),
        'edge_index_l': jax.random.randint(ks[3], (2, El), 0, Nl),
        'bfs_index': jax.random.randint(ks[4], (T, 2), 0, Nl),
        'bfs_attr': jax.random.uniform(ks[5], (T, B), dtype=jnp.float32),
        'Wp1': jax.random.normal(ks[6], (D, D), dtype=jnp.float32) * s,
        'Wp2': jax.random.normal(ks[7], (D, D), dtype=jnp.float32) * s,
        'Wl1': jax.random.normal(ks[8], (4 + A, D), dtype=jnp.float32) * s,
        'Wl2': jax.random.normal(ks[9], (D, D), dtype=jnp.float32) * s,
        'Wd1': jax.random.normal(ks[10], (A, D), dtype=jnp.float32) * s,
        'Wd2': jax.random.normal(ks[11], (D, D), dtype=jnp.float32) * s,
        'Wf': jax.random.normal(ks[12], (D, A), dtype=jnp.float32) * s,
        'bf': jnp.zeros((A,), dtype=jnp.float32),
        'Wg': jax.random.normal(ks[13], (phi_dim, 1), dtype=jnp.float32) * s,
        'bg': jnp.zeros((1,), dtype=jnp.float32),
        'Wh': jax.random.normal(ks[14], (phi_dim, B), dtype=jnp.float32) * s,
        'bh': jnp.zeros((B,), dtype=jnp.float32),
    }


def reference(x_p, edge_index_p, x_l, edge_index_l, bfs_index, bfs_attr,
              Wp1, Wp2, Wl1, Wl2, Wd1, Wd2, Wf, bf, Wg, bg, Wh, bh):
    eps = 1e-8
    # encoders
    z_pa = _gcn2(x_p, edge_index_p[0], edge_index_p[1], Wp1, Wp2)
    z_pocket = jnp.mean(z_pa, axis=0)
    z_la = _gcn2(x_l, edge_index_l[0], edge_index_l[1], Wl1, Wl2)
    z_ligand = jnp.mean(z_la, axis=0)
    # atom classifier f
    x_label = jax.nn.softmax(z_la @ Wf + bf, axis=-1)
    x_l4 = x_l[:, 4:]
    log_prob = jnp.sum(jnp.log(jnp.sum(x_label * x_l4, axis=1) + eps))
    Nl = x_l.shape[0]
    D = Wp1.shape[0]
    # initial decode on seed edge
    u_arr = bfs_index[:, 0].astype(jnp.int32)
    v_arr = bfs_index[:, 1].astype(jnp.int32)
    z_v = _gcn2(x_label, u_arr[:1], v_arr[:1], Wd1, Wd2)
    z_g = jnp.mean(z_v, axis=0)
    z_stop = jnp.zeros((1, D), dtype=jnp.float32)
    l_stop = jnp.zeros((1, x_label.shape[1]), dtype=jnp.float32)
    z_aug = jnp.concatenate([z_v, z_stop], axis=0)
    lab_aug = jnp.concatenate([x_label, l_stop], axis=0)
    T = bfs_index.shape[0]
    src_all = jnp.stack([u_arr, v_arr], axis=1).reshape(-1)
    dst_all = jnp.stack([v_arr, u_arr], axis=1).reshape(-1)
    edge_ok = u_arr != v_arr
    steps = jnp.arange(T)
    for t in range(T):
        u, v = u_arr[t], v_arr[t]
        n = Nl + 1
        tcol = jnp.full((n, 1), float(t), dtype=jnp.float32)
        phi = jnp.concatenate([
            tcol,
            jnp.tile(z_pocket[None, :], (n, 1)),
            jnp.tile(z_ligand[None, :], (n, 1)),
            jnp.tile(z_aug[u][None, :], (n, 1)),
            jnp.tile(lab_aug[u][None, :], (n, 1)),
            z_aug,
            lab_aug,
            jnp.tile(z_g[None, :], (n, 1)),
        ], axis=1)
        node_logits = (phi @ Wg + bg)[:, 0]
        node_logp = jax.nn.log_softmax(node_logits, axis=0)
        log_prob = log_prob + node_logp[v]
        edge_type = jax.nn.softmax((phi @ Wh + bh)[v], axis=-1)
        log_prob = log_prob + jnp.log(jnp.dot(edge_type, bfs_attr[t]) + eps)
        active = edge_ok & (steps <= t)
        w = jnp.repeat(active, 2).astype(jnp.float32)
        z_v_new = _gcn2_masked(x_label, src_all, dst_all, w, Wd1, Wd2)
        z_v = jnp.where(jnp.any(active), z_v_new, z_v)
        z_g = jnp.mean(z_v, axis=0)
        z_aug = jnp.concatenate([z_v, z_stop], axis=0)
    return log_prob

if __name__ == "__main__":
    import jax
    _d = setup_inputs()
    print(jax.jit(kernel)(*tuple(_d.values())))

</pallas_src>

<mosaic_0001>
#map = affine_map<(d0, d1) -> (0, 0)>
#map1 = affine_map<(d0, d1) -> (0)>
module attributes {stable_mosaic.version = 14 : i64} {
  func.func @_seg_sum_body(%arg0: i32, %arg1: i32, %arg2: memref<20480x128xf32, #tpu.memory_space<hbm>>, %arg3: memref<327680xi32, #tpu.memory_space<hbm>>, %arg4: memref<163840xi32, #tpu.memory_space<hbm>>, %arg5: memref<10240x128xf32, #tpu.memory_space<hbm>>, %arg6: memref<20480x128xf32, #tpu.memory_space<hbm>>, %arg7: memref<128xi32, #tpu.memory_space<vmem>>, %arg8: memref<128xi32, #tpu.memory_space<vmem>>, %arg9: memref<128xi32, #tpu.memory_space<vmem>>, %arg10: memref<128xi32, #tpu.memory_space<vmem>>, %arg11: memref<128xi32, #tpu.memory_space<vmem>>, %arg12: memref<128xi32, #tpu.memory_space<vmem>>, %arg13: memref<128xi32, #tpu.memory_space<vmem>>, %arg14: memref<128xi32, #tpu.memory_space<vmem>>, %arg15: memref<128x128xf32, #tpu.memory_space<vmem>>, %arg16: memref<128x128xf32, #tpu.memory_space<vmem>>, %arg17: memref<10240x128xf32, #tpu.memory_space<vmem_shared>>, %arg18: memref<!tpu.dma_semaphore, #tpu.memory_space<semaphore_mem>>, %arg19: memref<!tpu.dma_semaphore, #tpu.memory_space<semaphore_mem>>, %arg20: memref<!tpu.dma_semaphore, #tpu.memory_space<semaphore_mem>>, %arg21: memref<!tpu.dma_semaphore, #tpu.memory_space<semaphore_mem>>, %arg22: memref<!tpu.dma_semaphore, #tpu.memory_space<semaphore_mem>>, %arg23: memref<!tpu.dma_semaphore, #tpu.memory_space<semaphore_mem>>, %arg24: memref<!tpu.dma_semaphore, #tpu.memory_space<semaphore_mem>>, %arg25: memref<!tpu.dma_semaphore, #tpu.memory_space<semaphore_mem>>, %arg26: memref<!tpu.dma_semaphore, #tpu.memory_space<semaphore_mem>>, %arg27: memref<!tpu.dma_semaphore, #tpu.memory_space<semaphore_mem>>, %arg28: memref<!tpu.dma_semaphore, #tpu.memory_space<semaphore_mem>>, %arg29: memref<!tpu.dma_semaphore, #tpu.memory_space<semaphore_mem>>) attributes {dimension_semantics = [#tpu.dimension_semantics<core_parallel>, #tpu.dimension_semantics<subcore_parallel>], iteration_bounds = array<i64: 2, 16>, scalar_prefetch = 0 : i64, scratch_operands = 23 : i64, tpu.core_type = #tpu.core_type<sc_vector_subcore>, window_params = [{transform_indices = #map}, {transform_indices = #map1}, {transform_indices = #map1}, {transform_indices = #map}, {transform_indices = #map}]} {
    %mul3A = arith.constant 163840 : i32
    %mul3A_0 = arith.muli %arg0, %mul3A : i32
    %mul3A_1 = arith.constant 80 : i32
    %mul3A_2 = arith.muli %arg1, %mul3A_1 : i32
    %mul3A_3 = arith.constant 128 : i32
    %mul3A_4 = arith.muli %mul3A_2, %mul3A_3 : i32
    %add3A = arith.addi %mul3A_0, %mul3A_4 : i32
    %mul3A_5 = arith.constant 80 : i32
    %mul3A_6 = arith.muli %arg1, %mul3A_5 : i32
    %mul3A_7 = arith.constant 128 : i32
    %mul3A_8 = arith.muli %mul3A_6, %mul3A_7 : i32
    %mul3A_9 = arith.constant 640 : i32
    %mul3A_10 = arith.muli %arg1, %mul3A_9 : i32
    %mul3A_11 = arith.constant 640 : i32
    %mul3A_12 = arith.muli %arg1, %mul3A_11 : i32
    "tpu.region"() ({
      %run_scoped3A = tpu.sem_alloc : memref<!tpu.dma_semaphore, #tpu.memory_space<semaphore_mem>>
      %dma_start3A_248 = arith.constant 0 : i32
      %dma_start3A_249 = tpu.memref_slice %arg17[%mul3A_12, %dma_start3A_248] : memref<10240x128xf32, #tpu.memory_space<vmem_shared>> -> memref<640x128xf32, #tpu.memory_space<vmem_shared>>
      %dma_start3A_250 = arith.constant 0 : i32
      %dma_start3A_251 = tpu.memref_slice %arg5[%mul3A_10, %dma_start3A_250] : memref<10240x128xf32, #tpu.memory_space<hbm>> -> memref<640x128xf32, #tpu.memory_space<hbm>>
      tpu.enqueue_dma source(%dma_start3A_251 : memref<640x128xf32, #tpu.memory_space<hbm>>) target(%dma_start3A_249 : memref<640x128xf32, #tpu.memory_space<vmem_shared>>) target_semaphore(%run_scoped3A : memref<!tpu.dma_semaphore, #tpu.memory_space<semaphore_mem>>)
      %dma_wait3A_252 = arith.constant 0 : i32
      %dma_wait3A_253 = tpu.memref_slice %arg17[%mul3A_12, %dma_wait3A_252] : memref<10240x128xf32, #tpu.memory_space<vmem_shared>> -> memref<640x128xf32, #tpu.memory_space<vmem_shared>>
      %dma_wait3A_254 = arith.constant 0 : i32
      %dma_wait3A_255 = tpu.memref_slice %arg5[%mul3A_10, %dma_wait3A_254] : memref<10240x128xf32, #tpu.memory_space<hbm>> -> memref<640x128xf32, #tpu.memory_space<hbm>>
      tpu.wait_dma2 semaphore(%run_scoped3A : memref<!tpu.dma_semaphore, #tpu.memory_space<semaphore_mem>>) src(%dma_wait3A_255 : memref<640x128xf32, #tpu.memory_space<hbm>>) dst(%dma_wait3A_253 : memref<640x128xf32, #tpu.memory_space<vmem_shared>>)
      tpu.yield
    }) : () -> ()
    %barrier3A = arith.constant 0 : index
    tpu.barrier barrier_id(%barrier3A)
    %add3A_13 = arith.constant 0 : i32
    %add3A_14 = arith.addi %add3A, %add3A_13 : i32
    %dma_start3A = tpu.memref_slice %arg3[%add3A_14] : memref<327680xi32, #tpu.memory_space<hbm>> -> memref<128xi32, #tpu.memory_space<hbm>>
    %dma_start3A_15 = tpu.memref_slice %arg3[%add3A_14] : memref<327680xi32, #tpu.memory_space<hbm>> -> memref<128xi32, #tpu.memory_space<hbm>>
    tpu.enqueue_dma source(%dma_start3A_15 : memref<128xi32, #tpu.memory_space<hbm>>) target(%arg7 : memref<128xi32, #tpu.memory_space<vmem>>) target_semaphore(%arg18 : memref<!tpu.dma_semaphore, #tpu.memory_space<semaphore_mem>>)
    %add3A_16 = arith.constant 0 : i32
    %add3A_17 = arith.addi %mul3A_8, %add3A_16 : i32
    %dma_start3A_18 = tpu.memref_slice %arg4[%add3A_17] : memref<163840xi32, #tpu.memory_space<hbm>> -> memref<128xi32, #tpu.memory_space<hbm>>
    %dma_start3A_19 = tpu.memref_slice %arg4[%add3A_17] : memref<163840xi32, #tpu.memory_space<hbm>> -> memref<128xi32, #tpu.memory_space<hbm>>
    tpu.enqueue_dma source(%dma_start3A_19 : memref<128xi32, #tpu.memory_space<hbm>>) target(%arg11 : memref<128xi32, #tpu.memory_space<vmem>>) target_semaphore(%arg22 : memref<!tpu.dma_semaphore, #tpu.memory_space<semaphore_mem>>)
    %add3A_20 = arith.constant 128 : i32
    %add3A_21 = arith.addi %add3A, %add3A_20 : i32
    %dma_start3A_22 = tpu.memref_slice %arg3[%add3A_21] : memref<327680xi32, #tpu.memory_space<hbm>> -> memref<128xi32, #tpu.memory_space<hbm>>
    %dma_start3A_23 = tpu.memref_slice %arg3[%add3A_21] : memref<327680xi32, #tpu.memory_space<hbm>> -> memref<128xi32, #tpu.memory_space<hbm>>
    tpu.enqueue_dma source(%dma_start3A_23 : memref<128xi32, #tpu.memory_space<hbm>>) target(%arg8 : memref<128xi32, #tpu.memory_space<vmem>>) target_semaphore(%arg19 : memref<!tpu.dma_semaphore, #tpu.memory_space<semaphore_mem>>)
    %add3A_24 = arith.constant 128 : i32
    %add3A_25 = arith.addi %mul3A_8, %add3A_24 : i32
    %dma_start3A_26 = tpu.memref_slice %arg4[%add3A_25] : memref<163840xi32, #tpu.memory_space<hbm>> -> memref<128xi32, #tpu.memory_space<hbm>>
    %dma_start3A_27 = tpu.memref_slice %arg4[%add3A_25] : memref<163840xi32, #tpu.memory_space<hbm>> -> memref<128xi32, #tpu.memory_space<hbm>>
    tpu.enqueue_dma source(%dma_start3A_27 : memref<128xi32, #tpu.memory_space<hbm>>) target(%arg12 : memref<128xi32, #tpu.memory_space<vmem>>) target_semaphore(%arg23 : memref<!tpu.dma_semaphore, #tpu.memory_space<semaphore_mem>>)
    %add3A_28 = arith.constant 256 : i32
    %add3A_29 = arith.addi %add3A, %add3A_28 : i32
    %dma_start3A_30 = tpu.memref_slice %arg3[%add3A_29] : memref<327680xi32, #tpu.memory_space<hbm>> -> memref<128xi32, #tpu.memory_space<hbm>>
    %dma_start3A_31 = tpu.memref_slice %arg3[%add3A_29] : memref<327680xi32, #tpu.memory_space<hbm>> -> memref<128xi32, #tpu.memory_space<hbm>>
    tpu.enqueue_dma source(%dma_start3A_31 : memref<128xi32, #tpu.memory_space<hbm>>) target(%arg9 : memref<128xi32, #tpu.memory_space<vmem>>) target_semaphore(%arg20 : memref<!tpu.dma_semaphore, #tpu.memory_space<semaphore_mem>>)
    %add3A_32 = arith.constant 256 : i32
    %add3A_33 = arith.addi %mul3A_8, %add3A_32 : i32
    %dma_start3A_34 = tpu.memref_slice %arg4[%add3A_33] : memref<163840xi32, #tpu.memory_space<hbm>> -> memref<128xi32, #tpu.memory_space<hbm>>
    %dma_start3A_35 = tpu.memref_slice %arg4[%add3A_33] : memref<163840xi32, #tpu.memory_space<hbm>> -> memref<128xi32, #tpu.memory_space<hbm>>
    tpu.enqueue_dma source(%dma_start3A_35 : memref<128xi32, #tpu.memory_space<hbm>>) target(%arg13 : memref<128xi32, #tpu.memory_space<vmem>>) target_semaphore(%arg24 : memref<!tpu.dma_semaphore, #tpu.memory_space<semaphore_mem>>)
    %add3A_36 = arith.constant 384 : i32
    %add3A_37 = arith.addi %add3A, %add3A_36 : i32
    %dma_start3A_38 = tpu.memref_slice %arg3[%add3A_37] : memref<327680xi32, #tpu.memory_space<hbm>> -> memref<128xi32, #tpu.memory_space<hbm>>
    %dma_start3A_39 = tpu.memref_slice %arg3[%add3A_37] : memref<327680xi32, #tpu.memory_space<hbm>> -> memref<128xi32, #tpu.memory_space<hbm>>
    tpu.enqueue_dma source(%dma_start3A_39 : memref<128xi32, #tpu.memory_space<hbm>>) target(%arg10 : memref<128xi32, #tpu.memory_space<vmem>>) target_semaphore(%arg21 : memref<!tpu.dma_semaphore, #tpu.memory_space<semaphore_mem>>)
    %add3A_40 = arith.constant 384 : i32
    %add3A_41 = arith.addi %mul3A_8, %add3A_40 : i32
    %dma_start3A_42 = tpu.memref_slice %arg4[%add3A_41] : memref<163840xi32, #tpu.memory_space<hbm>> -> memref<128xi32, #tpu.memory_space<hbm>>
    %dma_start3A_43 = tpu.memref_slice %arg4[%add3A_41] : memref<163840xi32, #tpu.memory_space<hbm>> -> memref<128xi32, #tpu.memory_space<hbm>>
    tpu.enqueue_dma source(%dma_start3A_43 : memref<128xi32, #tpu.memory_space<hbm>>) target(%arg14 : memref<128xi32, #tpu.memory_space<vmem>>) target_semaphore(%arg25 : memref<!tpu.dma_semaphore, #tpu.memory_space<semaphore_mem>>)
    %add3A_44 = arith.constant 0 : i32
    %add3A_45 = arith.addi %add3A, %add3A_44 : i32
    %dma_wait3A = tpu.memref_slice %arg3[%add3A_45] : memref<327680xi32, #tpu.memory_space<hbm>> -> memref<128xi32, #tpu.memory_space<hbm>>
    %dma_wait3A_46 = tpu.memref_slice %arg3[%add3A_45] : memref<327680xi32, #tpu.memory_space<hbm>> -> memref<128xi32, #tpu.memory_space<hbm>>
    tpu.wait_dma2 semaphore(%arg18 : memref<!tpu.dma_semaphore, #tpu.memory_space<semaphore_mem>>) src(%dma_wait3A_46 : memref<128xi32, #tpu.memory_space<hbm>>) dst(%arg7 : memref<128xi32, #tpu.memory_space<vmem>>)
    %dma_start3A_47 = arith.constant 0 : i32
    %dma_start3A_48 = arith.constant 0 : i32
    %dma_start3A_49 = tpu.memref_slice %arg2[%dma_start3A_47, %dma_start3A_48] : memref<20480x128xf32, #tpu.memory_space<hbm>> -> memref<20480x128xf32, #tpu.memory_space<hbm>>
    tpu.enqueue_indirect_dma source(%dma_start3A_49 : memref<20480x128xf32, #tpu.memory_space<hbm>>) target(%arg15 : memref<128x128xf32, #tpu.memory_space<vmem>>) offsets(%arg7 : memref<128xi32, #tpu.memory_space<vmem>>) semaphore(%arg26 : memref<!tpu.dma_semaphore, #tpu.memory_space<semaphore_mem>>)
    %add3A_50 = arith.constant 128 : i32
    %add3A_51 = arith.addi %add3A, %add3A_50 : i32
    %dma_wait3A_52 = tpu.memref_slice %arg3[%add3A_51] : memref<327680xi32, #tpu.memory_space<hbm>> -> memref<128xi32, #tpu.memory_space<hbm>>
    %dma_wait3A_53 = tpu.memref_slice %arg3[%add3A_51] : memref<327680xi32, #tpu.memory_space<hbm>> -> memref<128xi32, #tpu.memory_space<hbm>>
    tpu.wait_dma2 semaphore(%arg19 : memref<!tpu.dma_semaphore, #tpu.memory_space<semaphore_mem>>) src(%dma_wait3A_53 : memref<128xi32, #tpu.memory_space<hbm>>) dst(%arg8 : memref<128xi32, #tpu.memory_space<vmem>>)
    %dma_start3A_54 = arith.constant 0 : i32
    %dma_start3A_55 = arith.constant 0 : i32
    %dma_start3A_56 = tpu.memref_slice %arg2[%dma_start3A_54, %dma_start3A_55] : memref<20480x128xf32, #tpu.memory_space<hbm>> -> memref<20480x128xf32, #tpu.memory_space<hbm>>
    tpu.enqueue_indirect_dma source(%dma_start3A_56 : memref<20480x128xf32, #tpu.memory_space<hbm>>) target(%arg16 : memref<128x128xf32, #tpu.memory_space<vmem>>) offsets(%arg8 : memref<128xi32, #tpu.memory_space<vmem>>) semaphore(%arg27 : memref<!tpu.dma_semaphore, #tpu.memory_space<semaphore_mem>>)
    %dma_wait3A_57 = arith.constant 0 : i32
    %dma_wait3A_58 = arith.constant 0 : i32
    %dma_wait3A_59 = tpu.memref_slice %arg2[%dma_wait3A_57, %dma_wait3A_58] : memref<20480x128xf32, #tpu.memory_space<hbm>> -> memref<20480x128xf32, #tpu.memory_space<hbm>>
    tpu.wait_indirect_dma semaphore(%arg26 : memref<!tpu.dma_semaphore, #tpu.memory_space<semaphore_mem>>) src(%dma_wait3A_59 : memref<20480x128xf32, #tpu.memory_space<hbm>>) dst(%arg15 : memref<128x128xf32, #tpu.memory_space<vmem>>)
    %add3A_60 = arith.constant 512 : i32
    %add3A_61 = arith.addi %add3A, %add3A_60 : i32
    %dma_start3A_62 = tpu.memref_slice %arg3[%add3A_61] : memref<327680xi32, #tpu.memory_space<hbm>> -> memref<128xi32, #tpu.memory_space<hbm>>
    %dma_start3A_63 = tpu.memref_slice %arg3[%add3A_61] : memref<327680xi32, #tpu.memory_space<hbm>> -> memref<128xi32, #tpu.memory_space<hbm>>
    tpu.enqueue_dma source(%dma_start3A_63 : memref<128xi32, #tpu.memory_space<hbm>>) target(%arg7 : memref<128xi32, #tpu.memory_space<vmem>>) target_semaphore(%arg18 : memref<!tpu.dma_semaphore, #tpu.memory_space<semaphore_mem>>)
    %add3A_64 = arith.constant 0 : i32
    %add3A_65 = arith.addi %mul3A_8, %add3A_64 : i32
    %dma_wait3A_66 = tpu.memref_slice %arg4[%add3A_65] : memref<163840xi32, #tpu.memory_space<hbm>> -> memref<128xi32, #tpu.memory_space<hbm>>
    %dma_wait3A_67 = tpu.memref_slice %arg4[%add3A_65] : memref<163840xi32, #tpu.memory_space<hbm>> -> memref<128xi32, #tpu.memory_space<hbm>>
    tpu.wait_dma2 semaphore(%arg22 : memref<!tpu.dma_semaphore, #tpu.memory_space<semaphore_mem>>) src(%dma_wait3A_67 : memref<128xi32, #tpu.memory_space<hbm>>) dst(%arg11 : memref<128xi32, #tpu.memory_space<vmem>>)
    %dma_start3A_68 = arith.constant 0 : i32
    %dma_start3A_69 = arith.constant 0 : i32
    %dma_start3A_70 = tpu.memref_slice %arg17[%dma_start3A_68, %dma_start3A_69] : memref<10240x128xf32, #tpu.memory_space<vmem_shared>> -> memref<10240x128xf32, #tpu.memory_space<vmem_shared>>
    tpu.enqueue_indirect_dma source(%arg15 : memref<128x128xf32, #tpu.memory_space<vmem>>) target(%dma_start3A_70 : memref<10240x128xf32, #tpu.memory_space<vmem_shared>>) offsets(%arg11 : memref<128xi32, #tpu.memory_space<vmem>>) semaphore(%arg28 : memref<!tpu.dma_semaphore, #tpu.memory_space<semaphore_mem>>) {add = true}
    %add3A_71 = arith.constant 256 : i32
    %add3A_72 = arith.addi %add3A, %add3A_71 : i32
    %dma_wait3A_73 = tpu.memref_slice %arg3[%add3A_72] : memref<327680xi32, #tpu.memory_space<hbm>> -> memref<128xi32, #tpu.memory_space<hbm>>
    %dma_wait3A_74 = tpu.memref_slice %arg3[%add3A_72] : memref<327680xi32, #tpu.memory_space<hbm>> -> memref<128xi32, #tpu.memory_space<hbm>>
    tpu.wait_dma2 semaphore(%arg20 : memref<!tpu.dma_semaphore, #tpu.memory_space<semaphore_mem>>) src(%dma_wait3A_74 : memref<128xi32, #tpu.memory_space<hbm>>) dst(%arg9 : memref<128xi32, #tpu.memory_space<vmem>>)
    %dma_wait3A_75 = arith.constant 0 : i32
    %dma_wait3A_76 = arith.constant 0 : i32
    %dma_wait3A_77 = tpu.memref_slice %arg17[%dma_wait3A_75, %dma_wait3A_76] : memref<10240x128xf32, #tpu.memory_space<vmem_shared>> -> memref<10240x128xf32, #tpu.memory_space<vmem_shared>>
    tpu.wait_indirect_dma semaphore(%arg28 : memref<!tpu.dma_semaphore, #tpu.memory_space<semaphore_mem>>) src(%arg15 : memref<128x128xf32, #tpu.memory_space<vmem>>) dst(%dma_wait3A_77 : memref<10240x128xf32, #tpu.memory_space<vmem_shared>>)
    %add3A_78 = arith.constant 512 : i32
    %add3A_79 = arith.addi %mul3A_8, %add3A_78 : i32
    %dma_start3A_80 = tpu.memref_slice %arg4[%add3A_79] : memref<163840xi32, #tpu.memory_space<hbm>> -> memref<128xi32, #tpu.memory_space<hbm>>
    %dma_start3A_81 = tpu.memref_slice %arg4[%add3A_79] : memref<163840xi32, #tpu.memory_space<hbm>> -> memref<128xi32, #tpu.memory_space<hbm>>
    tpu.enqueue_dma source(%dma_start3A_81 : memref<128xi32, #tpu.memory_space<hbm>>) target(%arg11 : memref<128xi32, #tpu.memory_space<vmem>>) target_semaphore(%arg22 : memref<!tpu.dma_semaphore, #tpu.memory_space<semaphore_mem>>)
    %dma_start3A_82 = arith.constant 0 : i32
    %dma_start3A_83 = arith.constant 0 : i32
    %dma_start3A_84 = tpu.memref_slice %arg2[%dma_start3A_82, %dma_start3A_83] : memref<20480x128xf32, #tpu.memory_space<hbm>> -> memref<20480x128xf32, #tpu.memory_space<hbm>>
    tpu.enqueue_indirect_dma source(%dma_start3A_84 : memref<20480x128xf32, #tpu.memory_space<hbm>>) target(%arg15 : memref<128x128xf32, #tpu.memory_space<vmem>>) offsets(%arg9 : memref<128xi32, #tpu.memory_space<vmem>>) semaphore(%arg26 : memref<!tpu.dma_semaphore, #tpu.memory_space<semaphore_mem>>)
    %dma_wait3A_85 = arith.constant 0 : i32
    %dma_wait3A_86 = arith.constant 0 : i32
    %dma_wait3A_87 = tpu.memref_slice %arg2[%dma_wait3A_85, %dma_wait3A_86] : memref<20480x128xf32, #tpu.memory_space<hbm>> -> memref<20480x128xf32, #tpu.memory_space<hbm>>
    tpu.wait_indirect_dma semaphore(%arg27 : memref<!tpu.dma_semaphore, #tpu.memory_space<semaphore_mem>>) src(%dma_wait3A_87 : memref<20480x128xf32, #tpu.memory_space<hbm>>) dst(%arg16 : memref<128x128xf32, #tpu.memory_space<vmem>>)
    %add3A_88 = arith.constant 640 : i32
    %add3A_89 = arith.addi %add3A, %add3A_88 : i32
    %dma_start3A_90 = tpu.memref_slice %arg3[%add3A_89] : memref<327680xi32, #tpu.memory_space<hbm>> -> memref<128xi32, #tpu.memory_space<hbm>>
    %dma_start3A_91 = tpu.memref_slice %arg3[%add3A_89] : memref<327680xi32, #tpu.memory_space<hbm>> -> memref<128xi32, #tpu.memory_space<hbm>>
    tpu.enqueue_dma source(%dma_start3A_91 : memref<128xi32, #tpu.memory_space<hbm>>) target(%arg8 : memref<128xi32, #tpu.memory_space<vmem>>) target_semaphore(%arg19 : memref<!tpu.dma_semaphore, #tpu.memory_space<semaphore_mem>>)
    %add3A_92 = arith.constant 128 : i32
    %add3A_93 = arith.addi %mul3A_8, %add3A_92 : i32
    %dma_wait3A_94 = tpu.memref_slice %arg4[%add3A_93] : memref<163840xi32, #tpu.memory_space<hbm>> -> memref<128xi32, #tpu.memory_space<hbm>>
    %dma_wait3A_95 = tpu.memref_slice %arg4[%add3A_93] : memref<163840xi32, #tpu.memory_space<hbm>> -> memref<128xi32, #tpu.memory_space<hbm>>
    tpu.wait_dma2 semaphore(%arg23 : memref<!tpu.dma_semaphore, #tpu.memory_space<semaphore_mem>>) src(%dma_wait3A_95 : memref<128xi32, #tpu.memory_space<hbm>>) dst(%arg12 : memref<128xi32, #tpu.memory_space<vmem>>)
    %dma_start3A_96 = arith.constant 0 : i32
    %dma_start3A_97 = arith.constant 0 : i32
    %dma_start3A_98 = tpu.memref_slice %arg17[%dma_start3A_96, %dma_start3A_97] : memref<10240x128xf32, #tpu.memory_space<vmem_shared>> -> memref<10240x128xf32, #tpu.memory_space<vmem_shared>>
    tpu.enqueue_indirect_dma source(%arg16 : memref<128x128xf32, #tpu.memory_space<vmem>>) target(%dma_start3A_98 : memref<10240x128xf32, #tpu.memory_space<vmem_shared>>) offsets(%arg12 : memref<128xi32, #tpu.memory_space<vmem>>) semaphore(%arg29 : memref<!tpu.dma_semaphore, #tpu.memory_space<semaphore_mem>>) {add = true}
    %add3A_99 = arith.constant 384 : i32
    %add3A_100 = arith.addi %add3A, %add3A_99 : i32
    %dma_wait3A_101 = tpu.memref_slice %arg3[%add3A_100] : memref<327680xi32, #tpu.memory_space<hbm>> -> memref<128xi32, #tpu.memory_space<hbm>>
    %dma_wait3A_102 = tpu.memref_slice %arg3[%add3A_100] : memref<327680xi32, #tpu.memory_space<hbm>> -> memref<128xi32, #tpu.memory_space<hbm>>
    tpu.wait_dma2 semaphore(%arg21 : memref<!tpu.dma_semaphore, #tpu.memory_space<semaphore_mem>>) src(%dma_wait3A_102 : memref<128xi32, #tpu.memory_space<hbm>>) dst(%arg10 : memref<128xi32, #tpu.memory_space<vmem>>)
    %dma_wait3A_103 = arith.constant 0 : i32
    %dma_wait3A_104 = arith.constant 0 : i32
    %dma_wait3A_105 = tpu.memref_slice %arg17[%dma_wait3A_103, %dma_wait3A_104] : memref<10240x128xf32, #tpu.memory_space<vmem_shared>> -> memref<10240x128xf32, #tpu.memory_space<vmem_shared>>
    tpu.wait_indirect_dma semaphore(%arg29 : memref<!tpu.dma_semaphore, #tpu.memory_space<semaphore_mem>>) src(%arg16 : memref<128x128xf32, #tpu.memory_space<vmem>>) dst(%dma_wait3A_105 : memref<10240x128xf32, #tpu.memory_space<vmem_shared>>)
    %add3A_106 = arith.constant 640 : i32
    %add3A_107 = arith.addi %mul3A_8, %add3A_106 : i32
    %dma_start3A_108 = tpu.memref_slice %arg4[%add3A_107] : memref<163840xi32, #tpu.memory_space<hbm>> -> memref<128xi32, #tpu.memory_space<hbm>>
    %dma_start3A_109 = tpu.memref_slice %arg4[%add3A_107] : memref<163840xi32, #tpu.memory_space<hbm>> -> memref<128xi32, #tpu.memory_space<hbm>>
    tpu.enqueue_dma source(%dma_start3A_109 : memref<128xi32, #tpu.memory_space<hbm>>) target(%arg12 : memref<128xi32, #tpu.memory_space<vmem>>) target_semaphore(%arg23 : memref<!tpu.dma_semaphore, #tpu.memory_space<semaphore_mem>>)
    %dma_start3A_110 = arith.constant 0 : i32
    %dma_start3A_111 = arith.constant 0 : i32
    %dma_start3A_112 = tpu.memref_slice %arg2[%dma_start3A_110, %dma_start3A_111] : memref<20480x128xf32, #tpu.memory_space<hbm>> -> memref<20480x128xf32, #tpu.memory_space<hbm>>
    tpu.enqueue_indirect_dma source(%dma_start3A_112 : memref<20480x128xf32, #tpu.memory_space<hbm>>) target(%arg16 : memref<128x128xf32, #tpu.memory_space<vmem>>) offsets(%arg10 : memref<128xi32, #tpu.memory_space<vmem>>) semaphore(%arg27 : memref<!tpu.dma_semaphore, #tpu.memory_space<semaphore_mem>>)
    %dma_wait3A_113 = arith.constant 0 : i32
    %dma_wait3A_114 = arith.constant 0 : i32
    %dma_wait3A_115 = tpu.memref_slice %arg2[%dma_wait3A_113, %dma_wait3A_114] : memref<20480x128xf32, #tpu.memory_space<hbm>> -> memref<20480x128xf32, #tpu.memory_space<hbm>>
    tpu.wait_indirect_dma semaphore(%arg26 : memref<!tpu.dma_semaphore, #tpu.memory_space<semaphore_mem>>) src(%dma_wait3A_115 : memref<20480x128xf32, #tpu.memory_space<hbm>>) dst(%arg15 : memref<128x128xf32, #tpu.memory_space<vmem>>)
    %add3A_116 = arith.constant 768 : i32
    %add3A_117 = arith.addi %add3A, %add3A_116 : i32
    %dma_start3A_118 = tpu.memref_slice %arg3[%add3A_117] : memref<327680xi32, #tpu.memory_space<hbm>> -> memref<128xi32, #tpu.memory_space<hbm>>
    %dma_start3A_119 = tpu.memref_slice %arg3[%add3A_117] : memref<327680xi32, #tpu.memory_space<hbm>> -> memref<128xi32, #tpu.memory_space<hbm>>
    tpu.enqueue_dma source(%dma_start3A_119 : memref<128xi32, #tpu.memory_space<hbm>>) target(%arg9 : memref<128xi32, #tpu.memory_space<vmem>>) target_semaphore(%arg20 : memref<!tpu.dma_semaphore, #tpu.memory_space<semaphore_mem>>)
    %add3A_120 = arith.constant 256 : i32
    %add3A_121 = arith.addi %mul3A_8, %add3A_120 : i32
    %dma_wait3A_122 = tpu.memref_slice %arg4[%add3A_121] : memref<163840xi32, #tpu.memory_space<hbm>> -> memref<128xi32, #tpu.memory_space<hbm>>
    %dma_wait3A_123 = tpu.memref_slice %arg4[%add3A_121] : memref<163840xi32, #tpu.memory_space<hbm>> -> memref<128xi32, #tpu.memory_space<hbm>>
    tpu.wait_dma2 semaphore(%arg24 : memref<!tpu.dma_semaphore, #tpu.memory_space<semaphore_mem>>) src(%dma_wait3A_123 : memref<128xi32, #tpu.memory_space<hbm>>) dst(%arg13 : memref<128xi32, #tpu.memory_space<vmem>>)
    %dma_start3A_124 = arith.constant 0 : i32
    %dma_start3A_125 = arith.constant 0 : i32
    %dma_start3A_126 = tpu.memref_slice %arg17[%dma_start3A_124, %dma_start3A_125] : memref<10240x128xf32, #tpu.memory_space<vmem_shared>> -> memref<10240x128xf32, #tpu.memory_space<vmem_shared>>
    tpu.enqueue_indirect_dma source(%arg15 : memref<128x128xf32, #tpu.memory_space<vmem>>) target(%dma_start3A_126 : memref<10240x128xf32, #tpu.memory_space<vmem_shared>>) offsets(%arg13 : memref<128xi32, #tpu.memory_space<vmem>>) semaphore(%arg28 : memref<!tpu.dma_semaphore, #tpu.memory_space<semaphore_mem>>) {add = true}
    %add3A_127 = arith.constant 512 : i32
    %add3A_128 = arith.addi %add3A, %add3A_127 : i32
    %dma_wait3A_129 = tpu.memref_slice %arg3[%add3A_128] : memref<327680xi32, #tpu.memory_space<hbm>> -> memref<128xi32, #tpu.memory_space<hbm>>
    %dma_wait3A_130 = tpu.memref_slice %arg3[%add3A_128] : memref<327680xi32, #tpu.memory_space<hbm>> -> memref<128xi32, #tpu.memory_space<hbm>>
    tpu.wait_dma2 semaphore(%arg18 : memref<!tpu.dma_semaphore, #tpu.memory_space<semaphore_mem>>) src(%dma_wait3A_130 : memref<128xi32, #tpu.memory_space<hbm>>) dst(%arg7 : memref<128xi32, #tpu.memory_space<vmem>>)
    %dma_wait3A_131 = arith.constant 0 : i32
    %dma_wait3A_132 = arith.constant 0 : i32
    %dma_wait3A_133 = tpu.memref_slice %arg17[%dma_wait3A_131, %dma_wait3A_132] : memref<10240x128xf32, #tpu.memory_space<vmem_shared>> -> memref<10240x128xf32, #tpu.memory_space<vmem_shared>>
    tpu.wait_indirect_dma semaphore(%arg28 : memref<!tpu.dma_semaphore, #tpu.memory_space<semaphore_mem>>) src(%arg15 : memref<128x128xf32, #tpu.memory_space<vmem>>) dst(%dma_wait3A_133 : memref<10240x128xf32, #tpu.memory_space<vmem_shared>>)
    %add3A_134 = arith.constant 768 : i32
    %add3A_135 = arith.addi %mul3A_8, %add3A_134 : i32
    %dma_start3A_136 = tpu.memref_slice %arg4[%add3A_135] : memref<163840xi32, #tpu.memory_space<hbm>> -> memref<128xi32, #tpu.memory_space<hbm>>
    %dma_start3A_137 = tpu.memref_slice %arg4[%add3A_135] : memref<163840xi32, #tpu.memory_space<hbm>> -> memref<128xi32, #tpu.memory_space<hbm>>
    tpu.enqueue_dma source(%dma_start3A_137 : memref<128xi32, #tpu.memory_space<hbm>>) target(%arg13 : memref<128xi32, #tpu.memory_space<vmem>>) target_semaphore(%arg24 : memref<!tpu.dma_semaphore, #tpu.memory_space<semaphore_mem>>)
    %dma_start3A_138 = arith.constant 0 : i32
    %dma_start3A_139 = arith.constant 0 : i32
    %dma_start3A_140 = tpu.memref_slice %arg2[%dma_start3A_138, %dma_start3A_139] : memref<20480x128xf32, #tpu.memory_space<hbm>> -> memref<20480x128xf32, #tpu.memory_space<hbm>>
    tpu.enqueue_indirect_dma source(%dma_start3A_140 : memref<20480x128xf32, #tpu.memory_space<hbm>>) target(%arg15 : memref<128x128xf32, #tpu.memory_space<vmem>>) offsets(%arg7 : memref<128xi32, #tpu.memory_space<vmem>>) semaphore(%arg26 : memref<!tpu.dma_semaphore, #tpu.memory_space<semaphore_mem>>)
    %dma_wait3A_141 = arith.constant 0 : i32
    %dma_wait3A_142 = arith.constant 0 : i32
    %dma_wait3A_143 = tpu.memref_slice %arg2[%dma_wait3A_141, %dma_wait3A_142] : memref<20480x128xf32, #tpu.memory_space<hbm>> -> memref<20480x128xf32, #tpu.memory_space<hbm>>
    tpu.wait_indirect_dma semaphore(%arg27 : memref<!tpu.dma_semaphore, #tpu.memory_space<semaphore_mem>>) src(%dma_wait3A_143 : memref<20480x128xf32, #tpu.memory_space<hbm>>) dst(%arg16 : memref<128x128xf32, #tpu.memory_space<vmem>>)
    %add3A_144 = arith.constant 896 : i32
    %add3A_145 = arith.addi %add3A, %add3A_144 : i32
    %dma_start3A_146 = tpu.memref_slice %arg3[%add3A_145] : memref<327680xi32, #tpu.memory_space<hbm>> -> memref<128xi32, #tpu.memory_space<hbm>>
    %dma_start3A_147 = tpu.memref_slice %arg3[%add3A_145] : memref<327680xi32, #tpu.memory_space<hbm>> -> memref<128xi32, #tpu.memory_space<hbm>>
    tpu.enqueue_dma source(%dma_start3A_147 : memref<128xi32, #tpu.memory_space<hbm>>) target(%arg10 : memref<128xi32, #tpu.memory_space<vmem>>) target_semaphore(%arg21 : memref<!tpu.dma_semaphore, #tpu.memory_space<semaphore_mem>>)
    %add3A_148 = arith.constant 384 : i32
    %add3A_149 = arith.addi %mul3A_8, %add3A_148 : i32
    %dma_wait3A_150 = tpu.memref_slice %arg4[%add3A_149] : memref<163840xi32, #tpu.memory_space<hbm>> -> memref<128xi32, #tpu.memory_space<hbm>>
    %dma_wait3A_151 = tpu.memref_slice %arg4[%add3A_149] : memref<163840xi32, #tpu.memory_space<hbm>> -> memref<128xi32, #tpu.memory_space<hbm>>
    tpu.wait_dma2 semaphore(%arg25 : memref<!tpu.dma_semaphore, #tpu.memory_space<semaphore_mem>>) src(%dma_wait3A_151 : memref<128xi32, #tpu.memory_space<hbm>>) dst(%arg14 : memref<128xi32, #tpu.memory_space<vmem>>)
    %dma_start3A_152 = arith.constant 0 : i32
    %dma_start3A_153 = arith.constant 0 : i32
    %dma_start3A_154 = tpu.memref_slice %arg17[%dma_start3A_152, %dma_start3A_153] : memref<10240x128xf32, #tpu.memory_space<vmem_shared>> -> memref<10240x128xf32, #tpu.memory_space<vmem_shared>>
    tpu.enqueue_indirect_dma source(%arg16 : memref<128x128xf32, #tpu.memory_space<vmem>>) target(%dma_start3A_154 : memref<10240x128xf32, #tpu.memory_space<vmem_shared>>) offsets(%arg14 : memref<128xi32, #tpu.memory_space<vmem>>) semaphore(%arg29 : memref<!tpu.dma_semaphore, #tpu.memory_space<semaphore_mem>>) {add = true}
    %scan3A = arith.constant 0 : i32
    %scan3A_155 = arith.constant 1 : i32
    %scan3A_156 = arith.constant 18 : i32
    %scan3A_157 = arith.addi %scan3A_155, %scan3A_156 : i32
    %scan3A_158 = arith.constant 1 : i32
    scf.for %scan3A_248 = %scan3A_155 to %scan3A_157 step %scan3A_158  : i32 {
      %mul3A_249 = arith.constant 4 : i32
      %mul3A_250 = arith.muli %mul3A_249, %scan3A_248 : i32
      %add3A_251 = arith.constant 0 : i32
      %add3A_252 = arith.addi %mul3A_250, %add3A_251 : i32
      %add3A_253 = arith.constant 1 : i32
      %add3A_254 = arith.addi %add3A_252, %add3A_253 : i32
      %mul3A_255 = arith.constant 128 : i32
      %mul3A_256 = arith.muli %add3A_254, %mul3A_255 : i32
      %add3A_257 = arith.addi %add3A, %mul3A_256 : i32
      %dma_wait3A_258 = tpu.memref_slice %arg3[%add3A_257] : memref<327680xi32, #tpu.memory_space<hbm>> -> memref<128xi32, #tpu.memory_space<hbm>>
      %dma_wait3A_259 = tpu.memref_slice %arg3[%add3A_257] : memref<327680xi32, #tpu.memory_space<hbm>> -> memref<128xi32, #tpu.memory_space<hbm>>
      tpu.wait_dma2 semaphore(%arg19 : memref<!tpu.dma_semaphore, #tpu.memory_space<semaphore_mem>>) src(%dma_wait3A_259 : memref<128xi32, #tpu.memory_space<hbm>>) dst(%arg8 : memref<128xi32, #tpu.memory_space<vmem>>)
      %dma_wait3A_260 = arith.constant 0 : i32
      %dma_wait3A_261 = arith.constant 0 : i32
      %dma_wait3A_262 = tpu.memref_slice %arg17[%dma_wait3A_260, %dma_wait3A_261] : memref<10240x128xf32, #tpu.memory_space<vmem_shared>> -> memref<10240x128xf32, #tpu.memory_space<vmem_shared>>
      tpu.wait_indirect_dma semaphore(%arg29 : memref<!tpu.dma_semaphore, #tpu.memory_space<semaphore_mem>>) src(%arg16 : memref<128x128xf32, #tpu.memory_space<vmem>>) dst(%dma_wait3A_262 : memref<10240x128xf32, #tpu.memory_space<vmem_shared>>)
      %add3A_263 = arith.constant 3 : i32
      %add3A_264 = arith.addi %add3A_252, %add3A_263 : i32
      %mul3A_265 = arith.constant 128 : i32
      %mul3A_266 = arith.muli %add3A_264, %mul3A_265 : i32
      %add3A_267 = arith.addi %mul3A_8, %mul3A_266 : i32
      %dma_start3A_268 = tpu.memref_slice %arg4[%add3A_267] : memref<163840xi32, #tpu.memory_space<hbm>> -> memref<128xi32, #tpu.memory_space<hbm>>
      %dma_start3A_269 = tpu.memref_slice %arg4[%add3A_267] : memref<163840xi32, #tpu.memory_space<hbm>> -> memref<128xi32, #tpu.memory_space<hbm>>
      tpu.enqueue_dma source(%dma_start3A_269 : memref<128xi32, #tpu.memory_space<hbm>>) target(%arg14 : memref<128xi32, #tpu.memory_space<vmem>>) target_semaphore(%arg25 : memref<!tpu.dma_semaphore, #tpu.memory_space<semaphore_mem>>)
      %dma_start3A_270 = arith.constant 0 : i32
      %dma_start3A_271 = arith.constant 0 : i32
      %dma_start3A_272 = tpu.memref_slice %arg2[%dma_start3A_270, %dma_start3A_271] : memref<20480x128xf32, #tpu.memory_space<hbm>> -> memref<20480x128xf32, #tpu.memory_space<hbm>>
      tpu.enqueue_indirect_dma source(%dma_start3A_272 : memref<20480x128xf32, #tpu.memory_space<hbm>>) target(%arg16 : memref<128x128xf32, #tpu.memory_space<vmem>>) offsets(%arg8 : memref<128xi32, #tpu.memory_space<vmem>>) semaphore(%arg27 : memref<!tpu.dma_semaphore, #tpu.memory_space<semaphore_mem>>)
      %dma_wait3A_273 = arith.constant 0 : i32
      %dma_wait3A_274 = arith.constant 0 : i32
      %dma_wait3A_275 = tpu.memref_slice %arg2[%dma_wait3A_273, %dma_wait3A_274] : memref<20480x128xf32, #tpu.memory_space<hbm>> -> memref<20480x128xf32, #tpu.memory_space<hbm>>
      tpu.wait_indirect_dma semaphore(%arg26 : memref<!tpu.dma_semaphore, #tpu.memory_space<semaphore_mem>>) src(%dma_wait3A_275 : memref<20480x128xf32, #tpu.memory_space<hbm>>) dst(%arg15 : memref<128x128xf32, #tpu.memory_space<vmem>>)
      %add3A_276 = arith.constant 4 : i32
      %add3A_277 = arith.addi %add3A_252, %add3A_276 : i32
      %mul3A_278 = arith.constant 128 : i32
      %mul3A_279 = arith.muli %add3A_277, %mul3A_278 : i32
      %add3A_280 = arith.addi %add3A, %mul3A_279 : i32
      %dma_start3A_281 = tpu.memref_slice %arg3[%add3A_280] : memref<327680xi32, #tpu.memory_space<hbm>> -> memref<128xi32, #tpu.memory_space<hbm>>
      %dma_start3A_282 = tpu.memref_slice %arg3[%add3A_280] : memref<327680xi32, #tpu.memory_space<hbm>> -> memref<128xi32, #tpu.memory_space<hbm>>
      tpu.enqueue_dma source(%dma_start3A_282 : memref<128xi32, #tpu.memory_space<hbm>>) target(%arg7 : memref<128xi32, #tpu.memory_space<vmem>>) target_semaphore(%arg18 : memref<!tpu.dma_semaphore, #tpu.memory_space<semaphore_mem>>)
      %mul3A_283 = arith.constant 128 : i32
      %mul3A_284 = arith.muli %add3A_252, %mul3A_283 : i32
      %add3A_285 = arith.addi %mul3A_8, %mul3A_284 : i32
      %dma_wait3A_286 = tpu.memref_slice %arg4[%add3A_285] : memref<163840xi32, #tpu.memory_space<hbm>> -> memref<128xi32, #tpu.memory_space<hbm>>
      %dma_wait3A_287 = tpu.memref_slice %arg4[%add3A_285] : memref<163840xi32, #tpu.memory_space<hbm>> -> memref<128xi32, #tpu.memory_space<hbm>>
      tpu.wait_dma2 semaphore(%arg22 : memref<!tpu.dma_semaphore, #tpu.memory_space<semaphore_mem>>) src(%dma_wait3A_287 : memref<128xi32, #tpu.memory_space<hbm>>) dst(%arg11 : memref<128xi32, #tpu.memory_space<vmem>>)
      %dma_start3A_288 = arith.constant 0 : i32
      %dma_start3A_289 = arith.constant 0 : i32
      %dma_start3A_290 = tpu.memref_slice %arg17[%dma_start3A_288, %dma_start3A_289] : memref<10240x128xf32, #tpu.memory_space<vmem_shared>> -> memref<10240x128xf32, #tpu.memory_space<vmem_shared>>
      tpu.enqueue_indirect_dma source(%arg15 : memref<128x128xf32, #tpu.memory_space<vmem>>) target(%dma_start3A_290 : memref<10240x128xf32, #tpu.memory_space<vmem_shared>>) offsets(%arg11 : memref<128xi32, #tpu.memory_space<vmem>>) semaphore(%arg28 : memref<!tpu.dma_semaphore, #tpu.memory_space<semaphore_mem>>) {add = true}
      %add3A_291 = arith.constant 1 : i32
      %add3A_292 = arith.addi %mul3A_250, %add3A_291 : i32
      %add3A_293 = arith.constant 1 : i32
      %add3A_294 = arith.addi %add3A_292, %add3A_293 : i32
      %mul3A_295 = arith.constant 128 : i32
      %mul3A_296 = arith.muli %add3A_294, %mul3A_295 : i32
      %add3A_297 = arith.addi %add3A, %mul3A_296 : i32
      %dma_wait3A_298 = tpu.memref_slice %arg3[%add3A_297] : memref<327680xi32, #tpu.memory_space<hbm>> -> memref<128xi32, #tpu.memory_space<hbm>>
      %dma_wait3A_299 = tpu.memref_slice %arg3[%add3A_297] : memref<327680xi32, #tpu.memory_space<hbm>> -> memref<128xi32, #tpu.memory_space<hbm>>
      tpu.wait_dma2 semaphore(%arg20 : memref<!tpu.dma_semaphore, #tpu.memory_space<semaphore_mem>>) src(%dma_wait3A_299 : memref<128xi32, #tpu.memory_space<hbm>>) dst(%arg9 : memref<128xi32, #tpu.memory_space<vmem>>)
      %dma_wait3A_300 = arith.constant 0 : i32
      %dma_wait3A_301 = arith.constant 0 : i32
      %dma_wait3A_302 = tpu.memref_slice %arg17[%dma_wait3A_300, %dma_wait3A_301] : memref<10240x128xf32, #tpu.memory_space<vmem_shared>> -> memref<10240x128xf32, #tpu.memory_space<vmem_shared>>
      tpu.wait_indirect_dma semaphore(%arg28 : memref<!tpu.dma_semaphore, #tpu.memory_space<semaphore_mem>>) src(%arg15 : memref<128x128xf32, #tpu.memory_space<vmem>>) dst(%dma_wait3A_302 : memref<10240x128xf32, #tpu.memory_space<vmem_shared>>)
      %add3A_303 = arith.constant 3 : i32
      %add3A_304 = arith.addi %add3A_292, %add3A_303 : i32
      %mul3A_305 = arith.constant 128 : i32
      %mul3A_306 = arith.muli %add3A_304, %mul3A_305 : i32
      %add3A_307 = arith.addi %mul3A_8, %mul3A_306 : i32
      %dma_start3A_308 = tpu.memref_slice %arg4[%add3A_307] : memref<163840xi32, #tpu.memory_space<hbm>> -> memref<128xi32, #tpu.memory_space<hbm>>
      %dma_start3A_309 = tpu.memref_slice %arg4[%add3A_307] : memref<163840xi32, #tpu.memory_space<hbm>> -> memref<128xi32, #tpu.memory_space<hbm>>
      tpu.enqueue_dma source(%dma_start3A_309 : memref<128xi32, #tpu.memory_space<hbm>>) target(%arg11 : memref<128xi32, #tpu.memory_space<vmem>>) target_semaphore(%arg22 : memref<!tpu.dma_semaphore, #tpu.memory_space<semaphore_mem>>)
      %dma_start3A_310 = arith.constant 0 : i32
      %dma_start3A_311 = arith.constant 0 : i32
      %dma_start3A_312 = tpu.memref_slice %arg2[%dma_start3A_310, %dma_start3A_311] : memref<20480x128xf32, #tpu.memory_space<hbm>> -> memref<20480x128xf32, #tpu.memory_space<hbm>>
      tpu.enqueue_indirect_dma source(%dma_start3A_312 : memref<20480x128xf32, #tpu.memory_space<hbm>>) target(%arg15 : memref<128x128xf32, #tpu.memory_space<vmem>>) offsets(%arg9 : memref<128xi32, #tpu.memory_space<vmem>>) semaphore(%arg26 : memref<!tpu.dma_semaphore, #tpu.memory_space<semaphore_mem>>)
      %dma_wait3A_313 = arith.constant 0 : i32
      %dma_wait3A_314 = arith.constant 0 : i32
      %dma_wait3A_315 = tpu.memref_slice %arg2[%dma_wait3A_313, %dma_wait3A_314] : memref<20480x128xf32, #tpu.memory_space<hbm>> -> memref<20480x128xf32, #tpu.memory_space<hbm>>
      tpu.wait_indirect_dma semaphore(%arg27 : memref<!tpu.dma_semaphore, #tpu.memory_space<semaphore_mem>>) src(%dma_wait3A_315 : memref<20480x128xf32, #tpu.memory_space<hbm>>) dst(%arg16 : memref<128x128xf32, #tpu.memory_space<vmem>>)
      %add3A_316 = arith.constant 4 : i32
      %add3A_317 = arith.addi %add3A_292, %add3A_316 : i32
      %mul3A_318 = arith.constant 128 : i32
      %mul3A_319 = arith.muli %add3A_317, %mul3A_318 : i32
      %add3A_320 = arith.addi %add3A, %mul3A_319 : i32
      %dma_start3A_321 = tpu.memref_slice %arg3[%add3A_320] : memref<327680xi32, #tpu.memory_space<hbm>> -> memref<128xi32, #tpu.memory_space<hbm>>
      %dma_start3A_322 = tpu.memref_slice %arg3[%add3A_320] : memref<327680xi32, #tpu.memory_space<hbm>> -> memref<128xi32, #tpu.memory_space<hbm>>
      tpu.enqueue_dma source(%dma_start3A_322 : memref<128xi32, #tpu.memory_space<hbm>>) target(%arg8 : memref<128xi32, #tpu.memory_space<vmem>>) target_semaphore(%arg19 : memref<!tpu.dma_semaphore, #tpu.memory_space<semaphore_mem>>)
      %mul3A_323 = arith.constant 128 : i32
      %mul3A_324 = arith.muli %add3A_292, %mul3A_323 : i32
      %add3A_325 = arith.addi %mul3A_8, %mul3A_324 : i32
      %dma_wait3A_326 = tpu.memref_slice %arg4[%add3A_325] : memref<163840xi32, #tpu.memory_space<hbm>> -> memref<128xi32, #tpu.memory_space<hbm>>
      %dma_wait3A_327 = tpu.memref_slice %arg4[%add3A_325] : memref<163840xi32, #tpu.memory_space<hbm>> -> memref<128xi32, #tpu.memory_space<hbm>>
      tpu.wait_dma2 semaphore(%arg23 : memref<!tpu.dma_semaphore, #tpu.memory_space<semaphore_mem>>) src(%dma_wait3A_327 : memref<128xi32, #tpu.memory_space<hbm>>) dst(%arg12 : memref<128xi32, #tpu.memory_space<vmem>>)
      %dma_start3A_328 = arith.constant 0 : i32
      %dma_start3A_329 = arith.constant 0 : i32
      %dma_start3A_330 = tpu.memref_slice %arg17[%dma_start3A_328, %dma_start3A_329] : memref<10240x128xf32, #tpu.memory_space<vmem_shared>> -> memref<10240x128xf32, #tpu.memory_space<vmem_shared>>
      tpu.enqueue_indirect_dma source(%arg16 : memref<128x128xf32, #tpu.memory_space<vmem>>) target(%dma_start3A_330 : memref<10240x128xf32, #tpu.memory_space<vmem_shared>>) offsets(%arg12 : memref<128xi32, #tpu.memory_space<vmem>>) semaphore(%arg29 : memref<!tpu.dma_semaphore, #tpu.memory_space<semaphore_mem>>) {add = true}
      %add3A_331 = arith.constant 2 : i32
      %add3A_332 = arith.addi %mul3A_250, %add3A_331 : i32
      %add3A_333 = arith.constant 1 : i32
      %add3A_334 = arith.addi %add3A_332, %add3A_333 : i32
      %mul3A_335 = arith.constant 128 : i32
      %mul3A_336 = arith.muli %add3A_334, %mul3A_335 : i32
      %add3A_337 = arith.addi %add3A, %mul3A_336 : i32
      %dma_wait3A_338 = tpu.memref_slice %arg3[%add3A_337] : memref<327680xi32, #tpu.memory_space<hbm>> -> memref<128xi32, #tpu.memory_space<hbm>>
      %dma_wait3A_339 = tpu.memref_slice %arg3[%add3A_337] : memref<327680xi32, #tpu.memory_space<hbm>> -> memref<128xi32, #tpu.memory_space<hbm>>
      tpu.wait_dma2 semaphore(%arg21 : memref<!tpu.dma_semaphore, #tpu.memory_space<semaphore_mem>>) src(%dma_wait3A_339 : memref<128xi32, #tpu.memory_space<hbm>>) dst(%arg10 : memref<128xi32, #tpu.memory_space<vmem>>)
      %dma_wait3A_340 = arith.constant 0 : i32
      %dma_wait3A_341 = arith.constant 0 : i32
      %dma_wait3A_342 = tpu.memref_slice %arg17[%dma_wait3A_340, %dma_wait3A_341] : memref<10240x128xf32, #tpu.memory_space<vmem_shared>> -> memref<10240x128xf32, #tpu.memory_space<vmem_shared>>
      tpu.wait_indirect_dma semaphore(%arg29 : memref<!tpu.dma_semaphore, #tpu.memory_space<semaphore_mem>>) src(%arg16 : memref<128x128xf32, #tpu.memory_space<vmem>>) dst(%dma_wait3A_342 : memref<10240x128xf32, #tpu.memory_space<vmem_shared>>)
      %add3A_343 = arith.constant 3 : i32
      %add3A_344 = arith.addi %add3A_332, %add3A_343 : i32
      %mul3A_345 = arith.constant 128 : i32
      %mul3A_346 = arith.muli %add3A_344, %mul3A_345 : i32
      %add3A_347 = arith.addi %mul3A_8, %mul3A_346 : i32
      %dma_start3A_348 = tpu.memref_slice %arg4[%add3A_347] : memref<163840xi32, #tpu.memory_space<hbm>> -> memref<128xi32, #tpu.memory_space<hbm>>
      %dma_start3A_349 = tpu.memref_slice %arg4[%add3A_347] : memref<163840xi32, #tpu.memory_space<hbm>> -> memref<128xi32, #tpu.memory_space<hbm>>
      tpu.enqueue_dma source(%dma_start3A_349 : memref<128xi32, #tpu.memory_space<hbm>>) target(%arg12 : memref<128xi32, #tpu.memory_space<vmem>>) target_semaphore(%arg23 : memref<!tpu.dma_semaphore, #tpu.memory_space<semaphore_mem>>)
      %dma_start3A_350 = arith.constant 0 : i32
      %dma_start3A_351 = arith.constant 0 : i32
      %dma_start3A_352 = tpu.memref_slice %arg2[%dma_start3A_350, %dma_start3A_351] : memref<20480x128xf32, #tpu.memory_space<hbm>> -> memref<20480x128xf32, #tpu.memory_space<hbm>>
      tpu.enqueue_indirect_dma source(%dma_start3A_352 : memref<20480x128xf32, #tpu.memory_space<hbm>>) target(%arg16 : memref<128x128xf32, #tpu.memory_space<vmem>>) offsets(%arg10 : memref<128xi32, #tpu.memory_space<vmem>>) semaphore(%arg27 : memref<!tpu.dma_semaphore, #tpu.memory_space<semaphore_mem>>)
      %dma_wait3A_353 = arith.constant 0 : i32
      %dma_wait3A_354 = arith.constant 0 : i32
      %dma_wait3A_355 = tpu.memref_slice %arg2[%dma_wait3A_353, %dma_wait3A_354] : memref<20480x128xf32, #tpu.memory_space<hbm>> -> memref<20480x128xf32, #tpu.memory_space<hbm>>
      tpu.wait_indirect_dma semaphore(%arg26 : memref<!tpu.dma_semaphore, #tpu.memory_space<semaphore_mem>>) src(%dma_wait3A_355 : memref<20480x128xf32, #tpu.memory_space<hbm>>) dst(%arg15 : memref<128x128xf32, #tpu.memory_space<vmem>>)
      %add3A_356 = arith.constant 4 : i32
      %add3A_357 = arith.addi %add3A_332, %add3A_356 : i32
      %mul3A_358 = arith.constant 128 : i32
      %mul3A_359 = arith.muli %add3A_357, %mul3A_358 : i32
      %add3A_360 = arith.addi %add3A, %mul3A_359 : i32
      %dma_start3A_361 = tpu.memref_slice %arg3[%add3A_360] : memref<327680xi32, #tpu.memory_space<hbm>> -> memref<128xi32, #tpu.memory_space<hbm>>
      %dma_start3A_362 = tpu.memref_slice %arg3[%add3A_360] : memref<327680xi32, #tpu.memory_space<hbm>> -> memref<128xi32, #tpu.memory_space<hbm>>
      tpu.enqueue_dma source(%dma_start3A_362 : memref<128xi32, #tpu.memory_space<hbm>>) target(%arg9 : memref<128xi32, #tpu.memory_space<vmem>>) target_semaphore(%arg20 : memref<!tpu.dma_semaphore, #tpu.memory_space<semaphore_mem>>)
      %mul3A_363 = arith.constant 128 : i32
      %mul3A_364 = arith.muli %add3A_332, %mul3A_363 : i32
      %add3A_365 = arith.addi %mul3A_8, %mul3A_364 : i32
      %dma_wait3A_366 = tpu.memref_slice %arg4[%add3A_365] : memref<163840xi32, #tpu.memory_space<hbm>> -> memref<128xi32, #tpu.memory_space<hbm>>
      %dma_wait3A_367 = tpu.memref_slice %arg4[%add3A_365] : memref<163840xi32, #tpu.memory_space<hbm>> -> memref<128xi32, #tpu.memory_space<hbm>>
      tpu.wait_dma2 semaphore(%arg24 : memref<!tpu.dma_semaphore, #tpu.memory_space<semaphore_mem>>) src(%dma_wait3A_367 : memref<128xi32, #tpu.memory_space<hbm>>) dst(%arg13 : memref<128xi32, #tpu.memory_space<vmem>>)
      %dma_start3A_368 = arith.constant 0 : i32
      %dma_start3A_369 = arith.constant 0 : i32
      %dma_start3A_370 = tpu.memref_slice %arg17[%dma_start3A_368, %dma_start3A_369] : memref<10240x128xf32, #tpu.memory_space<vmem_shared>> -> memref<10240x128xf32, #tpu.memory_space<vmem_shared>>
      tpu.enqueue_indirect_dma source(%arg15 : memref<128x128xf32, #tpu.memory_space<vmem>>) target(%dma_start3A_370 : memref<10240x128xf32, #tpu.memory_space<vmem_shared>>) offsets(%arg13 : memref<128xi32, #tpu.memory_space<vmem>>) semaphore(%arg28 : memref<!tpu.dma_semaphore, #tpu.memory_space<semaphore_mem>>) {add = true}
      %add3A_371 = arith.constant 3 : i32
      %add3A_372 = arith.addi %mul3A_250, %add3A_371 : i32
      %add3A_373 = arith.constant 1 : i32
      %add3A_374 = arith.addi %add3A_372, %add3A_373 : i32
      %mul3A_375 = arith.constant 128 : i32
      %mul3A_376 = arith.muli %add3A_374, %mul3A_375 : i32
      %add3A_377 = arith.addi %add3A, %mul3A_376 : i32
      %dma_wait3A_378 = tpu.memref_slice %arg3[%add3A_377] : memref<327680xi32, #tpu.memory_space<hbm>> -> memref<128xi32, #tpu.memory_space<hbm>>
      %dma_wait3A_379 = tpu.memref_slice %arg3[%add3A_377] : memref<327680xi32, #tpu.memory_space<hbm>> -> memref<128xi32, #tpu.memory_space<hbm>>
      tpu.wait_dma2 semaphore(%arg18 : memref<!tpu.dma_semaphore, #tpu.memory_space<semaphore_mem>>) src(%dma_wait3A_379 : memref<128xi32, #tpu.memory_space<hbm>>) dst(%arg7 : memref<128xi32, #tpu.memory_space<vmem>>)
      %dma_wait3A_380 = arith.constant 0 : i32
      %dma_wait3A_381 = arith.constant 0 : i32
      %dma_wait3A_382 = tpu.memref_slice %arg17[%dma_wait3A_380, %dma_wait3A_381] : memref<10240x128xf32, #tpu.memory_space<vmem_shared>> -> memref<10240x128xf32, #tpu.memory_space<vmem_shared>>
      tpu.wait_indirect_dma semaphore(%arg28 : memref<!tpu.dma_semaphore, #tpu.memory_space<semaphore_mem>>) src(%arg15 : memref<128x128xf32, #tpu.memory_space<vmem>>) dst(%dma_wait3A_382 : memref<10240x128xf32, #tpu.memory_space<vmem_shared>>)
      %add3A_383 = arith.constant 3 : i32
      %add3A_384 = arith.addi %add3A_372, %add3A_383 : i32
      %mul3A_385 = arith.constant 128 : i32
      %mul3A_386 = arith.muli %add3A_384, %mul3A_385 : i32
      %add3A_387 = arith.addi %mul3A_8, %mul3A_386 : i32
      %dma_start3A_388 = tpu.memref_slice %arg4[%add3A_387] : memref<163840xi32, #tpu.memory_space<hbm>> -> memref<128xi32, #tpu.memory_space<hbm>>
      %dma_start3A_389 = tpu.memref_slice %arg4[%add3A_387] : memref<163840xi32, #tpu.memory_space<hbm>> -> memref<128xi32, #tpu.memory_space<hbm>>
      tpu.enqueue_dma source(%dma_start3A_389 : memref<128xi32, #tpu.memory_space<hbm>>) target(%arg13 : memref<128xi32, #tpu.memory_space<vmem>>) target_semaphore(%arg24 : memref<!tpu.dma_semaphore, #tpu.memory_space<semaphore_mem>>)
      %dma_start3A_390 = arith.constant 0 : i32
      %dma_start3A_391 = arith.constant 0 : i32
      %dma_start3A_392 = tpu.memref_slice %arg2[%dma_start3A_390, %dma_start3A_391] : memref<20480x128xf32, #tpu.memory_space<hbm>> -> memref<20480x128xf32, #tpu.memory_space<hbm>>
      tpu.enqueue_indirect_dma source(%dma_start3A_392 : memref<20480x128xf32, #tpu.memory_space<hbm>>) target(%arg15 : memref<128x128xf32, #tpu.memory_space<vmem>>) offsets(%arg7 : memref<128xi32, #tpu.memory_space<vmem>>) semaphore(%arg26 : memref<!tpu.dma_semaphore, #tpu.memory_space<semaphore_mem>>)
      %dma_wait3A_393 = arith.constant 0 : i32
      %dma_wait3A_394 = arith.constant 0 : i32
      %dma_wait3A_395 = tpu.memref_slice %arg2[%dma_wait3A_393, %dma_wait3A_394] : memref<20480x128xf32, #tpu.memory_space<hbm>> -> memref<20480x128xf32, #tpu.memory_space<hbm>>
      tpu.wait_indirect_dma semaphore(%arg27 : memref<!tpu.dma_semaphore, #tpu.memory_space<semaphore_mem>>) src(%dma_wait3A_395 : memref<20480x128xf32, #tpu.memory_space<hbm>>) dst(%arg16 : memref<128x128xf32, #tpu.memory_space<vmem>>)
      %add3A_396 = arith.constant 4 : i32
      %add3A_397 = arith.addi %add3A_372, %add3A_396 : i32
      %mul3A_398 = arith.constant 128 : i32
      %mul3A_399 = arith.muli %add3A_397, %mul3A_398 : i32
      %add3A_400 = arith.addi %add3A, %mul3A_399 : i32
      %dma_start3A_401 = tpu.memref_slice %arg3[%add3A_400] : memref<327680xi32, #tpu.memory_space<hbm>> -> memref<128xi32, #tpu.memory_space<hbm>>
      %dma_start3A_402 = tpu.memref_slice %arg3[%add3A_400] : memref<327680xi32, #tpu.memory_space<hbm>> -> memref<128xi32, #tpu.memory_space<hbm>>
      tpu.enqueue_dma source(%dma_start3A_402 : memref<128xi32, #tpu.memory_space<hbm>>) target(%arg10 : memref<128xi32, #tpu.memory_space<vmem>>) target_semaphore(%arg21 : memref<!tpu.dma_semaphore, #tpu.memory_space<semaphore_mem>>)
      %mul3A_403 = arith.constant 128 : i32
      %mul3A_404 = arith.muli %add3A_372, %mul3A_403 : i32
      %add3A_405 = arith.addi %mul3A_8, %mul3A_404 : i32
      %dma_wait3A_406 = tpu.memref_slice %arg4[%add3A_405] : memref<163840xi32, #tpu.memory_space<hbm>> -> memref<128xi32, #tpu.memory_space<hbm>>
      %dma_wait3A_407 = tpu.memref_slice %arg4[%add3A_405] : memref<163840xi32, #tpu.memory_space<hbm>> -> memref<128xi32, #tpu.memory_space<hbm>>
      tpu.wait_dma2 semaphore(%arg25 : memref<!tpu.dma_semaphore, #tpu.memory_space<semaphore_mem>>) src(%dma_wait3A_407 : memref<128xi32, #tpu.memory_space<hbm>>) dst(%arg14 : memref<128xi32, #tpu.memory_space<vmem>>)
      %dma_start3A_408 = arith.constant 0 : i32
      %dma_start3A_409 = arith.constant 0 : i32
      %dma_start3A_410 = tpu.memref_slice %arg17[%dma_start3A_408, %dma_start3A_409] : memref<10240x128xf32, #tpu.memory_space<vmem_shared>> -> memref<10240x128xf32, #tpu.memory_space<vmem_shared>>
      tpu.enqueue_indirect_dma source(%arg16 : memref<128x128xf32, #tpu.memory_space<vmem>>) target(%dma_start3A_410 : memref<10240x128xf32, #tpu.memory_space<vmem_shared>>) offsets(%arg14 : memref<128xi32, #tpu.memory_space<vmem>>) semaphore(%arg29 : memref<!tpu.dma_semaphore, #tpu.memory_space<semaphore_mem>>) {add = true}
    }
    %scan3A_159 = arith.constant 18 : i32
    %add3A_160 = arith.constant 9856 : i32
    %add3A_161 = arith.addi %add3A, %add3A_160 : i32
    %dma_wait3A_162 = tpu.memref_slice %arg3[%add3A_161] : memref<327680xi32, #tpu.memory_space<hbm>> -> memref<128xi32, #tpu.memory_space<hbm>>
    %dma_wait3A_163 = tpu.memref_slice %arg3[%add3A_161] : memref<327680xi32, #tpu.memory_space<hbm>> -> memref<128xi32, #tpu.memory_space<hbm>>
    tpu.wait_dma2 semaphore(%arg19 : memref<!tpu.dma_semaphore, #tpu.memory_space<semaphore_mem>>) src(%dma_wait3A_163 : memref<128xi32, #tpu.memory_space<hbm>>) dst(%arg8 : memref<128xi32, #tpu.memory_space<vmem>>)
    %dma_wait3A_164 = arith.constant 0 : i32
    %dma_wait3A_165 = arith.constant 0 : i32
    %dma_wait3A_166 = tpu.memref_slice %arg17[%dma_wait3A_164, %dma_wait3A_165] : memref<10240x128xf32, #tpu.memory_space<vmem_shared>> -> memref<10240x128xf32, #tpu.memory_space<vmem_shared>>
    tpu.wait_indirect_dma semaphore(%arg29 : memref<!tpu.dma_semaphore, #tpu.memory_space<semaphore_mem>>) src(%arg16 : memref<128x128xf32, #tpu.memory_space<vmem>>) dst(%dma_wait3A_166 : memref<10240x128xf32, #tpu.memory_space<vmem_shared>>)
    %add3A_167 = arith.constant 10112 : i32
    %add3A_168 = arith.addi %mul3A_8, %add3A_167 : i32
    %dma_start3A_169 = tpu.memref_slice %arg4[%add3A_168] : memref<163840xi32, #tpu.memory_space<hbm>> -> memref<128xi32, #tpu.memory_space<hbm>>
    %dma_start3A_170 = tpu.memref_slice %arg4[%add3A_168] : memref<163840xi32, #tpu.memory_space<hbm>> -> memref<128xi32, #tpu.memory_space<hbm>>
    tpu.enqueue_dma source(%dma_start3A_170 : memref<128xi32, #tpu.memory_space<hbm>>) target(%arg14 : memref<128xi32, #tpu.memory_space<vmem>>) target_semaphore(%arg25 : memref<!tpu.dma_semaphore, #tpu.memory_space<semaphore_mem>>)
    %dma_start3A_171 = arith.constant 0 : i32
    %dma_start3A_172 = arith.constant 0 : i32
    %dma_start3A_173 = tpu.memref_slice %arg2[%dma_start3A_171, %dma_start3A_172] : memref<20480x128xf32, #tpu.memory_space<hbm>> -> memref<20480x128xf32, #tpu.memory_space<hbm>>
    tpu.enqueue_indirect_dma source(%dma_start3A_173 : memref<20480x128xf32, #tpu.memory_space<hbm>>) target(%arg16 : memref<128x128xf32, #tpu.memory_space<vmem>>) offsets(%arg8 : memref<128xi32, #tpu.memory_space<vmem>>) semaphore(%arg27 : memref<!tpu.dma_semaphore, #tpu.memory_space<semaphore_mem>>)
    %dma_wait3A_174 = arith.constant 0 : i32
    %dma_wait3A_175 = arith.constant 0 : i32
    %dma_wait3A_176 = tpu.memref_slice %arg2[%dma_wait3A_174, %dma_wait3A_175] : memref<20480x128xf32, #tpu.memory_space<hbm>> -> memref<20480x128xf32, #tpu.memory_space<hbm>>
    tpu.wait_indirect_dma semaphore(%arg26 : memref<!tpu.dma_semaphore, #tpu.memory_space<semaphore_mem>>) src(%dma_wait3A_176 : memref<20480x128xf32, #tpu.memory_space<hbm>>) dst(%arg15 : memref<128x128xf32, #tpu.memory_space<vmem>>)
    %add3A_177 = arith.constant 9728 : i32
    %add3A_178 = arith.addi %mul3A_8, %add3A_177 : i32
    %dma_wait3A_179 = tpu.memref_slice %arg4[%add3A_178] : memref<163840xi32, #tpu.memory_space<hbm>> -> memref<128xi32, #tpu.memory_space<hbm>>
    %dma_wait3A_180 = tpu.memref_slice %arg4[%add3A_178] : memref<163840xi32, #tpu.memory_space<hbm>> -> memref<128xi32, #tpu.memory_space<hbm>>
    tpu.wait_dma2 semaphore(%arg22 : memref<!tpu.dma_semaphore, #tpu.memory_space<semaphore_mem>>) src(%dma_wait3A_180 : memref<128xi32, #tpu.memory_space<hbm>>) dst(%arg11 : memref<128xi32, #tpu.memory_space<vmem>>)
    %dma_start3A_181 = arith.constant 0 : i32
    %dma_start3A_182 = arith.constant 0 : i32
    %dma_start3A_183 = tpu.memref_slice %arg17[%dma_start3A_181, %dma_start3A_182] : memref<10240x128xf32, #tpu.memory_space<vmem_shared>> -> memref<10240x128xf32, #tpu.memory_space<vmem_shared>>
    tpu.enqueue_indirect_dma source(%arg15 : memref<128x128xf32, #tpu.memory_space<vmem>>) target(%dma_start3A_183 : memref<10240x128xf32, #tpu.memory_space<vmem_shared>>) offsets(%arg11 : memref<128xi32, #tpu.memory_space<vmem>>) semaphore(%arg28 : memref<!tpu.dma_semaphore, #tpu.memory_space<semaphore_mem>>) {add = true}
    %add3A_184 = arith.constant 9984 : i32
    %add3A_185 = arith.addi %add3A, %add3A_184 : i32
    %dma_wait3A_186 = tpu.memref_slice %arg3[%add3A_185] : memref<327680xi32, #tpu.memory_space<hbm>> -> memref<128xi32, #tpu.memory_space<hbm>>
    %dma_wait3A_187 = tpu.memref_slice %arg3[%add3A_185] : memref<327680xi32, #tpu.memory_space<hbm>> -> memref<128xi32, #tpu.memory_space<hbm>>
    tpu.wait_dma2 semaphore(%arg20 : memref<!tpu.dma_semaphore, #tpu.memory_space<semaphore_mem>>) src(%dma_wait3A_187 : memref<128xi32, #tpu.memory_space<hbm>>) dst(%arg9 : memref<128xi32, #tpu.memory_space<vmem>>)
    %dma_wait3A_188 = arith.constant 0 : i32
    %dma_wait3A_189 = arith.constant 0 : i32
    %dma_wait3A_190 = tpu.memref_slice %arg17[%dma_wait3A_188, %dma_wait3A_189] : memref<10240x128xf32, #tpu.memory_space<vmem_shared>> -> memref<10240x128xf32, #tpu.memory_space<vmem_shared>>
    tpu.wait_indirect_dma semaphore(%arg28 : memref<!tpu.dma_semaphore, #tpu.memory_space<semaphore_mem>>) src(%arg15 : memref<128x128xf32, #tpu.memory_space<vmem>>) dst(%dma_wait3A_190 : memref<10240x128xf32, #tpu.memory_space<vmem_shared>>)
    %dma_start3A_191 = arith.constant 0 : i32
    %dma_start3A_192 = arith.constant 0 : i32
    %dma_start3A_193 = tpu.memref_slice %arg2[%dma_start3A_191, %dma_start3A_192] : memref<20480x128xf32, #tpu.memory_space<hbm>> -> memref<20480x128xf32, #tpu.memory_space<hbm>>
    tpu.enqueue_indirect_dma source(%dma_start3A_193 : memref<20480x128xf32, #tpu.memory_space<hbm>>) target(%arg15 : memref<128x128xf32, #tpu.memory_space<vmem>>) offsets(%arg9 : memref<128xi32, #tpu.memory_space<vmem>>) semaphore(%arg26 : memref<!tpu.dma_semaphore, #tpu.memory_space<semaphore_mem>>)
    %dma_wait3A_194 = arith.constant 0 : i32
    %dma_wait3A_195 = arith.constant 0 : i32
    %dma_wait3A_196 = tpu.memref_slice %arg2[%dma_wait3A_194, %dma_wait3A_195] : memref<20480x128xf32, #tpu.memory_space<hbm>> -> memref<20480x128xf32, #tpu.memory_space<hbm>>
    tpu.wait_indirect_dma semaphore(%arg27 : memref<!tpu.dma_semaphore, #tpu.memory_space<semaphore_mem>>) src(%dma_wait3A_196 : memref<20480x128xf32, #tpu.memory_space<hbm>>) dst(%arg16 : memref<128x128xf32, #tpu.memory_space<vmem>>)
    %add3A_197 = arith.constant 9856 : i32
    %add3A_198 = arith.addi %mul3A_8, %add3A_197 : i32
    %dma_wait3A_199 = tpu.memref_slice %arg4[%add3A_198] : memref<163840xi32, #tpu.memory_space<hbm>> -> memref<128xi32, #tpu.memory_space<hbm>>
    %dma_wait3A_200 = tpu.memref_slice %arg4[%add3A_198] : memref<163840xi32, #tpu.memory_space<hbm>> -> memref<128xi32, #tpu.memory_space<hbm>>
    tpu.wait_dma2 semaphore(%arg23 : memref<!tpu.dma_semaphore, #tpu.memory_space<semaphore_mem>>) src(%dma_wait3A_200 : memref<128xi32, #tpu.memory_space<hbm>>) dst(%arg12 : memref<128xi32, #tpu.memory_space<vmem>>)
    %dma_start3A_201 = arith.constant 0 : i32
    %dma_start3A_202 = arith.constant 0 : i32
    %dma_start3A_203 = tpu.memref_slice %arg17[%dma_start3A_201, %dma_start3A_202] : memref<10240x128xf32, #tpu.memory_space<vmem_shared>> -> memref<10240x128xf32, #tpu.memory_space<vmem_shared>>
    tpu.enqueue_indirect_dma source(%arg16 : memref<128x128xf32, #tpu.memory_space<vmem>>) target(%dma_start3A_203 : memref<10240x128xf32, #tpu.memory_space<vmem_shared>>) offsets(%arg12 : memref<128xi32, #tpu.memory_space<vmem>>) semaphore(%arg29 : memref<!tpu.dma_semaphore, #tpu.memory_space<semaphore_mem>>) {add = true}
    %add3A_204 = arith.constant 10112 : i32
    %add3A_205 = arith.addi %add3A, %add3A_204 : i32
    %dma_wait3A_206 = tpu.memref_slice %arg3[%add3A_205] : memref<327680xi32, #tpu.memory_space<hbm>> -> memref<128xi32, #tpu.memory_space<hbm>>
    %dma_wait3A_207 = tpu.memref_slice %arg3[%add3A_205] : memref<327680xi32, #tpu.memory_space<hbm>> -> memref<128xi32, #tpu.memory_space<hbm>>
    tpu.wait_dma2 semaphore(%arg21 : memref<!tpu.dma_semaphore, #tpu.memory_space<semaphore_mem>>) src(%dma_wait3A_207 : memref<128xi32, #tpu.memory_space<hbm>>) dst(%arg10 : memref<128xi32, #tpu.memory_space<vmem>>)
    %dma_wait3A_208 = arith.constant 0 : i32
    %dma_wait3A_209 = arith.constant 0 : i32
    %dma_wait3A_210 = tpu.memref_slice %arg17[%dma_wait3A_208, %dma_wait3A_209] : memref<10240x128xf32, #tpu.memory_space<vmem_shared>> -> memref<10240x128xf32, #tpu.memory_space<vmem_shared>>
    tpu.wait_indirect_dma semaphore(%arg29 : memref<!tpu.dma_semaphore, #tpu.memory_space<semaphore_mem>>) src(%arg16 : memref<128x128xf32, #tpu.memory_space<vmem>>) dst(%dma_wait3A_210 : memref<10240x128xf32, #tpu.memory_space<vmem_shared>>)
    %dma_start3A_211 = arith.constant 0 : i32
    %dma_start3A_212 = arith.constant 0 : i32
    %dma_start3A_213 = tpu.memref_slice %arg2[%dma_start3A_211, %dma_start3A_212] : memref<20480x128xf32, #tpu.memory_space<hbm>> -> memref<20480x128xf32, #tpu.memory_space<hbm>>
    tpu.enqueue_indirect_dma source(%dma_start3A_213 : memref<20480x128xf32, #tpu.memory_space<hbm>>) target(%arg16 : memref<128x128xf32, #tpu.memory_space<vmem>>) offsets(%arg10 : memref<128xi32, #tpu.memory_space<vmem>>) semaphore(%arg27 : memref<!tpu.dma_semaphore, #tpu.memory_space<semaphore_mem>>)
    %dma_wait3A_214 = arith.constant 0 : i32
    %dma_wait3A_215 = arith.constant 0 : i32
    %dma_wait3A_216 = tpu.memref_slice %arg2[%dma_wait3A_214, %dma_wait3A_215] : memref<20480x128xf32, #tpu.memory_space<hbm>> -> memref<20480x128xf32, #tpu.memory_space<hbm>>
    tpu.wait_indirect_dma semaphore(%arg26 : memref<!tpu.dma_semaphore, #tpu.memory_space<semaphore_mem>>) src(%dma_wait3A_216 : memref<20480x128xf32, #tpu.memory_space<hbm>>) dst(%arg15 : memref<128x128xf32, #tpu.memory_space<vmem>>)
    %add3A_217 = arith.constant 9984 : i32
    %add3A_218 = arith.addi %mul3A_8, %add3A_217 : i32
    %dma_wait3A_219 = tpu.memref_slice %arg4[%add3A_218] : memref<163840xi32, #tpu.memory_space<hbm>> -> memref<128xi32, #tpu.memory_space<hbm>>
    %dma_wait3A_220 = tpu.memref_slice %arg4[%add3A_218] : memref<163840xi32, #tpu.memory_space<hbm>> -> memref<128xi32, #tpu.memory_space<hbm>>
    tpu.wait_dma2 semaphore(%arg24 : memref<!tpu.dma_semaphore, #tpu.memory_space<semaphore_mem>>) src(%dma_wait3A_220 : memref<128xi32, #tpu.memory_space<hbm>>) dst(%arg13 : memref<128xi32, #tpu.memory_space<vmem>>)
    %dma_start3A_221 = arith.constant 0 : i32
    %dma_start3A_222 = arith.constant 0 : i32
    %dma_start3A_223 = tpu.memref_slice %arg17[%dma_start3A_221, %dma_start3A_222] : memref<10240x128xf32, #tpu.memory_space<vmem_shared>> -> memref<10240x128xf32, #tpu.memory_space<vmem_shared>>
    tpu.enqueue_indirect_dma source(%arg15 : memref<128x128xf32, #tpu.memory_space<vmem>>) target(%dma_start3A_223 : memref<10240x128xf32, #tpu.memory_space<vmem_shared>>) offsets(%arg13 : memref<128xi32, #tpu.memory_space<vmem>>) semaphore(%arg28 : memref<!tpu.dma_semaphore, #tpu.memory_space<semaphore_mem>>) {add = true}
    %dma_wait3A_224 = arith.constant 0 : i32
    %dma_wait3A_225 = arith.constant 0 : i32
    %dma_wait3A_226 = tpu.memref_slice %arg2[%dma_wait3A_224, %dma_wait3A_225] : memref<20480x128xf32, #tpu.memory_space<hbm>> -> memref<20480x128xf32, #tpu.memory_space<hbm>>
    tpu.wait_indirect_dma semaphore(%arg27 : memref<!tpu.dma_semaphore, #tpu.memory_space<semaphore_mem>>) src(%dma_wait3A_226 : memref<20480x128xf32, #tpu.memory_space<hbm>>) dst(%arg16 : memref<128x128xf32, #tpu.memory_space<vmem>>)
    %add3A_227 = arith.constant 10112 : i32
    %add3A_228 = arith.addi %mul3A_8, %add3A_227 : i32
    %dma_wait3A_229 = tpu.memref_slice %arg4[%add3A_228] : memref<163840xi32, #tpu.memory_space<hbm>> -> memref<128xi32, #tpu.memory_space<hbm>>
    %dma_wait3A_230 = tpu.memref_slice %arg4[%add3A_228] : memref<163840xi32, #tpu.memory_space<hbm>> -> memref<128xi32, #tpu.memory_space<hbm>>
    tpu.wait_dma2 semaphore(%arg25 : memref<!tpu.dma_semaphore, #tpu.memory_space<semaphore_mem>>) src(%dma_wait3A_230 : memref<128xi32, #tpu.memory_space<hbm>>) dst(%arg14 : memref<128xi32, #tpu.memory_space<vmem>>)
    %dma_start3A_231 = arith.constant 0 : i32
    %dma_start3A_232 = arith.constant 0 : i32
    %dma_start3A_233 = tpu.memref_slice %arg17[%dma_start3A_231, %dma_start3A_232] : memref<10240x128xf32, #tpu.memory_space<vmem_shared>> -> memref<10240x128xf32, #tpu.memory_space<vmem_shared>>
    tpu.enqueue_indirect_dma source(%arg16 : memref<128x128xf32, #tpu.memory_space<vmem>>) target(%dma_start3A_233 : memref<10240x128xf32, #tpu.memory_space<vmem_shared>>) offsets(%arg14 : memref<128xi32, #tpu.memory_space<vmem>>) semaphore(%arg29 : memref<!tpu.dma_semaphore, #tpu.memory_space<semaphore_mem>>) {add = true}
    %dma_wait3A_234 = arith.constant 0 : i32
    %dma_wait3A_235 = arith.constant 0 : i32
    %dma_wait3A_236 = tpu.memref_slice %arg17[%dma_wait3A_234, %dma_wait3A_235] : memref<10240x128xf32, #tpu.memory_space<vmem_shared>> -> memref<10240x128xf32, #tpu.memory_space<vmem_shared>>
    tpu.wait_indirect_dma semaphore(%arg28 : memref<!tpu.dma_semaphore, #tpu.memory_space<semaphore_mem>>) src(%arg15 : memref<128x128xf32, #tpu.memory_space<vmem>>) dst(%dma_wait3A_236 : memref<10240x128xf32, #tpu.memory_space<vmem_shared>>)
    %dma_wait3A_237 = arith.constant 0 : i32
    %dma_wait3A_238 = arith.constant 0 : i32
    %dma_wait3A_239 = tpu.memref_slice %arg17[%dma_wait3A_237, %dma_wait3A_238] : memref<10240x128xf32, #tpu.memory_space<vmem_shared>> -> memref<10240x128xf32, #tpu.memory_space<vmem_shared>>
    tpu.wait_indirect_dma semaphore(%arg29 : memref<!tpu.dma_semaphore, #tpu.memory_space<semaphore_mem>>) src(%arg16 : memref<128x128xf32, #tpu.memory_space<vmem>>) dst(%dma_wait3A_239 : memref<10240x128xf32, #tpu.memory_space<vmem_shared>>)
    %barrier3A_240 = arith.constant 0 : index
    tpu.barrier barrier_id(%barrier3A_240)
    %mul3A_241 = arith.constant 640 : i32
    %mul3A_242 = arith.muli %arg1, %mul3A_241 : i32
    %mul3A_243 = arith.constant 10240 : i32
    %mul3A_244 = arith.muli %arg0, %mul3A_243 : i32
    %mul3A_245 = arith.constant 640 : i32
    %mul3A_246 = arith.muli %arg1, %mul3A_245 : i32
    %add3A_247 = arith.addi %mul3A_244, %mul3A_246 : i32
    "tpu.region"() ({
      %run_scoped3A = tpu.sem_alloc : memref<!tpu.dma_semaphore, #tpu.memory_space<semaphore_mem>>
      %dma_start3A_248 = arith.constant 0 : i32
      %dma_start3A_249 = tpu.memref_slice %arg6[%add3A_247, %dma_start3A_248] : memref<20480x128xf32, #tpu.memory_space<hbm>> -> memref<640x128xf32, #tpu.memory_space<hbm>>
      %dma_start3A_250 = arith.constant 0 : i32
      %dma_start3A_251 = tpu.memref_slice %arg17[%mul3A_242, %dma_start3A_250] : memref<10240x128xf32, #tpu.memory_space<vmem_shared>> -> memref<640x128xf32, #tpu.memory_space<vmem_shared>>
      tpu.enqueue_dma source(%dma_start3A_251 : memref<640x128xf32, #tpu.memory_space<vmem_shared>>) target(%dma_start3A_249 : memref<640x128xf32, #tpu.memory_space<hbm>>) target_semaphore(%run_scoped3A : memref<!tpu.dma_semaphore, #tpu.memory_space<semaphore_mem>>)
      %dma_wait3A_252 = arith.constant 0 : i32
      %dma_wait3A_253 = tpu.memref_slice %arg6[%add3A_247, %dma_wait3A_252] : memref<20480x128xf32, #tpu.memory_space<hbm>> -> memref<640x128xf32, #tpu.memory_space<hbm>>
      %dma_wait3A_254 = arith.constant 0 : i32
      %dma_wait3A_255 = tpu.memref_slice %arg17[%mul3A_242, %dma_wait3A_254] : memref<10240x128xf32, #tpu.memory_space<vmem_shared>> -> memref<640x128xf32, #tpu.memory_space<vmem_shared>>
      tpu.wait_dma2 semaphore(%run_scoped3A : memref<!tpu.dma_semaphore, #tpu.memory_space<semaphore_mem>>) src(%dma_wait3A_255 : memref<640x128xf32, #tpu.memory_space<vmem_shared>>) dst(%dma_wait3A_253 : memref<640x128xf32, #tpu.memory_space<hbm>>)
      tpu.yield
    }) : () -> ()
    return
  }
}

#map = affine_map<(d0, d1) -> (0, 0)>
#map1 = affine_map<(d0, d1) -> (0)>
module attributes {stable_mosaic.version = 14 : i64} {
  func.func @_seg_sum_body(%arg0: i32, %arg1: i32, %arg2: memref<20480x128xf32, #tpu.memory_space<hbm>>, %arg3: memref<327680xi32, #tpu.memory_space<hbm>>, %arg4: memref<163840xi32, #tpu.memory_space<hbm>>, %arg5: memref<10240x128xf32, #tpu.memory_space<hbm>>, %arg6: memref<20480x128xf32, #tpu.memory_space<hbm>>, %arg7: memref<128xi32, #tpu.memory_space<vmem>>, %arg8: memref<128xi32, #tpu.memory_space<vmem>>, %arg9: memref<128xi32, #tpu.memory_space<vmem>>, %arg10: memref<128xi32, #tpu.memory_space<vmem>>, %arg11: memref<128xi32, #tpu.memory_space<vmem>>, %arg12: memref<128xi32, #tpu.memory_space<vmem>>, %arg13: memref<128xi32, #tpu.memory_space<vmem>>, %arg14: memref<128xi32, #tpu.memory_space<vmem>>, %arg15: memref<128x128xf32, #tpu.memory_space<vmem>>, %arg16: memref<128x128xf32, #tpu.memory_space<vmem>>, %arg17: memref<10240x128xf32, #tpu.memory_space<vmem_shared>>, %arg18: memref<!tpu.dma_semaphore, #tpu.memory_space<semaphore_mem>>, %arg19: memref<!tpu.dma_semaphore, #tpu.memory_space<semaphore_mem>>, %arg20: memref<!tpu.dma_semaphore, #tpu.memory_space<semaphore_mem>>, %arg21: memref<!tpu.dma_semaphore, #tpu.memory_space<semaphore_mem>>, %arg22: memref<!tpu.dma_semaphore, #tpu.memory_space<semaphore_mem>>, %arg23: memref<!tpu.dma_semaphore, #tpu.memory_space<semaphore_mem>>, %arg24: memref<!tpu.dma_semaphore, #tpu.memory_space<semaphore_mem>>, %arg25: memref<!tpu.dma_semaphore, #tpu.memory_space<semaphore_mem>>, %arg26: memref<!tpu.dma_semaphore, #tpu.memory_space<semaphore_mem>>, %arg27: memref<!tpu.dma_semaphore, #tpu.memory_space<semaphore_mem>>, %arg28: memref<!tpu.dma_semaphore, #tpu.memory_space<semaphore_mem>>, %arg29: memref<!tpu.dma_semaphore, #tpu.memory_space<semaphore_mem>>) attributes {dimension_semantics = [#tpu.dimension_semantics<core_parallel>, #tpu.dimension_semantics<subcore_parallel>], iteration_bounds = array<i64: 2, 16>, scalar_prefetch = 0 : i64, scratch_operands = 23 : i64, tpu.core_type = #tpu.core_type<sc_vector_subcore>, window_params = [{transform_indices = #map}, {transform_indices = #map1}, {transform_indices = #map1}, {transform_indices = #map}, {transform_indices = #map}]} {
    %mul3A = arith.constant 163840 : i32
    %mul3A_0 = arith.muli %arg0, %mul3A : i32
    %mul3A_1 = arith.constant 80 : i32
    %mul3A_2 = arith.muli %arg1, %mul3A_1 : i32
    %mul3A_3 = arith.constant 128 : i32
    %mul3A_4 = arith.muli %mul3A_2, %mul3A_3 : i32
    %add3A = arith.addi %mul3A_0, %mul3A_4 : i32
    %mul3A_5 = arith.constant 80 : i32
    %mul3A_6 = arith.muli %arg1, %mul3A_5 : i32
    %mul3A_7 = arith.constant 128 : i32
    %mul3A_8 = arith.muli %mul3A_6, %mul3A_7 : i32
    %mul3A_9 = arith.constant 640 : i32
    %mul3A_10 = arith.muli %arg1, %mul3A_9 : i32
    %mul3A_11 = arith.constant 640 : i32
    %mul3A_12 = arith.muli %arg1, %mul3A_11 : i32
    "tpu.region"() ({
      %run_scoped3A = tpu.sem_alloc : memref<!tpu.dma_semaphore, #tpu.memory_space<semaphore_mem>>
      %dma_start3A_248 = arith.constant 0 : i32
      %dma_start3A_249 = tpu.memref_slice %arg17[%mul3A_12, %dma_start3A_248] : memref<10240x128xf32, #tpu.memory_space<vmem_shared>> -> memref<640x128xf32, #tpu.memory_space<vmem_shared>>
      %dma_start3A_250 = arith.constant 0 : i32
      %dma_start3A_251 = tpu.memref_slice %arg5[%mul3A_10, %dma_start3A_250] : memref<10240x128xf32, #tpu.memory_space<hbm>> -> memref<640x128xf32, #tpu.memory_space<hbm>>
      tpu.enqueue_dma source(%dma_start3A_251 : memref<640x128xf32, #tpu.memory_space<hbm>>) target(%dma_start3A_249 : memref<640x128xf32, #tpu.memory_space<vmem_shared>>) target_semaphore(%run_scoped3A : memref<!tpu.dma_semaphore, #tpu.memory_space<semaphore_mem>>)
      %dma_wait3A_252 = arith.constant 0 : i32
      %dma_wait3A_253 = tpu.memref_slice %arg17[%mul3A_12, %dma_wait3A_252] : memref<10240x128xf32, #tpu.memory_space<vmem_shared>> -> memref<640x128xf32, #tpu.memory_space<vmem_shared>>
      %dma_wait3A_254 = arith.constant 0 : i32
      %dma_wait3A_255 = tpu.memref_slice %arg5[%mul3A_10, %dma_wait3A_254] : memref<10240x128xf32, #tpu.memory_space<hbm>> -> memref<640x128xf32, #tpu.memory_space<hbm>>
      tpu.wait_dma2 semaphore(%run_scoped3A : memref<!tpu.dma_semaphore, #tpu.memory_space<semaphore_mem>>) src(%dma_wait3A_255 : memref<640x128xf32, #tpu.memory_space<hbm>>) dst(%dma_wait3A_253 : memref<640x128xf32, #tpu.memory_space<vmem_shared>>)
      tpu.yield
    }) : () -> ()
    %barrier3A = arith.constant 0 : index
    tpu.barrier barrier_id(%barrier3A)
    %add3A_13 = arith.constant 0 : i32
    %add3A_14 = arith.addi %add3A, %add3A_13 : i32
    %dma_start3A = tpu.memref_slice %arg3[%add3A_14] : memref<327680xi32, #tpu.memory_space<hbm>> -> memref<128xi32, #tpu.memory_space<hbm>>
    %dma_start3A_15 = tpu.memref_slice %arg3[%add3A_14] : memref<327680xi32, #tpu.memory_space<hbm>> -> memref<128xi32, #tpu.memory_space<hbm>>
    tpu.enqueue_dma source(%dma_start3A_15 : memref<128xi32, #tpu.memory_space<hbm>>) target(%arg7 : memref<128xi32, #tpu.memory_space<vmem>>) target_semaphore(%arg18 : memref<!tpu.dma_semaphore, #tpu.memory_space<semaphore_mem>>)
    %add3A_16 = arith.constant 0 : i32
    %add3A_17 = arith.addi %mul3A_8, %add3A_16 : i32
    %dma_start3A_18 = tpu.memref_slice %arg4[%add3A_17] : memref<163840xi32, #tpu.memory_space<hbm>> -> memref<128xi32, #tpu.memory_space<hbm>>
    %dma_start3A_19 = tpu.memref_slice %arg4[%add3A_17] : memref<163840xi32, #tpu.memory_space<hbm>> -> memref<128xi32, #tpu.memory_space<hbm>>
    tpu.enqueue_dma source(%dma_start3A_19 : memref<128xi32, #tpu.memory_space<hbm>>) target(%arg11 : memref<128xi32, #tpu.memory_space<vmem>>) target_semaphore(%arg22 : memref<!tpu.dma_semaphore, #tpu.memory_space<semaphore_mem>>)
    %add3A_20 = arith.constant 128 : i32
    %add3A_21 = arith.addi %add3A, %add3A_20 : i32
    %dma_start3A_22 = tpu.memref_slice %arg3[%add3A_21] : memref<327680xi32, #tpu.memory_space<hbm>> -> memref<128xi32, #tpu.memory_space<hbm>>
    %dma_start3A_23 = tpu.memref_slice %arg3[%add3A_21] : memref<327680xi32, #tpu.memory_space<hbm>> -> memref<128xi32, #tpu.memory_space<hbm>>
    tpu.enqueue_dma source(%dma_start3A_23 : memref<128xi32, #tpu.memory_space<hbm>>) target(%arg8 : memref<128xi32, #tpu.memory_space<vmem>>) target_semaphore(%arg19 : memref<!tpu.dma_semaphore, #tpu.memory_space<semaphore_mem>>)
    %add3A_24 = arith.constant 128 : i32
    %add3A_25 = arith.addi %mul3A_8, %add3A_24 : i32
    %dma_start3A_26 = tpu.memref_slice %arg4[%add3A_25] : memref<163840xi32, #tpu.memory_space<hbm>> -> memref<128xi32, #tpu.memory_space<hbm>>
    %dma_start3A_27 = tpu.memref_slice %arg4[%add3A_25] : memref<163840xi32, #tpu.memory_space<hbm>> -> memref<128xi32, #tpu.memory_space<hbm>>
    tpu.enqueue_dma source(%dma_start3A_27 : memref<128xi32, #tpu.memory_space<hbm>>) target(%arg12 : memref<128xi32, #tpu.memory_space<vmem>>) target_semaphore(%arg23 : memref<!tpu.dma_semaphore, #tpu.memory_space<semaphore_mem>>)
    %add3A_28 = arith.constant 256 : i32
    %add3A_29 = arith.addi %add3A, %add3A_28 : i32
    %dma_start3A_30 = tpu.memref_slice %arg3[%add3A_29] : memref<327680xi32, #tpu.memory_space<hbm>> -> memref<128xi32, #tpu.memory_space<hbm>>
    %dma_start3A_31 = tpu.memref_slice %arg3[%add3A_29] : memref<327680xi32, #tpu.memory_space<hbm>> -> memref<128xi32, #tpu.memory_space<hbm>>
    tpu.enqueue_dma source(%dma_start3A_31 : memref<128xi32, #tpu.memory_space<hbm>>) target(%arg9 : memref<128xi32, #tpu.memory_space<vmem>>) target_semaphore(%arg20 : memref<!tpu.dma_semaphore, #tpu.memory_space<semaphore_mem>>)
    %add3A_32 = arith.constant 256 : i32
    %add3A_33 = arith.addi %mul3A_8, %add3A_32 : i32
    %dma_start3A_34 = tpu.memref_slice %arg4[%add3A_33] : memref<163840xi32, #tpu.memory_space<hbm>> -> memref<128xi32, #tpu.memory_space<hbm>>
    %dma_start3A_35 = tpu.memref_slice %arg4[%add3A_33] : memref<163840xi32, #tpu.memory_space<hbm>> -> memref<128xi32, #tpu.memory_space<hbm>>
    tpu.enqueue_dma source(%dma_start3A_35 : memref<128xi32, #tpu.memory_space<hbm>>) target(%arg13 : memref<128xi32, #tpu.memory_space<vmem>>) target_semaphore(%arg24 : memref<!tpu.dma_semaphore, #tpu.memory_space<semaphore_mem>>)
    %add3A_36 = arith.constant 384 : i32
    %add3A_37 = arith.addi %add3A, %add3A_36 : i32
    %dma_start3A_38 = tpu.memref_slice %arg3[%add3A_37] : memref<327680xi32, #tpu.memory_space<hbm>> -> memref<128xi32, #tpu.memory_space<hbm>>
    %dma_start3A_39 = tpu.memref_slice %arg3[%add3A_37] : memref<327680xi32, #tpu.memory_space<hbm>> -> memref<128xi32, #tpu.memory_space<hbm>>
    tpu.enqueue_dma source(%dma_start3A_39 : memref<128xi32, #tpu.memory_space<hbm>>) target(%arg10 : memref<128xi32, #tpu.memory_space<vmem>>) target_semaphore(%arg21 : memref<!tpu.dma_semaphore, #tpu.memory_space<semaphore_mem>>)
    %add3A_40 = arith.constant 384 : i32
    %add3A_41 = arith.addi %mul3A_8, %add3A_40 : i32
    %dma_start3A_42 = tpu.memref_slice %arg4[%add3A_41] : memref<163840xi32, #tpu.memory_space<hbm>> -> memref<128xi32, #tpu.memory_space<hbm>>
    %dma_start3A_43 = tpu.memref_slice %arg4[%add3A_41] : memref<163840xi32, #tpu.memory_space<hbm>> -> memref<128xi32, #tpu.memory_space<hbm>>
    tpu.enqueue_dma source(%dma_start3A_43 : memref<128xi32, #tpu.memory_space<hbm>>) target(%arg14 : memref<128xi32, #tpu.memory_space<vmem>>) target_semaphore(%arg25 : memref<!tpu.dma_semaphore, #tpu.memory_space<semaphore_mem>>)
    %add3A_44 = arith.constant 0 : i32
    %add3A_45 = arith.addi %add3A, %add3A_44 : i32
    %dma_wait3A = tpu.memref_slice %arg3[%add3A_45] : memref<327680xi32, #tpu.memory_space<hbm>> -> memref<128xi32, #tpu.memory_space<hbm>>
    %dma_wait3A_46 = tpu.memref_slice %arg3[%add3A_45] : memref<327680xi32, #tpu.memory_space<hbm>> -> memref<128xi32, #tpu.memory_space<hbm>>
    tpu.wait_dma2 semaphore(%arg18 : memref<!tpu.dma_semaphore, #tpu.memory_space<semaphore_mem>>) src(%dma_wait3A_46 : memref<128xi32, #tpu.memory_space<hbm>>) dst(%arg7 : memref<128xi32, #tpu.memory_space<vmem>>)
    %dma_start3A_47 = arith.constant 0 : i32
    %dma_start3A_48 = arith.constant 0 : i32
    %dma_start3A_49 = tpu.memref_slice %arg2[%dma_start3A_47, %dma_start3A_48] : memref<20480x128xf32, #tpu.memory_space<hbm>> -> memref<20480x128xf32, #tpu.memory_space<hbm>>
    tpu.enqueue_indirect_dma source(%dma_start3A_49 : memref<20480x128xf32, #tpu.memory_space<hbm>>) target(%arg15 : memref<128x128xf32, #tpu.memory_space<vmem>>) offsets(%arg7 : memref<128xi32, #tpu.memory_space<vmem>>) semaphore(%arg26 : memref<!tpu.dma_semaphore, #tpu.memory_space<semaphore_mem>>)
    %add3A_50 = arith.constant 128 : i32
    %add3A_51 = arith.addi %add3A, %add3A_50 : i32
    %dma_wait3A_52 = tpu.memref_slice %arg3[%add3A_51] : memref<327680xi32, #tpu.memory_space<hbm>> -> memref<128xi32, #tpu.memory_space<hbm>>
    %dma_wait3A_53 = tpu.memref_slice %arg3[%add3A_51] : memref<327680xi32, #tpu.memory_space<hbm>> -> memref<128xi32, #tpu.memory_space<hbm>>
    tpu.wait_dma2 semaphore(%arg19 : memref<!tpu.dma_semaphore, #tpu.memory_space<semaphore_mem>>) src(%dma_wait3A_53 : memref<128xi32, #tpu.memory_space<hbm>>) dst(%arg8 : memref<128xi32, #tpu.memory_space<vmem>>)
    %dma_start3A_54 = arith.constant 0 : i32
    %dma_start3A_55 = arith.constant 0 : i32
    %dma_start3A_56 = tpu.memref_slice %arg2[%dma_start3A_54, %dma_start3A_55] : memref<20480x128xf32, #tpu.memory_space<hbm>> -> memref<20480x128xf32, #tpu.memory_space<hbm>>
    tpu.enqueue_indirect_dma source(%dma_start3A_56 : memref<20480x128xf32, #tpu.memory_space<hbm>>) target(%arg16 : memref<128x128xf32, #tpu.memory_space<vmem>>) offsets(%arg8 : memref<128xi32, #tpu.memory_space<vmem>>) semaphore(%arg27 : memref<!tpu.dma_semaphore, #tpu.memory_space<semaphore_mem>>)
    %dma_wait3A_57 = arith.constant 0 : i32
    %dma_wait3A_58 = arith.constant 0 : i32
    %dma_wait3A_59 = tpu.memref_slice %arg2[%dma_wait3A_57, %dma_wait3A_58] : memref<20480x128xf32, #tpu.memory_space<hbm>> -> memref<20480x128xf32, #tpu.memory_space<hbm>>
    tpu.wait_indirect_dma semaphore(%arg26 : memref<!tpu.dma_semaphore, #tpu.memory_space<semaphore_mem>>) src(%dma_wait3A_59 : memref<20480x128xf32, #tpu.memory_space<hbm>>) dst(%arg15 : memref<128x128xf32, #tpu.memory_space<vmem>>)
    %add3A_60 = arith.constant 512 : i32
    %add3A_61 = arith.addi %add3A, %add3A_60 : i32
    %dma_start3A_62 = tpu.memref_slice %arg3[%add3A_61] : memref<327680xi32, #tpu.memory_space<hbm>> -> memref<128xi32, #tpu.memory_space<hbm>>
    %dma_start3A_63 = tpu.memref_slice %arg3[%add3A_61] : memref<327680xi32, #tpu.memory_space<hbm>> -> memref<128xi32, #tpu.memory_space<hbm>>
    tpu.enqueue_dma source(%dma_start3A_63 : memref<128xi32, #tpu.memory_space<hbm>>) target(%arg7 : memref<128xi32, #tpu.memory_space<vmem>>) target_semaphore(%arg18 : memref<!tpu.dma_semaphore, #tpu.memory_space<semaphore_mem>>)
    %add3A_64 = arith.constant 0 : i32
    %add3A_65 = arith.addi %mul3A_8, %add3A_64 : i32
    %dma_wait3A_66 = tpu.memref_slice %arg4[%add3A_65] : memref<163840xi32, #tpu.memory_space<hbm>> -> memref<128xi32, #tpu.memory_space<hbm>>
    %dma_wait3A_67 = tpu.memref_slice %arg4[%add3A_65] : memref<163840xi32, #tpu.memory_space<hbm>> -> memref<128xi32, #tpu.memory_space<hbm>>
    tpu.wait_dma2 semaphore(%arg22 : memref<!tpu.dma_semaphore, #tpu.memory_space<semaphore_mem>>) src(%dma_wait3A_67 : memref<128xi32, #tpu.memory_space<hbm>>) dst(%arg11 : memref<128xi32, #tpu.memory_space<vmem>>)
    %dma_start3A_68 = arith.constant 0 : i32
    %dma_start3A_69 = arith.constant 0 : i32
    %dma_start3A_70 = tpu.memref_slice %arg17[%dma_start3A_68, %dma_start3A_69] : memref<10240x128xf32, #tpu.memory_space<vmem_shared>> -> memref<10240x128xf32, #tpu.memory_space<vmem_shared>>
    tpu.enqueue_indirect_dma source(%arg15 : memref<128x128xf32, #tpu.memory_space<vmem>>) target(%dma_start3A_70 : memref<10240x128xf32, #tpu.memory_space<vmem_shared>>) offsets(%arg11 : memref<128xi32, #tpu.memory_space<vmem>>) semaphore(%arg28 : memref<!tpu.dma_semaphore, #tpu.memory_space<semaphore_mem>>) {add = true}
    %add3A_71 = arith.constant 256 : i32
    %add3A_72 = arith.addi %add3A, %add3A_71 : i32
    %dma_wait3A_73 = tpu.memref_slice %arg3[%add3A_72] : memref<327680xi32, #tpu.memory_space<hbm>> -> memref<128xi32, #tpu.memory_space<hbm>>
    %dma_wait3A_74 = tpu.memref_slice %arg3[%add3A_72] : memref<327680xi32, #tpu.memory_space<hbm>> -> memref<128xi32, #tpu.memory_space<hbm>>
    tpu.wait_dma2 semaphore(%arg20 : memref<!tpu.dma_semaphore, #tpu.memory_space<semaphore_mem>>) src(%dma_wait3A_74 : memref<128xi32, #tpu.memory_space<hbm>>) dst(%arg9 : memref<128xi32, #tpu.memory_space<vmem>>)
    %dma_wait3A_75 = arith.constant 0 : i32
    %dma_wait3A_76 = arith.constant 0 : i32
    %dma_wait3A_77 = tpu.memref_slice %arg17[%dma_wait3A_75, %dma_wait3A_76] : memref<10240x128xf32, #tpu.memory_space<vmem_shared>> -> memref<10240x128xf32, #tpu.memory_space<vmem_shared>>
    tpu.wait_indirect_dma semaphore(%arg28 : memref<!tpu.dma_semaphore, #tpu.memory_space<semaphore_mem>>) src(%arg15 : memref<128x128xf32, #tpu.memory_space<vmem>>) dst(%dma_wait3A_77 : memref<10240x128xf32, #tpu.memory_space<vmem_shared>>)
    %add3A_78 = arith.constant 512 : i32
    %add3A_79 = arith.addi %mul3A_8, %add3A_78 : i32
    %dma_start3A_80 = tpu.memref_slice %arg4[%add3A_79] : memref<163840xi32, #tpu.memory_space<hbm>> -> memref<128xi32, #tpu.memory_space<hbm>>
    %dma_start3A_81 = tpu.memref_slice %arg4[%add3A_79] : memref<163840xi32, #tpu.memory_space<hbm>> -> memref<128xi32, #tpu.memory_space<hbm>>
    tpu.enqueue_dma source(%dma_start3A_81 : memref<128xi32, #tpu.memory_space<hbm>>) target(%arg11 : memref<128xi32, #tpu.memory_space<vmem>>) target_semaphore(%arg22 : memref<!tpu.dma_semaphore, #tpu.memory_space<semaphore_mem>>)
    %dma_start3A_82 = arith.constant 0 : i32
    %dma_start3A_83 = arith.constant 0 : i32
    %dma_start3A_84 = tpu.memref_slice %arg2[%dma_start3A_82, %dma_start3A_83] : memref<20480x128xf32, #tpu.memory_space<hbm>> -> memref<20480x128xf32, #tpu.memory_space<hbm>>
    tpu.enqueue_indirect_dma source(%dma_start3A_84 : memref<20480x128xf32, #tpu.memory_space<hbm>>) target(%arg15 : memref<128x128xf32, #tpu.memory_space<vmem>>) offsets(%arg9 : memref<128xi32, #tpu.memory_space<vmem>>) semaphore(%arg26 : memref<!tpu.dma_semaphore, #tpu.memory_space<semaphore_mem>>)
    %dma_wait3A_85 = arith.constant 0 : i32
    %dma_wait3A_86 = arith.constant 0 : i32
    %dma_wait3A_87 = tpu.memref_slice %arg2[%dma_wait3A_85, %dma_wait3A_86] : memref<20480x128xf32, #tpu.memory_space<hbm>> -> memref<20480x128xf32, #tpu.memory_space<hbm>>
    tpu.wait_indirect_dma semaphore(%arg27 : memref<!tpu.dma_semaphore, #tpu.memory_space<semaphore_mem>>) src(%dma_wait3A_87 : memref<20480x128xf32, #tpu.memory_space<hbm>>) dst(%arg16 : memref<128x128xf32, #tpu.memory_space<vmem>>)
    %add3A_88 = arith.constant 640 : i32
    %add3A_89 = arith.addi %add3A, %add3A_88 : i32
    %dma_start3A_90 = tpu.memref_slice %arg3[%add3A_89] : memref<327680xi32, #tpu.memory_space<hbm>> -> memref<128xi32, #tpu.memory_space<hbm>>
    %dma_start3A_91 = tpu.memref_slice %arg3[%add3A_89] : memref<327680xi32, #tpu.memory_space<hbm>> -> memref<128xi32, #tpu.memory_space<hbm>>
    tpu.enqueue_dma source(%dma_start3A_91 : memref<128xi32, #tpu.memory_space<hbm>>) target(%arg8 : memref<128xi32, #tpu.memory_space<vmem>>) target_semaphore(%arg19 : memref<!tpu.dma_semaphore, #tpu.memory_space<semaphore_mem>>)
    %add3A_92 = arith.constant 128 : i32
    %add3A_93 = arith.addi %mul3A_8, %add3A_92 : i32
    %dma_wait3A_94 = tpu.memref_slice %arg4[%add3A_93] : memref<163840xi32, #tpu.memory_space<hbm>> -> memref<128xi32, #tpu.memory_space<hbm>>
    %dma_wait3A_95 = tpu.memref_slice %arg4[%add3A_93] : memref<163840xi32, #tpu.memory_space<hbm>> -> memref<128xi32, #tpu.memory_space<hbm>>
    tpu.wait_dma2 semaphore(%arg23 : memref<!tpu.dma_semaphore, #tpu.memory_space<semaphore_mem>>) src(%dma_wait3A_95 : memref<128xi32, #tpu.memory_space<hbm>>) dst(%arg12 : memref<128xi32, #tpu.memory_space<vmem>>)
    %dma_start3A_96 = arith.constant 0 : i32
    %dma_start3A_97 = arith.constant 0 : i32
    %dma_start3A_98 = tpu.memref_slice %arg17[%dma_start3A_96, %dma_start3A_97] : memref<10240x128xf32, #tpu.memory_space<vmem_shared>> -> memref<10240x128xf32, #tpu.memory_space<vmem_shared>>
    tpu.enqueue_indirect_dma source(%arg16 : memref<128x128xf32, #tpu.memory_space<vmem>>) target(%dma_start3A_98 : memref<10240x128xf32, #tpu.memory_space<vmem_shared>>) offsets(%arg12 : memref<128xi32, #tpu.memory_space<vmem>>) semaphore(%arg29 : memref<!tpu.dma_semaphore, #tpu.memory_space<semaphore_mem>>) {add = true}
    %add3A_99 = arith.constant 384 : i32
    %add3A_100 = arith.addi %add3A, %add3A_99 : i32
    %dma_wait3A_101 = tpu.memref_slice %arg3[%add3A_100] : memref<327680xi32, #tpu.memory_space<hbm>> -> memref<128xi32, #tpu.memory_space<hbm>>
    %dma_wait3A_102 = tpu.memref_slice %arg3[%add3A_100] : memref<327680xi32, #tpu.memory_space<hbm>> -> memref<128xi32, #tpu.memory_space<hbm>>
    tpu.wait_dma2 semaphore(%arg21 : memref<!tpu.dma_semaphore, #tpu.memory_space<semaphore_mem>>) src(%dma_wait3A_102 : memref<128xi32, #tpu.memory_space<hbm>>) dst(%arg10 : memref<128xi32, #tpu.memory_space<vmem>>)
    %dma_wait3A_103 = arith.constant 0 : i32
    %dma_wait3A_104 = arith.constant 0 : i32
    %dma_wait3A_105 = tpu.memref_slice %arg17[%dma_wait3A_103, %dma_wait3A_104] : memref<10240x128xf32, #tpu.memory_space<vmem_shared>> -> memref<10240x128xf32, #tpu.memory_space<vmem_shared>>
    tpu.wait_indirect_dma semaphore(%arg29 : memref<!tpu.dma_semaphore, #tpu.memory_space<semaphore_mem>>) src(%arg16 : memref<128x128xf32, #tpu.memory_space<vmem>>) dst(%dma_wait3A_105 : memref<10240x128xf32, #tpu.memory_space<vmem_shared>>)
    %add3A_106 = arith.constant 640 : i32
    %add3A_107 = arith.addi %mul3A_8, %add3A_106 : i32
    %dma_start3A_108 = tpu.memref_slice %arg4[%add3A_107] : memref<163840xi32, #tpu.memory_space<hbm>> -> memref<128xi32, #tpu.memory_space<hbm>>
    %dma_start3A_109 = tpu.memref_slice %arg4[%add3A_107] : memref<163840xi32, #tpu.memory_space<hbm>> -> memref<128xi32, #tpu.memory_space<hbm>>
    tpu.enqueue_dma source(%dma_start3A_109 : memref<128xi32, #tpu.memory_space<hbm>>) target(%arg12 : memref<128xi32, #tpu.memory_space<vmem>>) target_semaphore(%arg23 : memref<!tpu.dma_semaphore, #tpu.memory_space<semaphore_mem>>)
    %dma_start3A_110 = arith.constant 0 : i32
    %dma_start3A_111 = arith.constant 0 : i32
    %dma_start3A_112 = tpu.memref_slice %arg2[%dma_start3A_110, %dma_start3A_111] : memref<20480x128xf32, #tpu.memory_space<hbm>> -> memref<20480x128xf32, #tpu.memory_space<hbm>>
    tpu.enqueue_indirect_dma source(%dma_start3A_112 : memref<20480x128xf32, #tpu.memory_space<hbm>>) target(%arg16 : memref<128x128xf32, #tpu.memory_space<vmem>>) offsets(%arg10 : memref<128xi32, #tpu.memory_space<vmem>>) semaphore(%arg27 : memref<!tpu.dma_semaphore, #tpu.memory_space<semaphore_mem>>)
    %dma_wait3A_113 = arith.constant 0 : i32
    %dma_wait3A_114 = arith.constant 0 : i32
    %dma_wait3A_115 = tpu.memref_slice %arg2[%dma_wait3A_113, %dma_wait3A_114] : memref<20480x128xf32, #tpu.memory_space<hbm>> -> memref<20480x128xf32, #tpu.memory_space<hbm>>
    tpu.wait_indirect_dma semaphore(%arg26 : memref<!tpu.dma_semaphore, #tpu.memory_space<semaphore_mem>>) src(%dma_wait3A_115 : memref<20480x128xf32, #tpu.memory_space<hbm>>) dst(%arg15 : memref<128x128xf32, #tpu.memory_space<vmem>>)
    %add3A_116 = arith.constant 768 : i32
    %add3A_117 = arith.addi %add3A, %add3A_116 : i32
    %dma_start3A_118 = tpu.memref_slice %arg3[%add3A_117] : memref<327680xi32, #tpu.memory_space<hbm>> -> memref<128xi32, #tpu.memory_space<hbm>>
    %dma_start3A_119 = tpu.memref_slice %arg3[%add3A_117] : memref<327680xi32, #tpu.memory_space<hbm>> -> memref<128xi32, #tpu.memory_space<hbm>>
    tpu.enqueue_dma source(%dma_start3A_119 : memref<128xi32, #tpu.memory_space<hbm>>) target(%arg9 : memref<128xi32, #tpu.memory_space<vmem>>) target_semaphore(%arg20 : memref<!tpu.dma_semaphore, #tpu.memory_space<semaphore_mem>>)
    %add3A_120 = arith.constant 256 : i32
    %add3A_121 = arith.addi %mul3A_8, %add3A_120 : i32
    %dma_wait3A_122 = tpu.memref_slice %arg4[%add3A_121] : memref<163840xi32, #tpu.memory_space<hbm>> -> memref<128xi32, #tpu.memory_space<hbm>>
    %dma_wait3A_123 = tpu.memref_slice %arg4[%add3A_121] : memref<163840xi32, #tpu.memory_space<hbm>> -> memref<128xi32, #tpu.memory_space<hbm>>
    tpu.wait_dma2 semaphore(%arg24 : memref<!tpu.dma_semaphore, #tpu.memory_space<semaphore_mem>>) src(%dma_wait3A_123 : memref<128xi32, #tpu.memory_space<hbm>>) dst(%arg13 : memref<128xi32, #tpu.memory_space<vmem>>)
    %dma_start3A_124 = arith.constant 0 : i32
    %dma_start3A_125 = arith.constant 0 : i32
    %dma_start3A_126 = tpu.memref_slice %arg17[%dma_start3A_124, %dma_start3A_125] : memref<10240x128xf32, #tpu.memory_space<vmem_shared>> -> memref<10240x128xf32, #tpu.memory_space<vmem_shared>>
    tpu.enqueue_indirect_dma source(%arg15 : memref<128x128xf32, #tpu.memory_space<vmem>>) target(%dma_start3A_126 : memref<10240x128xf32, #tpu.memory_space<vmem_shared>>) offsets(%arg13 : memref<128xi32, #tpu.memory_space<vmem>>) semaphore(%arg28 : memref<!tpu.dma_semaphore, #tpu.memory_space<semaphore_mem>>) {add = true}
    %add3A_127 = arith.constant 512 : i32
    %add3A_128 = arith.addi %add3A, %add3A_127 : i32
    %dma_wait3A_129 = tpu.memref_slice %arg3[%add3A_128] : memref<327680xi32, #tpu.memory_space<hbm>> -> memref<128xi32, #tpu.memory_space<hbm>>
    %dma_wait3A_130 = tpu.memref_slice %arg3[%add3A_128] : memref<327680xi32, #tpu.memory_space<hbm>> -> memref<128xi32, #tpu.memory_space<hbm>>
    tpu.wait_dma2 semaphore(%arg18 : memref<!tpu.dma_semaphore, #tpu.memory_space<semaphore_mem>>) src(%dma_wait3A_130 : memref<128xi32, #tpu.memory_space<hbm>>) dst(%arg7 : memref<128xi32, #tpu.memory_space<vmem>>)
    %dma_wait3A_131 = arith.constant 0 : i32
    %dma_wait3A_132 = arith.constant 0 : i32
    %dma_wait3A_133 = tpu.memref_slice %arg17[%dma_wait3A_131, %dma_wait3A_132] : memref<10240x128xf32, #tpu.memory_space<vmem_shared>> -> memref<10240x128xf32, #tpu.memory_space<vmem_shared>>
    tpu.wait_indirect_dma semaphore(%arg28 : memref<!tpu.dma_semaphore, #tpu.memory_space<semaphore_mem>>) src(%arg15 : memref<128x128xf32, #tpu.memory_space<vmem>>) dst(%dma_wait3A_133 : memref<10240x128xf32, #tpu.memory_space<vmem_shared>>)
    %add3A_134 = arith.constant 768 : i32
    %add3A_135 = arith.addi %mul3A_8, %add3A_134 : i32
    %dma_start3A_136 = tpu.memref_slice %arg4[%add3A_135] : memref<163840xi32, #tpu.memory_space<hbm>> -> memref<128xi32, #tpu.memory_space<hbm>>
    %dma_start3A_137 = tpu.memref_slice %arg4[%add3A_135] : memref<163840xi32, #tpu.memory_space<hbm>> -> memref<128xi32, #tpu.memory_space<hbm>>
    tpu.enqueue_dma source(%dma_start3A_137 : memref<128xi32, #tpu.memory_space<hbm>>) target(%arg13 : memref<128xi32, #tpu.memory_space<vmem>>) target_semaphore(%arg24 : memref<!tpu.dma_semaphore, #tpu.memory_space<semaphore_mem>>)
    %dma_start3A_138 = arith.constant 0 : i32
    %dma_start3A_139 = arith.constant 0 : i32
    %dma_start3A_140 = tpu.memref_slice %arg2[%dma_start3A_138, %dma_start3A_139] : memref<20480x128xf32, #tpu.memory_space<hbm>> -> memref<20480x128xf32, #tpu.memory_space<hbm>>
    tpu.enqueue_indirect_dma source(%dma_start3A_140 : memref<20480x128xf32, #tpu.memory_space<hbm>>) target(%arg15 : memref<128x128xf32, #tpu.memory_space<vmem>>) offsets(%arg7 : memref<128xi32, #tpu.memory_space<vmem>>) semaphore(%arg26 : memref<!tpu.dma_semaphore, #tpu.memory_space<semaphore_mem>>)
    %dma_wait3A_141 = arith.constant 0 : i32
    %dma_wait3A_142 = arith.constant 0 : i32
    %dma_wait3A_143 = tpu.memref_slice %arg2[%dma_wait3A_141, %dma_wait3A_142] : memref<20480x128xf32, #tpu.memory_space<hbm>> -> memref<20480x128xf32, #tpu.memory_space<hbm>>
    tpu.wait_indirect_dma semaphore(%arg27 : memref<!tpu.dma_semaphore, #tpu.memory_space<semaphore_mem>>) src(%dma_wait3A_143 : memref<20480x128xf32, #tpu.memory_space<hbm>>) dst(%arg16 : memref<128x128xf32, #tpu.memory_space<vmem>>)
    %add3A_144 = arith.constant 896 : i32
    %add3A_145 = arith.addi %add3A, %add3A_144 : i32
    %dma_start3A_146 = tpu.memref_slice %arg3[%add3A_145] : memref<327680xi32, #tpu.memory_space<hbm>> -> memref<128xi32, #tpu.memory_space<hbm>>
    %dma_start3A_147 = tpu.memref_slice %arg3[%add3A_145] : memref<327680xi32, #tpu.memory_space<hbm>> -> memref<128xi32, #tpu.memory_space<hbm>>
    tpu.enqueue_dma source(%dma_start3A_147 : memref<128xi32, #tpu.memory_space<hbm>>) target(%arg10 : memref<128xi32, #tpu.memory_space<vmem>>) target_semaphore(%arg21 : memref<!tpu.dma_semaphore, #tpu.memory_space<semaphore_mem>>)
    %add3A_148 = arith.constant 384 : i32
    %add3A_149 = arith.addi %mul3A_8, %add3A_148 : i32
    %dma_wait3A_150 = tpu.memref_slice %arg4[%add3A_149] : memref<163840xi32, #tpu.memory_space<hbm>> -> memref<128xi32, #tpu.memory_space<hbm>>
    %dma_wait3A_151 = tpu.memref_slice %arg4[%add3A_149] : memref<163840xi32, #tpu.memory_space<hbm>> -> memref<128xi32, #tpu.memory_space<hbm>>
    tpu.wait_dma2 semaphore(%arg25 : memref<!tpu.dma_semaphore, #tpu.memory_space<semaphore_mem>>) src(%dma_wait3A_151 : memref<128xi32, #tpu.memory_space<hbm>>) dst(%arg14 : memref<128xi32, #tpu.memory_space<vmem>>)
    %dma_start3A_152 = arith.constant 0 : i32
    %dma_start3A_153 = arith.constant 0 : i32
    %dma_start3A_154 = tpu.memref_slice %arg17[%dma_start3A_152, %dma_start3A_153] : memref<10240x128xf32, #tpu.memory_space<vmem_shared>> -> memref<10240x128xf32, #tpu.memory_space<vmem_shared>>
    tpu.enqueue_indirect_dma source(%arg16 : memref<128x128xf32, #tpu.memory_space<vmem>>) target(%dma_start3A_154 : memref<10240x128xf32, #tpu.memory_space<vmem_shared>>) offsets(%arg14 : memref<128xi32, #tpu.memory_space<vmem>>) semaphore(%arg29 : memref<!tpu.dma_semaphore, #tpu.memory_space<semaphore_mem>>) {add = true}
    %scan3A = arith.constant 0 : i32
    %scan3A_155 = arith.constant 1 : i32
    %scan3A_156 = arith.constant 18 : i32
    %scan3A_157 = arith.addi %scan3A_155, %scan3A_156 : i32
    %scan3A_158 = arith.constant 1 : i32
    scf.for %scan3A_248 = %scan3A_155 to %scan3A_157 step %scan3A_158  : i32 {
      %mul3A_249 = arith.constant 4 : i32
      %mul3A_250 = arith.muli %mul3A_249, %scan3A_248 : i32
      %add3A_251 = arith.constant 0 : i32
      %add3A_252 = arith.addi %mul3A_250, %add3A_251 : i32
      %add3A_253 = arith.constant 1 : i32
      %add3A_254 = arith.addi %add3A_252, %add3A_253 : i32
      %mul3A_255 = arith.constant 128 : i32
      %mul3A_256 = arith.muli %add3A_254, %mul3A_255 : i32
      %add3A_257 = arith.addi %add3A, %mul3A_256 : i32
      %dma_wait3A_258 = tpu.memref_slice %arg3[%add3A_257] : memref<327680xi32, #tpu.memory_space<hbm>> -> memref<128xi32, #tpu.memory_space<hbm>>
      %dma_wait3A_259 = tpu.memref_slice %arg3[%add3A_257] : memref<327680xi32, #tpu.memory_space<hbm>> -> memref<128xi32, #tpu.memory_space<hbm>>
      tpu.wait_dma2 semaphore(%arg19 : memref<!tpu.dma_semaphore, #tpu.memory_space<semaphore_mem>>) src(%dma_wait3A_259 : memref<128xi32, #tpu.memory_space<hbm>>) dst(%arg8 : memref<128xi32, #tpu.memory_space<vmem>>)
      %dma_wait3A_260 = arith.constant 0 : i32
      %dma_wait3A_261 = arith.constant 0 : i32
      %dma_wait3A_262 = tpu.memref_slice %arg17[%dma_wait3A_260, %dma_wait3A_261] : memref<10240x128xf32, #tpu.memory_space<vmem_shared>> -> memref<10240x128xf32, #tpu.memory_space<vmem_shared>>
      tpu.wait_indirect_dma semaphore(%arg29 : memref<!tpu.dma_semaphore, #tpu.memory_space<semaphore_mem>>) src(%arg16 : memref<128x128xf32, #tpu.memory_space<vmem>>) dst(%dma_wait3A_262 : memref<10240x128xf32, #tpu.memory_space<vmem_shared>>)
      %add3A_263 = arith.constant 3 : i32
      %add3A_264 = arith.addi %add3A_252, %add3A_263 : i32
      %mul3A_265 = arith.constant 128 : i32
      %mul3A_266 = arith.muli %add3A_264, %mul3A_265 : i32
      %add3A_267 = arith.addi %mul3A_8, %mul3A_266 : i32
      %dma_start3A_268 = tpu.memref_slice %arg4[%add3A_267] : memref<163840xi32, #tpu.memory_space<hbm>> -> memref<128xi32, #tpu.memory_space<hbm>>
      %dma_start3A_269 = tpu.memref_slice %arg4[%add3A_267] : memref<163840xi32, #tpu.memory_space<hbm>> -> memref<128xi32, #tpu.memory_space<hbm>>
      tpu.enqueue_dma source(%dma_start3A_269 : memref<128xi32, #tpu.memory_space<hbm>>) target(%arg14 : memref<128xi32, #tpu.memory_space<vmem>>) target_semaphore(%arg25 : memref<!tpu.dma_semaphore, #tpu.memory_space<semaphore_mem>>)
      %dma_start3A_270 = arith.constant 0 : i32
      %dma_start3A_271 = arith.constant 0 : i32
      %dma_start3A_272 = tpu.memref_slice %arg2[%dma_start3A_270, %dma_start3A_271] : memref<20480x128xf32, #tpu.memory_space<hbm>> -> memref<20480x128xf32, #tpu.memory_space<hbm>>
      tpu.enqueue_indirect_dma source(%dma_start3A_272 : memref<20480x128xf32, #tpu.memory_space<hbm>>) target(%arg16 : memref<128x128xf32, #tpu.memory_space<vmem>>) offsets(%arg8 : memref<128xi32, #tpu.memory_space<vmem>>) semaphore(%arg27 : memref<!tpu.dma_semaphore, #tpu.memory_space<semaphore_mem>>)
      %dma_wait3A_273 = arith.constant 0 : i32
      %dma_wait3A_274 = arith.constant 0 : i32
      %dma_wait3A_275 = tpu.memref_slice %arg2[%dma_wait3A_273, %dma_wait3A_274] : memref<20480x128xf32, #tpu.memory_space<hbm>> -> memref<20480x128xf32, #tpu.memory_space<hbm>>
      tpu.wait_indirect_dma semaphore(%arg26 : memref<!tpu.dma_semaphore, #tpu.memory_space<semaphore_mem>>) src(%dma_wait3A_275 : memref<20480x128xf32, #tpu.memory_space<hbm>>) dst(%arg15 : memref<128x128xf32, #tpu.memory_space<vmem>>)
      %add3A_276 = arith.constant 4 : i32
      %add3A_277 = arith.addi %add3A_252, %add3A_276 : i32
      %mul3A_278 = arith.constant 128 : i32
      %mul3A_279 = arith.muli %add3A_277, %mul3A_278 : i32
      %add3A_280 = arith.addi %add3A, %mul3A_279 : i32
      %dma_start3A_281 = tpu.memref_slice %arg3[%add3A_280] : memref<327680xi32, #tpu.memory_space<hbm>> -> memref<128xi32, #tpu.memory_space<hbm>>
      %dma_start3A_282 = tpu.memref_slice %arg3[%add3A_280] : memref<327680xi32, #tpu.memory_space<hbm>> -> memref<128xi32, #tpu.memory_space<hbm>>
      tpu.enqueue_dma source(%dma_start3A_282 : memref<128xi32, #tpu.memory_space<hbm>>) target(%arg7 : memref<128xi32, #tpu.memory_space<vmem>>) target_semaphore(%arg18 : memref<!tpu.dma_semaphore, #tpu.memory_space<semaphore_mem>>)
      %mul3A_283 = arith.constant 128 : i32
      %mul3A_284 = arith.muli %add3A_252, %mul3A_283 : i32
      %add3A_285 = arith.addi %mul3A_8, %mul3A_284 : i32
      %dma_wait3A_286 = tpu.memref_slice %arg4[%add3A_285] : memref<163840xi32, #tpu.memory_space<hbm>> -> memref<128xi32, #tpu.memory_space<hbm>>
      %dma_wait3A_287 = tpu.memref_slice %arg4[%add3A_285] : memref<163840xi32, #tpu.memory_space<hbm>> -> memref<128xi32, #tpu.memory_space<hbm>>
      tpu.wait_dma2 semaphore(%arg22 : memref<!tpu.dma_semaphore, #tpu.memory_space<semaphore_mem>>) src(%dma_wait3A_287 : memref<128xi32, #tpu.memory_space<hbm>>) dst(%arg11 : memref<128xi32, #tpu.memory_space<vmem>>)
      %dma_start3A_288 = arith.constant 0 : i32
      %dma_start3A_289 = arith.constant 0 : i32
      %dma_start3A_290 = tpu.memref_slice %arg17[%dma_start3A_288, %dma_start3A_289] : memref<10240x128xf32, #tpu.memory_space<vmem_shared>> -> memref<10240x128xf32, #tpu.memory_space<vmem_shared>>
      tpu.enqueue_indirect_dma source(%arg15 : memref<128x128xf32, #tpu.memory_space<vmem>>) target(%dma_start3A_290 : memref<10240x128xf32, #tpu.memory_space<vmem_shared>>) offsets(%arg11 : memref<128xi32, #tpu.memory_space<vmem>>) semaphore(%arg28 : memref<!tpu.dma_semaphore, #tpu.memory_space<semaphore_mem>>) {add = true}
      %add3A_291 = arith.constant 1 : i32
      %add3A_292 = arith.addi %mul3A_250, %add3A_291 : i32
      %add3A_293 = arith.constant 1 : i32
      %add3A_294 = arith.addi %add3A_292, %add3A_293 : i32
      %mul3A_295 = arith.constant 128 : i32
      %mul3A_296 = arith.muli %add3A_294, %mul3A_295 : i32
      %add3A_297 = arith.addi %add3A, %mul3A_296 : i32
      %dma_wait3A_298 = tpu.memref_slice %arg3[%add3A_297] : memref<327680xi32, #tpu.memory_space<hbm>> -> memref<128xi32, #tpu.memory_space<hbm>>
      %dma_wait3A_299 = tpu.memref_slice %arg3[%add3A_297] : memref<327680xi32, #tpu.memory_space<hbm>> -> memref<128xi32, #tpu.memory_space<hbm>>
      tpu.wait_dma2 semaphore(%arg20 : memref<!tpu.dma_semaphore, #tpu.memory_space<semaphore_mem>>) src(%dma_wait3A_299 : memref<128xi32, #tpu.memory_space<hbm>>) dst(%arg9 : memref<128xi32, #tpu.memory_space<vmem>>)
      %dma_wait3A_300 = arith.constant 0 : i32
      %dma_wait3A_301 = arith.constant 0 : i32
      %dma_wait3A_302 = tpu.memref_slice %arg17[%dma_wait3A_300, %dma_wait3A_301] : memref<10240x128xf32, #tpu.memory_space<vmem_shared>> -> memref<10240x128xf32, #tpu.memory_space<vmem_shared>>
      tpu.wait_indirect_dma semaphore(%arg28 : memref<!tpu.dma_semaphore, #tpu.memory_space<semaphore_mem>>) src(%arg15 : memref<128x128xf32, #tpu.memory_space<vmem>>) dst(%dma_wait3A_302 : memref<10240x128xf32, #tpu.memory_space<vmem_shared>>)
      %add3A_303 = arith.constant 3 : i32
      %add3A_304 = arith.addi %add3A_292, %add3A_303 : i32
      %mul3A_305 = arith.constant 128 : i32
      %mul3A_306 = arith.muli %add3A_304, %mul3A_305 : i32
      %add3A_307 = arith.addi %mul3A_8, %mul3A_306 : i32
      %dma_start3A_308 = tpu.memref_slice %arg4[%add3A_307] : memref<163840xi32, #tpu.memory_space<hbm>> -> memref<128xi32, #tpu.memory_space<hbm>>
      %dma_start3A_309 = tpu.memref_slice %arg4[%add3A_307] : memref<163840xi32, #tpu.memory_space<hbm>> -> memref<128xi32, #tpu.memory_space<hbm>>
      tpu.enqueue_dma source(%dma_start3A_309 : memref<128xi32, #tpu.memory_space<hbm>>) target(%arg11 : memref<128xi32, #tpu.memory_space<vmem>>) target_semaphore(%arg22 : memref<!tpu.dma_semaphore, #tpu.memory_space<semaphore_mem>>)
      %dma_start3A_310 = arith.constant 0 : i32
      %dma_start3A_311 = arith.constant 0 : i32
      %dma_start3A_312 = tpu.memref_slice %arg2[%dma_start3A_310, %dma_start3A_311] : memref<20480x128xf32, #tpu.memory_space<hbm>> -> memref<20480x128xf32, #tpu.memory_space<hbm>>
      tpu.enqueue_indirect_dma source(%dma_start3A_312 : memref<20480x128xf32, #tpu.memory_space<hbm>>) target(%arg15 : memref<128x128xf32, #tpu.memory_space<vmem>>) offsets(%arg9 : memref<128xi32, #tpu.memory_space<vmem>>) semaphore(%arg26 : memref<!tpu.dma_semaphore, #tpu.memory_space<semaphore_mem>>)
      %dma_wait3A_313 = arith.constant 0 : i32
      %dma_wait3A_314 = arith.constant 0 : i32
      %dma_wait3A_315 = tpu.memref_slice %arg2[%dma_wait3A_313, %dma_wait3A_314] : memref<20480x128xf32, #tpu.memory_space<hbm>> -> memref<20480x128xf32, #tpu.memory_space<hbm>>
      tpu.wait_indirect_dma semaphore(%arg27 : memref<!tpu.dma_semaphore, #tpu.memory_space<semaphore_mem>>) src(%dma_wait3A_315 : memref<20480x128xf32, #tpu.memory_space<hbm>>) dst(%arg16 : memref<128x128xf32, #tpu.memory_space<vmem>>)
      %add3A_316 = arith.constant 4 : i32
      %add3A_317 = arith.addi %add3A_292, %add3A_316 : i32
      %mul3A_318 = arith.constant 128 : i32
      %mul3A_319 = arith.muli %add3A_317, %mul3A_318 : i32
      %add3A_320 = arith.addi %add3A, %mul3A_319 : i32
      %dma_start3A_321 = tpu.memref_slice %arg3[%add3A_320] : memref<327680xi32, #tpu.memory_space<hbm>> -> memref<128xi32, #tpu.memory_space<hbm>>
      %dma_start3A_322 = tpu.memref_slice %arg3[%add3A_320] : memref<327680xi32, #tpu.memory_space<hbm>> -> memref<128xi32, #tpu.memory_space<hbm>>
      tpu.enqueue_dma source(%dma_start3A_322 : memref<128xi32, #tpu.memory_space<hbm>>) target(%arg8 : memref<128xi32, #tpu.memory_space<vmem>>) target_semaphore(%arg19 : memref<!tpu.dma_semaphore, #tpu.memory_space<semaphore_mem>>)
      %mul3A_323 = arith.constant 128 : i32
      %mul3A_324 = arith.muli %add3A_292, %mul3A_323 : i32
      %add3A_325 = arith.addi %mul3A_8, %mul3A_324 : i32
      %dma_wait3A_326 = tpu.memref_slice %arg4[%add3A_325] : memref<163840xi32, #tpu.memory_space<hbm>> -> memref<128xi32, #tpu.memory_space<hbm>>
      %dma_wait3A_327 = tpu.memref_slice %arg4[%add3A_325] : memref<163840xi32, #tpu.memory_space<hbm>> -> memref<128xi32, #tpu.memory_space<hbm>>
      tpu.wait_dma2 semaphore(%arg23 : memref<!tpu.dma_semaphore, #tpu.memory_space<semaphore_mem>>) src(%dma_wait3A_327 : memref<128xi32, #tpu.memory_space<hbm>>) dst(%arg12 : memref<128xi32, #tpu.memory_space<vmem>>)
      %dma_start3A_328 = arith.constant 0 : i32
      %dma_start3A_329 = arith.constant 0 : i32
      %dma_start3A_330 = tpu.memref_slice %arg17[%dma_start3A_328, %dma_start3A_329] : memref<10240x128xf32, #tpu.memory_space<vmem_shared>> -> memref<10240x128xf32, #tpu.memory_space<vmem_shared>>
      tpu.enqueue_indirect_dma source(%arg16 : memref<128x128xf32, #tpu.memory_space<vmem>>) target(%dma_start3A_330 : memref<10240x128xf32, #tpu.memory_space<vmem_shared>>) offsets(%arg12 : memref<128xi32, #tpu.memory_space<vmem>>) semaphore(%arg29 : memref<!tpu.dma_semaphore, #tpu.memory_space<semaphore_mem>>) {add = true}
      %add3A_331 = arith.constant 2 : i32
      %add3A_332 = arith.addi %mul3A_250, %add3A_331 : i32
      %add3A_333 = arith.constant 1 : i32
      %add3A_334 = arith.addi %add3A_332, %add3A_333 : i32
      %mul3A_335 = arith.constant 128 : i32
      %mul3A_336 = arith.muli %add3A_334, %mul3A_335 : i32
      %add3A_337 = arith.addi %add3A, %mul3A_336 : i32
      %dma_wait3A_338 = tpu.memref_slice %arg3[%add3A_337] : memref<327680xi32, #tpu.memory_space<hbm>> -> memref<128xi32, #tpu.memory_space<hbm>>
      %dma_wait3A_339 = tpu.memref_slice %arg3[%add3A_337] : memref<327680xi32, #tpu.memory_space<hbm>> -> memref<128xi32, #tpu.memory_space<hbm>>
      tpu.wait_dma2 semaphore(%arg21 : memref<!tpu.dma_semaphore, #tpu.memory_space<semaphore_mem>>) src(%dma_wait3A_339 : memref<128xi32, #tpu.memory_space<hbm>>) dst(%arg10 : memref<128xi32, #tpu.memory_space<vmem>>)
      %dma_wait3A_340 = arith.constant 0 : i32
      %dma_wait3A_341 = arith.constant 0 : i32
      %dma_wait3A_342 = tpu.memref_slice %arg17[%dma_wait3A_340, %dma_wait3A_341] : memref<10240x128xf32, #tpu.memory_space<vmem_shared>> -> memref<10240x128xf32, #tpu.memory_space<vmem_shared>>
      tpu.wait_indirect_dma semaphore(%arg29 : memref<!tpu.dma_semaphore, #tpu.memory_space<semaphore_mem>>) src(%arg16 : memref<128x128xf32, #tpu.memory_space<vmem>>) dst(%dma_wait3A_342 : memref<10240x128xf32, #tpu.memory_space<vmem_shared>>)
      %add3A_343 = arith.constant 3 : i32
      %add3A_344 = arith.addi %add3A_332, %add3A_343 : i32
      %mul3A_345 = arith.constant 128 : i32
      %mul3A_346 = arith.muli %add3A_344, %mul3A_345 : i32
      %add3A_347 = arith.addi %mul3A_8, %mul3A_346 : i32
      %dma_start3A_348 = tpu.memref_slice %arg4[%add3A_347] : memref<163840xi32, #tpu.memory_space<hbm>> -> memref<128xi32, #tpu.memory_space<hbm>>
      %dma_start3A_349 = tpu.memref_slice %arg4[%add3A_347] : memref<163840xi32, #tpu.memory_space<hbm>> -> memref<128xi32, #tpu.memory_space<hbm>>
      tpu.enqueue_dma source(%dma_start3A_349 : memref<128xi32, #tpu.memory_space<hbm>>) target(%arg12 : memref<128xi32, #tpu.memory_space<vmem>>) target_semaphore(%arg23 : memref<!tpu.dma_semaphore, #tpu.memory_space<semaphore_mem>>)
      %dma_start3A_350 = arith.constant 0 : i32
      %dma_start3A_351 = arith.constant 0 : i32
      %dma_start3A_352 = tpu.memref_slice %arg2[%dma_start3A_350, %dma_start3A_351] : memref<20480x128xf32, #tpu.memory_space<hbm>> -> memref<20480x128xf32, #tpu.memory_space<hbm>>
      tpu.enqueue_indirect_dma source(%dma_start3A_352 : memref<20480x128xf32, #tpu.memory_space<hbm>>) target(%arg16 : memref<128x128xf32, #tpu.memory_space<vmem>>) offsets(%arg10 : memref<128xi32, #tpu.memory_space<vmem>>) semaphore(%arg27 : memref<!tpu.dma_semaphore, #tpu.memory_space<semaphore_mem>>)
      %dma_wait3A_353 = arith.constant 0 : i32
      %dma_wait3A_354 = arith.constant 0 : i32
      %dma_wait3A_355 = tpu.memref_slice %arg2[%dma_wait3A_353, %dma_wait3A_354] : memref<20480x128xf32, #tpu.memory_space<hbm>> -> memref<20480x128xf32, #tpu.memory_space<hbm>>
      tpu.wait_indirect_dma semaphore(%arg26 : memref<!tpu.dma_semaphore, #tpu.memory_space<semaphore_mem>>) src(%dma_wait3A_355 : memref<20480x128xf32, #tpu.memory_space<hbm>>) dst(%arg15 : memref<128x128xf32, #tpu.memory_space<vmem>>)
      %add3A_356 = arith.constant 4 : i32
      %add3A_357 = arith.addi %add3A_332, %add3A_356 : i32
      %mul3A_358 = arith.constant 128 : i32
      %mul3A_359 = arith.muli %add3A_357, %mul3A_358 : i32
      %add3A_360 = arith.addi %add3A, %mul3A_359 : i32
      %dma_start3A_361 = tpu.memref_slice %arg3[%add3A_360] : memref<327680xi32, #tpu.memory_space<hbm>> -> memref<128xi32, #tpu.memory_space<hbm>>
      %dma_start3A_362 = tpu.memref_slice %arg3[%add3A_360] : memref<327680xi32, #tpu.memory_space<hbm>> -> memref<128xi32, #tpu.memory_space<hbm>>
      tpu.enqueue_dma source(%dma_start3A_362 : memref<128xi32, #tpu.memory_space<hbm>>) target(%arg9 : memref<128xi32, #tpu.memory_space<vmem>>) target_semaphore(%arg20 : memref<!tpu.dma_semaphore, #tpu.memory_space<semaphore_mem>>)
      %mul3A_363 = arith.constant 128 : i32
      %mul3A_364 = arith.muli %add3A_332, %mul3A_363 : i32
      %add3A_365 = arith.addi %mul3A_8, %mul3A_364 : i32
      %dma_wait3A_366 = tpu.memref_slice %arg4[%add3A_365] : memref<163840xi32, #tpu.memory_space<hbm>> -> memref<128xi32, #tpu.memory_space<hbm>>
      %dma_wait3A_367 = tpu.memref_slice %arg4[%add3A_365] : memref<163840xi32, #tpu.memory_space<hbm>> -> memref<128xi32, #tpu.memory_space<hbm>>
      tpu.wait_dma2 semaphore(%arg24 : memref<!tpu.dma_semaphore, #tpu.memory_space<semaphore_mem>>) src(%dma_wait3A_367 : memref<128xi32, #tpu.memory_space<hbm>>) dst(%arg13 : memref<128xi32, #tpu.memory_space<vmem>>)
      %dma_start3A_368 = arith.constant 0 : i32
      %dma_start3A_369 = arith.constant 0 : i32
      %dma_start3A_370 = tpu.memref_slice %arg17[%dma_start3A_368, %dma_start3A_369] : memref<10240x128xf32, #tpu.memory_space<vmem_shared>> -> memref<10240x128xf32, #tpu.memory_space<vmem_shared>>
      tpu.enqueue_indirect_dma source(%arg15 : memref<128x128xf32, #tpu.memory_space<vmem>>) target(%dma_start3A_370 : memref<10240x128xf32, #tpu.memory_space<vmem_shared>>) offsets(%arg13 : memref<128xi32, #tpu.memory_space<vmem>>) semaphore(%arg28 : memref<!tpu.dma_semaphore, #tpu.memory_space<semaphore_mem>>) {add = true}
      %add3A_371 = arith.constant 3 : i32
      %add3A_372 = arith.addi %mul3A_250, %add3A_371 : i32
      %add3A_373 = arith.constant 1 : i32
      %add3A_374 = arith.addi %add3A_372, %add3A_373 : i32
      %mul3A_375 = arith.constant 128 : i32
      %mul3A_376 = arith.muli %add3A_374, %mul3A_375 : i32
      %add3A_377 = arith.addi %add3A, %mul3A_376 : i32
      %dma_wait3A_378 = tpu.memref_slice %arg3[%add3A_377] : memref<327680xi32, #tpu.memory_space<hbm>> -> memref<128xi32, #tpu.memory_space<hbm>>
      %dma_wait3A_379 = tpu.memref_slice %arg3[%add3A_377] : memref<327680xi32, #tpu.memory_space<hbm>> -> memref<128xi32, #tpu.memory_space<hbm>>
      tpu.wait_dma2 semaphore(%arg18 : memref<!tpu.dma_semaphore, #tpu.memory_space<semaphore_mem>>) src(%dma_wait3A_379 : memref<128xi32, #tpu.memory_space<hbm>>) dst(%arg7 : memref<128xi32, #tpu.memory_space<vmem>>)
      %dma_wait3A_380 = arith.constant 0 : i32
      %dma_wait3A_381 = arith.constant 0 : i32
      %dma_wait3A_382 = tpu.memref_slice %arg17[%dma_wait3A_380, %dma_wait3A_381] : memref<10240x128xf32, #tpu.memory_space<vmem_shared>> -> memref<10240x128xf32, #tpu.memory_space<vmem_shared>>
      tpu.wait_indirect_dma semaphore(%arg28 : memref<!tpu.dma_semaphore, #tpu.memory_space<semaphore_mem>>) src(%arg15 : memref<128x128xf32, #tpu.memory_space<vmem>>) dst(%dma_wait3A_382 : memref<10240x128xf32, #tpu.memory_space<vmem_shared>>)
      %add3A_383 = arith.constant 3 : i32
      %add3A_384 = arith.addi %add3A_372, %add3A_383 : i32
      %mul3A_385 = arith.constant 128 : i32
      %mul3A_386 = arith.muli %add3A_384, %mul3A_385 : i32
      %add3A_387 = arith.addi %mul3A_8, %mul3A_386 : i32
      %dma_start3A_388 = tpu.memref_slice %arg4[%add3A_387] : memref<163840xi32, #tpu.memory_space<hbm>> -> memref<128xi32, #tpu.memory_space<hbm>>
      %dma_start3A_389 = tpu.memref_slice %arg4[%add3A_387] : memref<163840xi32, #tpu.memory_space<hbm>> -> memref<128xi32, #tpu.memory_space<hbm>>
      tpu.enqueue_dma source(%dma_start3A_389 : memref<128xi32, #tpu.memory_space<hbm>>) target(%arg13 : memref<128xi32, #tpu.memory_space<vmem>>) target_semaphore(%arg24 : memref<!tpu.dma_semaphore, #tpu.memory_space<semaphore_mem>>)
      %dma_start3A_390 = arith.constant 0 : i32
      %dma_start3A_391 = arith.constant 0 : i32
      %dma_start3A_392 = tpu.memref_slice %arg2[%dma_start3A_390, %dma_start3A_391] : memref<20480x128xf32, #tpu.memory_space<hbm>> -> memref<20480x128xf32, #tpu.memory_space<hbm>>
      tpu.enqueue_indirect_dma source(%dma_start3A_392 : memref<20480x128xf32, #tpu.memory_space<hbm>>) target(%arg15 : memref<128x128xf32, #tpu.memory_space<vmem>>) offsets(%arg7 : memref<128xi32, #tpu.memory_space<vmem>>) semaphore(%arg26 : memref<!tpu.dma_semaphore, #tpu.memory_space<semaphore_mem>>)
      %dma_wait3A_393 = arith.constant 0 : i32
      %dma_wait3A_394 = arith.constant 0 : i32
      %dma_wait3A_395 = tpu.memref_slice %arg2[%dma_wait3A_393, %dma_wait3A_394] : memref<20480x128xf32, #tpu.memory_space<hbm>> -> memref<20480x128xf32, #tpu.memory_space<hbm>>
      tpu.wait_indirect_dma semaphore(%arg27 : memref<!tpu.dma_semaphore, #tpu.memory_space<semaphore_mem>>) src(%dma_wait3A_395 : memref<20480x128xf32, #tpu.memory_space<hbm>>) dst(%arg16 : memref<128x128xf32, #tpu.memory_space<vmem>>)
      %add3A_396 = arith.constant 4 : i32
      %add3A_397 = arith.addi %add3A_372, %add3A_396 : i32
      %mul3A_398 = arith.constant 128 : i32
      %mul3A_399 = arith.muli %add3A_397, %mul3A_398 : i32
      %add3A_400 = arith.addi %add3A, %mul3A_399 : i32
      %dma_start3A_401 = tpu.memref_slice %arg3[%add3A_400] : memref<327680xi32, #tpu.memory_space<hbm>> -> memref<128xi32, #tpu.memory_space<hbm>>
      %dma_start3A_402 = tpu.memref_slice %arg3[%add3A_400] : memref<327680xi32, #tpu.memory_space<hbm>> -> memref<128xi32, #tpu.memory_space<hbm>>
      tpu.enqueue_dma source(%dma_start3A_402 : memref<128xi32, #tpu.memory_space<hbm>>) target(%arg10 : memref<128xi32, #tpu.memory_space<vmem>>) target_semaphore(%arg21 : memref<!tpu.dma_semaphore, #tpu.memory_space<semaphore_mem>>)
      %mul3A_403 = arith.constant 128 : i32
      %mul3A_404 = arith.muli %add3A_372, %mul3A_403 : i32
      %add3A_405 = arith.addi %mul3A_8, %mul3A_404 : i32
      %dma_wait3A_406 = tpu.memref_slice %arg4[%add3A_405] : memref<163840xi32, #tpu.memory_space<hbm>> -> memref<128xi32, #tpu.memory_space<hbm>>
      %dma_wait3A_407 = tpu.memref_slice %arg4[%add3A_405] : memref<163840xi32, #tpu.memory_space<hbm>> -> memref<128xi32, #tpu.memory_space<hbm>>
      tpu.wait_dma2 semaphore(%arg25 : memref<!tpu.dma_semaphore, #tpu.memory_space<semaphore_mem>>) src(%dma_wait3A_407 : memref<128xi32, #tpu.memory_space<hbm>>) dst(%arg14 : memref<128xi32, #tpu.memory_space<vmem>>)
      %dma_start3A_408 = arith.constant 0 : i32
      %dma_start3A_409 = arith.constant 0 : i32
      %dma_start3A_410 = tpu.memref_slice %arg17[%dma_start3A_408, %dma_start3A_409] : memref<10240x128xf32, #tpu.memory_space<vmem_shared>> -> memref<10240x128xf32, #tpu.memory_space<vmem_shared>>
      tpu.enqueue_indirect_dma source(%arg16 : memref<128x128xf32, #tpu.memory_space<vmem>>) target(%dma_start3A_410 : memref<10240x128xf32, #tpu.memory_space<vmem_shared>>) offsets(%arg14 : memref<128xi32, #tpu.memory_space<vmem>>) semaphore(%arg29 : memref<!tpu.dma_semaphore, #tpu.memory_space<semaphore_mem>>) {add = true}
    }
    %scan3A_159 = arith.constant 18 : i32
    %add3A_160 = arith.constant 9856 : i32
    %add3A_161 = arith.addi %add3A, %add3A_160 : i32
    %dma_wait3A_162 = tpu.memref_slice %arg3[%add3A_161] : memref<327680xi32, #tpu.memory_space<hbm>> -> memref<128xi32, #tpu.memory_space<hbm>>
    %dma_wait3A_163 = tpu.memref_slice %arg3[%add3A_161] : memref<327680xi32, #tpu.memory_space<hbm>> -> memref<128xi32, #tpu.memory_space<hbm>>
    tpu.wait_dma2 semaphore(%arg19 : memref<!tpu.dma_semaphore, #tpu.memory_space<semaphore_mem>>) src(%dma_wait3A_163 : memref<128xi32, #tpu.memory_space<hbm>>) dst(%arg8 : memref<128xi32, #tpu.memory_space<vmem>>)
    %dma_wait3A_164 = arith.constant 0 : i32
    %dma_wait3A_165 = arith.constant 0 : i32
    %dma_wait3A_166 = tpu.memref_slice %arg17[%dma_wait3A_164, %dma_wait3A_165] : memref<10240x128xf32, #tpu.memory_space<vmem_shared>> -> memref<10240x128xf32, #tpu.memory_space<vmem_shared>>
    tpu.wait_indirect_dma semaphore(%arg29 : memref<!tpu.dma_semaphore, #tpu.memory_space<semaphore_mem>>) src(%arg16 : memref<128x128xf32, #tpu.memory_space<vmem>>) dst(%dma_wait3A_166 : memref<10240x128xf32, #tpu.memory_space<vmem_shared>>)
    %add3A_167 = arith.constant 10112 : i32
    %add3A_168 = arith.addi %mul3A_8, %add3A_167 : i32
    %dma_start3A_169 = tpu.memref_slice %arg4[%add3A_168] : memref<163840xi32, #tpu.memory_space<hbm>> -> memref<128xi32, #tpu.memory_space<hbm>>
    %dma_start3A_170 = tpu.memref_slice %arg4[%add3A_168] : memref<163840xi32, #tpu.memory_space<hbm>> -> memref<128xi32, #tpu.memory_space<hbm>>
    tpu.enqueue_dma source(%dma_start3A_170 : memref<128xi32, #tpu.memory_space<hbm>>) target(%arg14 : memref<128xi32, #tpu.memory_space<vmem>>) target_semaphore(%arg25 : memref<!tpu.dma_semaphore, #tpu.memory_space<semaphore_mem>>)
    %dma_start3A_171 = arith.constant 0 : i32
    %dma_start3A_172 = arith.constant 0 : i32
    %dma_start3A_173 = tpu.memref_slice %arg2[%dma_start3A_171, %dma_start3A_172] : memref<20480x128xf32, #tpu.memory_space<hbm>> -> memref<20480x128xf32, #tpu.memory_space<hbm>>
    tpu.enqueue_indirect_dma source(%dma_start3A_173 : memref<20480x128xf32, #tpu.memory_space<hbm>>) target(%arg16 : memref<128x128xf32, #tpu.memory_space<vmem>>) offsets(%arg8 : memref<128xi32, #tpu.memory_space<vmem>>) semaphore(%arg27 : memref<!tpu.dma_semaphore, #tpu.memory_space<semaphore_mem>>)
    %dma_wait3A_174 = arith.constant 0 : i32
    %dma_wait3A_175 = arith.constant 0 : i32
    %dma_wait3A_176 = tpu.memref_slice %arg2[%dma_wait3A_174, %dma_wait3A_175] : memref<20480x128xf32, #tpu.memory_space<hbm>> -> memref<20480x128xf32, #tpu.memory_space<hbm>>
    tpu.wait_indirect_dma semaphore(%arg26 : memref<!tpu.dma_semaphore, #tpu.memory_space<semaphore_mem>>) src(%dma_wait3A_176 : memref<20480x128xf32, #tpu.memory_space<hbm>>) dst(%arg15 : memref<128x128xf32, #tpu.memory_space<vmem>>)
    %add3A_177 = arith.constant 9728 : i32
    %add3A_178 = arith.addi %mul3A_8, %add3A_177 : i32
    %dma_wait3A_179 = tpu.memref_slice %arg4[%add3A_178] : memref<163840xi32, #tpu.memory_space<hbm>> -> memref<128xi32, #tpu.memory_space<hbm>>
    %dma_wait3A_180 = tpu.memref_slice %arg4[%add3A_178] : memref<163840xi32, #tpu.memory_space<hbm>> -> memref<128xi32, #tpu.memory_space<hbm>>
    tpu.wait_dma2 semaphore(%arg22 : memref<!tpu.dma_semaphore, #tpu.memory_space<semaphore_mem>>) src(%dma_wait3A_180 : memref<128xi32, #tpu.memory_space<hbm>>) dst(%arg11 : memref<128xi32, #tpu.memory_space<vmem>>)
    %dma_start3A_181 = arith.constant 0 : i32
    %dma_start3A_182 = arith.constant 0 : i32
    %dma_start3A_183 = tpu.memref_slice %arg17[%dma_start3A_181, %dma_start3A_182] : memref<10240x128xf32, #tpu.memory_space<vmem_shared>> -> memref<10240x128xf32, #tpu.memory_space<vmem_shared>>
    tpu.enqueue_indirect_dma source(%arg15 : memref<128x128xf32, #tpu.memory_space<vmem>>) target(%dma_start3A_183 : memref<10240x128xf32, #tpu.memory_space<vmem_shared>>) offsets(%arg11 : memref<128xi32, #tpu.memory_space<vmem>>) semaphore(%arg28 : memref<!tpu.dma_semaphore, #tpu.memory_space<semaphore_mem>>) {add = true}
    %add3A_184 = arith.constant 9984 : i32
    %add3A_185 = arith.addi %add3A, %add3A_184 : i32
    %dma_wait3A_186 = tpu.memref_slice %arg3[%add3A_185] : memref<327680xi32, #tpu.memory_space<hbm>> -> memref<128xi32, #tpu.memory_space<hbm>>
    %dma_wait3A_187 = tpu.memref_slice %arg3[%add3A_185] : memref<327680xi32, #tpu.memory_space<hbm>> -> memref<128xi32, #tpu.memory_space<hbm>>
    tpu.wait_dma2 semaphore(%arg20 : memref<!tpu.dma_semaphore, #tpu.memory_space<semaphore_mem>>) src(%dma_wait3A_187 : memref<128xi32, #tpu.memory_space<hbm>>) dst(%arg9 : memref<128xi32, #tpu.memory_space<vmem>>)
    %dma_wait3A_188 = arith.constant 0 : i32
    %dma_wait3A_189 = arith.constant 0 : i32
    %dma_wait3A_190 = tpu.memref_slice %arg17[%dma_wait3A_188, %dma_wait3A_189] : memref<10240x128xf32, #tpu.memory_space<vmem_shared>> -> memref<10240x128xf32, #tpu.memory_space<vmem_shared>>
    tpu.wait_indirect_dma semaphore(%arg28 : memref<!tpu.dma_semaphore, #tpu.memory_space<semaphore_mem>>) src(%arg15 : memref<128x128xf32, #tpu.memory_space<vmem>>) dst(%dma_wait3A_190 : memref<10240x128xf32, #tpu.memory_space<vmem_shared>>)
    %dma_start3A_191 = arith.constant 0 : i32
    %dma_start3A_192 = arith.constant 0 : i32
    %dma_start3A_193 = tpu.memref_slice %arg2[%dma_start3A_191, %dma_start3A_192] : memref<20480x128xf32, #tpu.memory_space<hbm>> -> memref<20480x128xf32, #tpu.memory_space<hbm>>
    tpu.enqueue_indirect_dma source(%dma_start3A_193 : memref<20480x128xf32, #tpu.memory_space<hbm>>) target(%arg15 : memref<128x128xf32, #tpu.memory_space<vmem>>) offsets(%arg9 : memref<128xi32, #tpu.memory_space<vmem>>) semaphore(%arg26 : memref<!tpu.dma_semaphore, #tpu.memory_space<semaphore_mem>>)
    %dma_wait3A_194 = arith.constant 0 : i32
    %dma_wait3A_195 = arith.constant 0 : i32
    %dma_wait3A_196 = tpu.memref_slice %arg2[%dma_wait3A_194, %dma_wait3A_195] : memref<20480x128xf32, #tpu.memory_space<hbm>> -> memref<20480x128xf32, #tpu.memory_space<hbm>>
    tpu.wait_indirect_dma semaphore(%arg27 : memref<!tpu.dma_semaphore, #tpu.memory_space<semaphore_mem>>) src(%dma_wait3A_196 : memref<20480x128xf32, #tpu.memory_space<hbm>>) dst(%arg16 : memref<128x128xf32, #tpu.memory_space<vmem>>)
    %add3A_197 = arith.constant 9856 : i32
    %add3A_198 = arith.addi %mul3A_8, %add3A_197 : i32
    %dma_wait3A_199 = tpu.memref_slice %arg4[%add3A_198] : memref<163840xi32, #tpu.memory_space<hbm>> -> memref<128xi32, #tpu.memory_space<hbm>>
    %dma_wait3A_200 = tpu.memref_slice %arg4[%add3A_198] : memref<163840xi32, #tpu.memory_space<hbm>> -> memref<128xi32, #tpu.memory_space<hbm>>
    tpu.wait_dma2 semaphore(%arg23 : memref<!tpu.dma_semaphore, #tpu.memory_space<semaphore_mem>>) src(%dma_wait3A_200 : memref<128xi32, #tpu.memory_space<hbm>>) dst(%arg12 : memref<128xi32, #tpu.memory_space<vmem>>)
    %dma_start3A_201 = arith.constant 0 : i32
    %dma_start3A_202 = arith.constant 0 : i32
    %dma_start3A_203 = tpu.memref_slice %arg17[%dma_start3A_201, %dma_start3A_202] : memref<10240x128xf32, #tpu.memory_space<vmem_shared>> -> memref<10240x128xf32, #tpu.memory_space<vmem_shared>>
    tpu.enqueue_indirect_dma source(%arg16 : memref<128x128xf32, #tpu.memory_space<vmem>>) target(%dma_start3A_203 : memref<10240x128xf32, #tpu.memory_space<vmem_shared>>) offsets(%arg12 : memref<128xi32, #tpu.memory_space<vmem>>) semaphore(%arg29 : memref<!tpu.dma_semaphore, #tpu.memory_space<semaphore_mem>>) {add = true}
    %add3A_204 = arith.constant 10112 : i32
    %add3A_205 = arith.addi %add3A, %add3A_204 : i32
    %dma_wait3A_206 = tpu.memref_slice %arg3[%add3A_205] : memref<327680xi32, #tpu.memory_space<hbm>> -> memref<128xi32, #tpu.memory_space<hbm>>
    %dma_wait3A_207 = tpu.memref_slice %arg3[%add3A_205] : memref<327680xi32, #tpu.memory_space<hbm>> -> memref<128xi32, #tpu.memory_space<hbm>>
    tpu.wait_dma2 semaphore(%arg21 : memref<!tpu.dma_semaphore, #tpu.memory_space<semaphore_mem>>) src(%dma_wait3A_207 : memref<128xi32, #tpu.memory_space<hbm>>) dst(%arg10 : memref<128xi32, #tpu.memory_space<vmem>>)
    %dma_wait3A_208 = arith.constant 0 : i32
    %dma_wait3A_209 = arith.constant 0 : i32
    %dma_wait3A_210 = tpu.memref_slice %arg17[%dma_wait3A_208, %dma_wait3A_209] : memref<10240x128xf32, #tpu.memory_space<vmem_shared>> -> memref<10240x128xf32, #tpu.memory_space<vmem_shared>>
    tpu.wait_indirect_dma semaphore(%arg29 : memref<!tpu.dma_semaphore, #tpu.memory_space<semaphore_mem>>) src(%arg16 : memref<128x128xf32, #tpu.memory_space<vmem>>) dst(%dma_wait3A_210 : memref<10240x128xf32, #tpu.memory_space<vmem_shared>>)
    %dma_start3A_211 = arith.constant 0 : i32
    %dma_start3A_212 = arith.constant 0 : i32
    %dma_start3A_213 = tpu.memref_slice %arg2[%dma_start3A_211, %dma_start3A_212] : memref<20480x128xf32, #tpu.memory_space<hbm>> -> memref<20480x128xf32, #tpu.memory_space<hbm>>
    tpu.enqueue_indirect_dma source(%dma_start3A_213 : memref<20480x128xf32, #tpu.memory_space<hbm>>) target(%arg16 : memref<128x128xf32, #tpu.memory_space<vmem>>) offsets(%arg10 : memref<128xi32, #tpu.memory_space<vmem>>) semaphore(%arg27 : memref<!tpu.dma_semaphore, #tpu.memory_space<semaphore_mem>>)
    %dma_wait3A_214 = arith.constant 0 : i32
    %dma_wait3A_215 = arith.constant 0 : i32
    %dma_wait3A_216 = tpu.memref_slice %arg2[%dma_wait3A_214, %dma_wait3A_215] : memref<20480x128xf32, #tpu.memory_space<hbm>> -> memref<20480x128xf32, #tpu.memory_space<hbm>>
    tpu.wait_indirect_dma semaphore(%arg26 : memref<!tpu.dma_semaphore, #tpu.memory_space<semaphore_mem>>) src(%dma_wait3A_216 : memref<20480x128xf32, #tpu.memory_space<hbm>>) dst(%arg15 : memref<128x128xf32, #tpu.memory_space<vmem>>)
    %add3A_217 = arith.constant 9984 : i32
    %add3A_218 = arith.addi %mul3A_8, %add3A_217 : i32
    %dma_wait3A_219 = tpu.memref_slice %arg4[%add3A_218] : memref<163840xi32, #tpu.memory_space<hbm>> -> memref<128xi32, #tpu.memory_space<hbm>>
    %dma_wait3A_220 = tpu.memref_slice %arg4[%add3A_218] : memref<163840xi32, #tpu.memory_space<hbm>> -> memref<128xi32, #tpu.memory_space<hbm>>
    tpu.wait_dma2 semaphore(%arg24 : memref<!tpu.dma_semaphore, #tpu.memory_space<semaphore_mem>>) src(%dma_wait3A_220 : memref<128xi32, #tpu.memory_space<hbm>>) dst(%arg13 : memref<128xi32, #tpu.memory_space<vmem>>)
    %dma_start3A_221 = arith.constant 0 : i32
    %dma_start3A_222 = arith.constant 0 : i32
    %dma_start3A_223 = tpu.memref_slice %arg17[%dma_start3A_221, %dma_start3A_222] : memref<10240x128xf32, #tpu.memory_space<vmem_shared>> -> memref<10240x128xf32, #tpu.memory_space<vmem_shared>>
    tpu.enqueue_indirect_dma source(%arg15 : memref<128x128xf32, #tpu.memory_space<vmem>>) target(%dma_start3A_223 : memref<10240x128xf32, #tpu.memory_space<vmem_shared>>) offsets(%arg13 : memref<128xi32, #tpu.memory_space<vmem>>) semaphore(%arg28 : memref<!tpu.dma_semaphore, #tpu.memory_space<semaphore_mem>>) {add = true}
    %dma_wait3A_224 = arith.constant 0 : i32
    %dma_wait3A_225 = arith.constant 0 : i32
    %dma_wait3A_226 = tpu.memref_slice %arg2[%dma_wait3A_224, %dma_wait3A_225] : memref<20480x128xf32, #tpu.memory_space<hbm>> -> memref<20480x128xf32, #tpu.memory_space<hbm>>
    tpu.wait_indirect_dma semaphore(%arg27 : memref<!tpu.dma_semaphore, #tpu.memory_space<semaphore_mem>>) src(%dma_wait3A_226 : memref<20480x128xf32, #tpu.memory_space<hbm>>) dst(%arg16 : memref<128x128xf32, #tpu.memory_space<vmem>>)
    %add3A_227 = arith.constant 10112 : i32
    %add3A_228 = arith.addi %mul3A_8, %add3A_227 : i32
    %dma_wait3A_229 = tpu.memref_slice %arg4[%add3A_228] : memref<163840xi32, #tpu.memory_space<hbm>> -> memref<128xi32, #tpu.memory_space<hbm>>
    %dma_wait3A_230 = tpu.memref_slice %arg4[%add3A_228] : memref<163840xi32, #tpu.memory_space<hbm>> -> memref<128xi32, #tpu.memory_space<hbm>>
    tpu.wait_dma2 semaphore(%arg25 : memref<!tpu.dma_semaphore, #tpu.memory_space<semaphore_mem>>) src(%dma_wait3A_230 : memref<128xi32, #tpu.memory_space<hbm>>) dst(%arg14 : memref<128xi32, #tpu.memory_space<vmem>>)
    %dma_start3A_231 = arith.constant 0 : i32
    %dma_start3A_232 = arith.constant 0 : i32
    %dma_start3A_233 = tpu.memref_slice %arg17[%dma_start3A_231, %dma_start3A_232] : memref<10240x128xf32, #tpu.memory_space<vmem_shared>> -> memref<10240x128xf32, #tpu.memory_space<vmem_shared>>
    tpu.enqueue_indirect_dma source(%arg16 : memref<128x128xf32, #tpu.memory_space<vmem>>) target(%dma_start3A_233 : memref<10240x128xf32, #tpu.memory_space<vmem_shared>>) offsets(%arg14 : memref<128xi32, #tpu.memory_space<vmem>>) semaphore(%arg29 : memref<!tpu.dma_semaphore, #tpu.memory_space<semaphore_mem>>) {add = true}
    %dma_wait3A_234 = arith.constant 0 : i32
    %dma_wait3A_235 = arith.constant 0 : i32
    %dma_wait3A_236 = tpu.memref_slice %arg17[%dma_wait3A_234, %dma_wait3A_235] : memref<10240x128xf32, #tpu.memory_space<vmem_shared>> -> memref<10240x128xf32, #tpu.memory_space<vmem_shared>>
    tpu.wait_indirect_dma semaphore(%arg28 : memref<!tpu.dma_semaphore, #tpu.memory_space<semaphore_mem>>) src(%arg15 : memref<128x128xf32, #tpu.memory_space<vmem>>) dst(%dma_wait3A_236 : memref<10240x128xf32, #tpu.memory_space<vmem_shared>>)
    %dma_wait3A_237 = arith.constant 0 : i32
    %dma_wait3A_238 = arith.constant 0 : i32
    %dma_wait3A_239 = tpu.memref_slice %arg17[%dma_wait3A_237, %dma_wait3A_238] : memref<10240x128xf32, #tpu.memory_space<vmem_shared>> -> memref<10240x128xf32, #tpu.memory_space<vmem_shared>>
    tpu.wait_indirect_dma semaphore(%arg29 : memref<!tpu.dma_semaphore, #tpu.memory_space<semaphore_mem>>) src(%arg16 : memref<128x128xf32, #tpu.memory_space<vmem>>) dst(%dma_wait3A_239 : memref<10240x128xf32, #tpu.memory_space<vmem_shared>>)
    %barrier3A_240 = arith.constant 0 : index
    tpu.barrier barrier_id(%barrier3A_240)
    %mul3A_241 = arith.constant 640 : i32
    %mul3A_242 = arith.muli %arg1, %mul3A_241 : i32
    %mul3A_243 = arith.constant 10240 : i32
    %mul3A_244 = arith.muli %arg0, %mul3A_243 : i32
    %mul3A_245 = arith.constant 640 : i32
    %mul3A_246 = arith.muli %arg1, %mul3A_245 : i32
    %add3A_247 = arith.addi %mul3A_244, %mul3A_246 : i32
    "tpu.region"() ({
      %run_scoped3A = tpu.sem_alloc : memref<!tpu.dma_semaphore, #tpu.memory_space<semaphore_mem>>
      %dma_start3A_248 = arith.constant 0 : i32
      %dma_start3A_249 = tpu.memref_slice %arg6[%add3A_247, %dma_start3A_248] : memref<20480x128xf32, #tpu.memory_space<hbm>> -> memref<640x128xf32, #tpu.memory_space<hbm>>
      %dma_start3A_250 = arith.constant 0 : i32
      %dma_start3A_251 = tpu.memref_slice %arg17[%mul3A_242, %dma_start3A_250] : memref<10240x128xf32, #tpu.memory_space<vmem_shared>> -> memref<640x128xf32, #tpu.memory_space<vmem_shared>>
      tpu.enqueue_dma source(%dma_start3A_251 : memref<640x128xf32, #tpu.memory_space<vmem_shared>>) target(%dma_start3A_249 : memref<640x128xf32, #tpu.memory_space<hbm>>) target_semaphore(%run_scoped3A : memref<!tpu.dma_semaphore, #tpu.memory_space<semaphore_mem>>)
      %dma_wait3A_252 = arith.constant 0 : i32
      %dma_wait3A_253 = tpu.memref_slice %arg6[%add3A_247, %dma_wait3A_252] : memref<20480x128xf32, #tpu.memory_space<hbm>> -> memref<640x128xf32, #tpu.memory_space<hbm>>
      %dma_wait3A_254 = arith.constant 0 : i32
      %dma_wait3A_255 = tpu.memref_slice %arg17[%mul3A_242, %dma_wait3A_254] : memref<10240x128xf32, #tpu.memory_space<vmem_shared>> -> memref<640x128xf32, #tpu.memory_space<vmem_shared>>
      tpu.wait_dma2 semaphore(%run_scoped3A : memref<!tpu.dma_semaphore, #tpu.memory_space<semaphore_mem>>) src(%dma_wait3A_255 : memref<640x128xf32, #tpu.memory_space<vmem_shared>>) dst(%dma_wait3A_253 : memref<640x128xf32, #tpu.memory_space<hbm>>)
      tpu.yield
    }) : () -> ()
    return
  }
}

module attributes {stable_mosaic.version = 14 : i64} {
  func.func @_layer1_kernel(%arg0: i32, %arg1: memref<1x512x128xf32, #tpu.memory_space<vmem>>, %arg2: memref<1x512x128xf32, #tpu.memory_space<vmem>>, %arg3: memref<512x256xf32, #tpu.memory_space<vmem>>, %arg4: memref<256x256xf32, #tpu.memory_space<vmem>>, %arg5: memref<2x512x128xf32, #tpu.memory_space<vmem>>) attributes {dimension_semantics = [#tpu.dimension_semantics<arbitrary>], iteration_bounds = array<i64: 20>, scalar_prefetch = 0 : i64, scratch_operands = 0 : i64, tpu.core_type = #tpu.core_type<tc>, window_params = [{transform_indices = @transform_0, window_bounds = array<i64: 1, 512, 128>}, {transform_indices = @transform_1, window_bounds = array<i64: 1, 512, 128>}, {transform_indices = @transform_2, window_bounds = array<i64: 512, 256>}, {pipeline_mode = #tpu.pipeline_mode<synchronous>, transform_indices = @transform_3, window_bounds = array<i64: 256, 256>}, {transform_indices = @transform_4, window_bounds = array<i64: 2, 512, 128>}]} {
    %get3A = arith.constant 0 : index
    %get3A_0 = arith.constant 0 : index
    %get3A_1 = arith.constant 0 : index
    %get3A_2 = vector.load %arg1[%get3A, %get3A_0, %get3A_1] : memref<1x512x128xf32, #tpu.memory_space<vmem>>, vector<1x512x128xf32>
    %get3A_3 = vector.shape_cast %get3A_2 : vector<1x512x128xf32> to vector<512x128xf32>
    %get3A_4 = arith.constant 0 : index
    %get3A_5 = arith.constant 0 : index
    %get3A_6 = arith.constant 0 : index
    %get3A_7 = vector.load %arg2[%get3A_4, %get3A_5, %get3A_6] : memref<1x512x128xf32, #tpu.memory_space<vmem>>, vector<1x512x128xf32>
    %get3A_8 = vector.shape_cast %get3A_7 : vector<1x512x128xf32> to vector<512x128xf32>
    %concatenate3A = tpu.concatenate %get3A_3, %get3A_8 in 1 : vector<512x128xf32>, vector<512x128xf32> -> vector<512x256xf32>
    %get3A_9 = arith.constant 0 : index
    %get3A_10 = arith.constant 0 : index
    %get3A_11 = vector.load %arg3[%get3A_9, %get3A_10] : memref<512x256xf32, #tpu.memory_space<vmem>>, vector<512x256xf32>
    %add3A = arith.addf %concatenate3A, %get3A_11 : vector<512x256xf32>
    %get3A_12 = arith.constant 0 : index
    %get3A_13 = arith.constant 0 : index
    %get3A_14 = vector.load %arg4[%get3A_12, %get3A_13] : memref<256x256xf32, #tpu.memory_space<vmem>>, vector<256x256xf32>
    %dot_general3A = arith.constant dense<0.000000e+00> : vector<512x256xf32>
    %dot_general3A_15 = tpu.matmul %add3A, %get3A_14, %dot_general3A {dimension_numbers = #tpu.dot_dimension_numbers<[1], [0], [0], [1], [0, 0, 1, 1], [], []>, transpose_lhs_hint = false} : vector<512x256xf32>, vector<256x256xf32>, vector<512x256xf32> -> vector<512x256xf32>
    %max3A = arith.constant 0.000000e+00 : f32
    %max3A_16 = vector.broadcast %max3A : f32 to vector<512x256xf32>
    %max3A_17 = arith.maximumf %dot_general3A_15, %max3A_16 : vector<512x256xf32>
    %slice3A = vector.extract_strided_slice %max3A_17 {offsets = [0, 0], sizes = [512, 128], strides = [1, 1]} : vector<512x256xf32> to vector<512x128xf32>
    %swap3A = arith.constant 0 : index
    %swap3A_18 = arith.constant 0 : index
    %swap3A_19 = arith.constant 0 : index
    %swap3A_20 = vector.load %arg5[%swap3A, %swap3A_18, %swap3A_19] : memref<2x512x128xf32, #tpu.memory_space<vmem>>, vector<1x512x128xf32>
    %swap3A_21 = vector.shape_cast %swap3A_20 : vector<1x512x128xf32> to vector<512x128xf32>
    %swap3A_22 = vector.shape_cast %slice3A : vector<512x128xf32> to vector<1x512x128xf32>
    tpu.vector_store %arg5[%swap3A, %swap3A_18, %swap3A_19], %swap3A_22 {strides = array<i32>} : memref<2x512x128xf32, #tpu.memory_space<vmem>>, vector<1x512x128xf32>,
    %slice3A_23 = vector.extract_strided_slice %max3A_17 {offsets = [0, 128], sizes = [512, 128], strides = [1, 1]} : vector<512x256xf32> to vector<512x128xf32>
    %swap3A_24 = arith.constant 1 : index
    %swap3A_25 = arith.constant 0 : index
    %swap3A_26 = arith.constant 0 : index
    %swap3A_27 = vector.load %arg5[%swap3A_24, %swap3A_25, %swap3A_26] : memref<2x512x128xf32, #tpu.memory_space<vmem>>, vector<1x512x128xf32>
    %swap3A_28 = vector.shape_cast %swap3A_27 : vector<1x512x128xf32> to vector<512x128xf32>
    %swap3A_29 = vector.shape_cast %slice3A_23 : vector<512x128xf32> to vector<1x512x128xf32>
    tpu.vector_store %arg5[%swap3A_24, %swap3A_25, %swap3A_26], %swap3A_29 {strides = array<i32>} : memref<2x512x128xf32, #tpu.memory_space<vmem>>, vector<1x512x128xf32>,
    return
  }
  func.func @transform_0(%arg0: i32) -> (i32, i32, i32) {
    %c0_i32 = arith.constant 0 : i32
    %c0_i32_0 = arith.constant 0 : i32
    %c0_i32_1 = arith.constant 0 : i32
    return %c0_i32, %arg0, %c0_i32_0 : i32, i32, i32
  }
  func.func @transform_1(%arg0: i32) -> (i32, i32, i32) {
    %c1_i32 = arith.constant 1 : i32
    %c0_i32 = arith.constant 0 : i32
    %c0_i32_0 = arith.constant 0 : i32
    return %c1_i32, %arg0, %c0_i32 : i32, i32, i32
  }
  func.func @transform_2(%arg0: i32) -> (i32, i32) {
    %c0_i32 = arith.constant 0 : i32
    %c0_i32_0 = arith.constant 0 : i32
    return %arg0, %c0_i32 : i32, i32
  }
  func.func @transform_3(%arg0: i32) -> (i32, i32) {
    %c0_i32 = arith.constant 0 : i32
    %c0_i32_0 = arith.constant 0 : i32
    %c0_i32_1 = arith.constant 0 : i32
    return %c0_i32, %c0_i32_0 : i32, i32
  }
  func.func @transform_4(%arg0: i32) -> (i32, i32, i32) {
    %c0_i32 = arith.constant 0 : i32
    %c0_i32_0 = arith.constant 0 : i32
    %c0_i32_1 = arith.constant 0 : i32
    return %c0_i32, %arg0, %c0_i32_0 : i32, i32, i32
  }
}

module attributes {stable_mosaic.version = 14 : i64} {
  func.func @_reduce_kernel(%arg0: i32, %arg1: memref<1x512x128xf32, #tpu.memory_space<vmem>>, %arg2: memref<1x512x128xf32, #tpu.memory_space<vmem>>, %arg3: memref<1x512x128xf32, #tpu.memory_space<vmem>>, %arg4: memref<1x512x128xf32, #tpu.memory_space<vmem>>, %arg5: memref<256x256xf32, #tpu.memory_space<vmem>>, %arg6: memref<8x256xf32, #tpu.memory_space<vmem>>) attributes {dimension_semantics = [#tpu.dimension_semantics<arbitrary>], iteration_bounds = array<i64: 20>, scalar_prefetch = 0 : i64, scratch_operands = 0 : i64, tpu.core_type = #tpu.core_type<tc>, window_params = [{transform_indices = @transform_0, window_bounds = array<i64: 1, 512, 128>}, {transform_indices = @transform_1, window_bounds = array<i64: 1, 512, 128>}, {transform_indices = @transform_2, window_bounds = array<i64: 1, 512, 128>}, {transform_indices = @transform_3, window_bounds = array<i64: 1, 512, 128>}, {pipeline_mode = #tpu.pipeline_mode<synchronous>, transform_indices = @transform_4, window_bounds = array<i64: 256, 256>}, {pipeline_mode = #tpu.pipeline_mode<synchronous>, transform_indices = @transform_5, window_bounds = array<i64: 8, 256>}]} {
    %get3A = arith.constant 0 : index
    %get3A_0 = arith.constant 0 : index
    %get3A_1 = arith.constant 0 : index
    %get3A_2 = vector.load %arg1[%get3A, %get3A_0, %get3A_1] : memref<1x512x128xf32, #tpu.memory_space<vmem>>, vector<1x512x128xf32>
    %get3A_3 = vector.shape_cast %get3A_2 : vector<1x512x128xf32> to vector<512x128xf32>
    %get3A_4 = arith.constant 0 : index
    %get3A_5 = arith.constant 0 : index
    %get3A_6 = arith.constant 0 : index
    %get3A_7 = vector.load %arg2[%get3A_4, %get3A_5, %get3A_6] : memref<1x512x128xf32, #tpu.memory_space<vmem>>, vector<1x512x128xf32>
    %get3A_8 = vector.shape_cast %get3A_7 : vector<1x512x128xf32> to vector<512x128xf32>
    %concatenate3A = tpu.concatenate %get3A_3, %get3A_8 in 1 : vector<512x128xf32>, vector<512x128xf32> -> vector<512x256xf32>
    %get3A_9 = arith.constant 0 : index
    %get3A_10 = arith.constant 0 : index
    %get3A_11 = arith.constant 0 : index
    %get3A_12 = vector.load %arg3[%get3A_9, %get3A_10, %get3A_11] : memref<1x512x128xf32, #tpu.memory_space<vmem>>, vector<1x512x128xf32>
    %get3A_13 = vector.shape_cast %get3A_12 : vector<1x512x128xf32> to vector<512x128xf32>
    %get3A_14 = arith.constant 0 : index
    %get3A_15 = arith.constant 0 : index
    %get3A_16 = arith.constant 0 : index
    %get3A_17 = vector.load %arg4[%get3A_14, %get3A_15, %get3A_16] : memref<1x512x128xf32, #tpu.memory_space<vmem>>, vector<1x512x128xf32>
    %get3A_18 = vector.shape_cast %get3A_17 : vector<1x512x128xf32> to vector<512x128xf32>
    %concatenate3A_19 = tpu.concatenate %get3A_13, %get3A_18 in 1 : vector<512x128xf32>, vector<512x128xf32> -> vector<512x256xf32>
    %add3A = arith.addf %concatenate3A, %concatenate3A_19 : vector<512x256xf32>
    %get3A_20 = arith.constant 0 : index
    %get3A_21 = arith.constant 0 : index
    %get3A_22 = vector.load %arg5[%get3A_20, %get3A_21] : memref<256x256xf32, #tpu.memory_space<vmem>>, vector<256x256xf32>
    %dot_general3A = arith.constant dense<0.000000e+00> : vector<512x256xf32>
    %dot_general3A_23 = tpu.matmul %add3A, %get3A_22, %dot_general3A {dimension_numbers = #tpu.dot_dimension_numbers<[1], [0], [0], [1], [0, 0, 1, 1], [], []>, transpose_lhs_hint = false} : vector<512x256xf32>, vector<256x256xf32>, vector<512x256xf32> -> vector<512x256xf32>
    %max3A = arith.constant 0.000000e+00 : f32
    %max3A_24 = vector.broadcast %max3A : f32 to vector<512x256xf32>
    %max3A_25 = arith.maximumf %dot_general3A_23, %max3A_24 : vector<512x256xf32>
    %reduce_sum3A = arith.constant dense<0.000000e+00> : vector<256xf32>
    %reduce_sum3A_26 = vector.multi_reduction <add>, %max3A_25, %reduce_sum3A [0] : vector<512x256xf32> to vector<256xf32>
    %broadcast_in_dim3A = vector.shape_cast %reduce_sum3A_26 : vector<256xf32> to vector<1x256xf32>
    %eq3A = arith.constant 0 : i32
    %eq3A_27 = arith.cmpi eq, %arg0, %eq3A : i32
    %convert_element_type3A = arith.extui %eq3A_27 : i1 to i32
    %cond3A = arith.constant 0 : i32
    %cond3A_28 = arith.cmpi ne, %convert_element_type3A, %cond3A : i32
    scf.if %cond3A_28 {
      %broadcast_in_dim3A_35 = arith.constant 0.000000e+00 : f32
      %broadcast_in_dim3A_36 = vector.broadcast %broadcast_in_dim3A_35 : f32 to vector<8x256xf32>
      %swap3A_37 = arith.constant 0 : index
      %swap3A_38 = arith.constant 0 : index
      %swap3A_39 = vector.load %arg6[%swap3A_37, %swap3A_38] : memref<8x256xf32, #tpu.memory_space<vmem>>, vector<8x256xf32>
      tpu.vector_store %arg6[%swap3A_37, %swap3A_38], %broadcast_in_dim3A_36 {strides = array<i32>} : memref<8x256xf32, #tpu.memory_space<vmem>>, vector<8x256xf32>,
    } else {
    }
    %get3A_29 = arith.constant 0 : index
    %get3A_30 = arith.constant 0 : index
    %get3A_31 = vector.load %arg6[%get3A_29, %get3A_30] : memref<8x256xf32, #tpu.memory_space<vmem>>, vector<1x256xf32>
    %add3A_32 = arith.addf %get3A_31, %broadcast_in_dim3A : vector<1x256xf32>
    %swap3A = arith.constant 0 : index
    %swap3A_33 = arith.constant 0 : index
    %swap3A_34 = vector.load %arg6[%swap3A, %swap3A_33] : memref<8x256xf32, #tpu.memory_space<vmem>>, vector<1x256xf32>
    tpu.vector_store %arg6[%swap3A, %swap3A_33], %add3A_32 {strides = array<i32>} : memref<8x256xf32, #tpu.memory_space<vmem>>, vector<1x256xf32>,
    return
  }
  func.func @transform_0(%arg0: i32) -> (i32, i32, i32) {
    %c0_i32 = arith.constant 0 : i32
    %c0_i32_0 = arith.constant 0 : i32
    %c0_i32_1 = arith.constant 0 : i32
    return %c0_i32, %arg0, %c0_i32_0 : i32, i32, i32
  }
  func.func @transform_1(%arg0: i32) -> (i32, i32, i32) {
    %c1_i32 = arith.constant 1 : i32
    %c0_i32 = arith.constant 0 : i32
    %c0_i32_0 = arith.constant 0 : i32
    return %c1_i32, %arg0, %c0_i32 : i32, i32, i32
  }
  func.func @transform_2(%arg0: i32) -> (i32, i32, i32) {
    %c0_i32 = arith.constant 0 : i32
    %c0_i32_0 = arith.constant 0 : i32
    %c0_i32_1 = arith.constant 0 : i32
    return %c0_i32, %arg0, %c0_i32_0 : i32, i32, i32
  }
  func.func @transform_3(%arg0: i32) -> (i32, i32, i32) {
    %c1_i32 = arith.constant 1 : i32
    %c0_i32 = arith.constant 0 : i32
    %c0_i32_0 = arith.constant 0 : i32
    return %c1_i32, %arg0, %c0_i32 : i32, i32, i32
  }
  func.func @transform_4(%arg0: i32) -> (i32, i32) {
    %c0_i32 = arith.constant 0 : i32
    %c0_i32_0 = arith.constant 0 : i32
    %c0_i32_1 = arith.constant 0 : i32
    return %c0_i32, %c0_i32_0 : i32, i32
  }
  func.func @transform_5(%arg0: i32) -> (i32, i32) {
    %c0_i32 = arith.constant 0 : i32
    %c0_i32_0 = arith.constant 0 : i32
    %c0_i32_1 = arith.constant 0 : i32
    return %c0_i32, %c0_i32_0 : i32, i32
  }
}

module attributes {stable_mosaic.version = 14 : i64} {
  func.func @_decode_kernel(%arg0: memref<8x256xf32, #tpu.memory_space<vmem>>, %arg1: memref<40x14xf32, #tpu.memory_space<vmem>>, %arg2: memref<2x80xi32, #tpu.memory_space<vmem>>, %arg3: memref<78xi32, #tpu.memory_space<smem>>, %arg4: memref<39x3xf32, #tpu.memory_space<vmem>>, %arg5: memref<14x256xf32, #tpu.memory_space<vmem>>, %arg6: memref<256x256xf32, #tpu.memory_space<vmem>>, %arg7: memref<10x256xf32, #tpu.memory_space<vmem>>, %arg8: memref<256x256xf32, #tpu.memory_space<vmem>>, %arg9: memref<256x10xf32, #tpu.memory_space<vmem>>, %arg10: memref<1x10xf32, #tpu.memory_space<vmem>>, %arg11: memref<256x1xf32, #tpu.memory_space<vmem>>, %arg12: memref<10x1xf32, #tpu.memory_space<vmem>>, %arg13: memref<1x3xf32, #tpu.memory_space<vmem>>, %arg14: memref<256x3xf32, #tpu.memory_space<vmem>>, %arg15: memref<256x3xf32, #tpu.memory_space<vmem>>, %arg16: memref<256x3xf32, #tpu.memory_space<vmem>>, %arg17: memref<10x3xf32, #tpu.memory_space<vmem>>, %arg18: memref<256x3xf32, #tpu.memory_space<vmem>>, %arg19: memref<10x3xf32, #tpu.memory_space<vmem>>, %arg20: memref<256x3xf32, #tpu.memory_space<vmem>>, %arg21: memref<1x3xf32, #tpu.memory_space<vmem>>, %arg22: memref<1x1xf32, #tpu.memory_space<smem>>) attributes {dimension_semantics = [], scalar_prefetch = 0 : i64, scratch_operands = 0 : i64, tpu.core_type = #tpu.core_type<tc>} {
    %get3A = arith.constant 0 : index
    %get3A_0 = arith.constant 0 : index
    %get3A_1 = vector.load %arg0[%get3A, %get3A_0] : memref<8x256xf32, #tpu.memory_space<vmem>>, vector<1x256xf32>
    %mul3A = arith.constant 9.99999974E-5 : f32
    %mul3A_2 = vector.broadcast %mul3A : f32 to vector<1x256xf32>
    %mul3A_3 = arith.mulf %get3A_1, %mul3A_2 : vector<1x256xf32>
    %get3A_4 = arith.constant 0 : index
    %get3A_5 = arith.constant 0 : index
    %get3A_6 = vector.load %arg1[%get3A_4, %get3A_5] : memref<40x14xf32, #tpu.memory_space<vmem>>, vector<40x14xf32>
    %iota3A = tpu.iota {dimensions = array<i32: 0>} : vector<40x80xi32>
    %get3A_7 = arith.constant 1 : index
    %get3A_8 = arith.constant 0 : index
    %get3A_9 = vector.load %arg2[%get3A_7, %get3A_8] : memref<2x80xi32, #tpu.memory_space<vmem>>, vector<1x80xi32>
    %eq3A = vector.broadcast %get3A_9 : vector<1x80xi32> to vector<40x80xi32>
    %eq3A_10 = arith.cmpi eq, %iota3A, %eq3A : vector<40x80xi32>
    %convert_element_type3A = arith.extui %eq3A_10 : vector<40x80xi1> to vector<40x80xi32>
    %convert_element_type3A_11 = arith.sitofp %convert_element_type3A : vector<40x80xi32> to vector<40x80xf32>
    %get3A_12 = arith.constant 0 : index
    %get3A_13 = arith.constant 0 : index
    %get3A_14 = vector.load %arg2[%get3A_12, %get3A_13] : memref<2x80xi32, #tpu.memory_space<vmem>>, vector<1x80xi32>
    %eq3A_15 = vector.broadcast %get3A_14 : vector<1x80xi32> to vector<40x80xi32>
    %eq3A_16 = arith.cmpi eq, %iota3A, %eq3A_15 : vector<40x80xi32>
    %convert_element_type3A_17 = arith.extui %eq3A_16 : vector<40x80xi1> to vector<40x80xi32>
    %convert_element_type3A_18 = arith.sitofp %convert_element_type3A_17 : vector<40x80xi32> to vector<40x80xf32>
    %dot_general3A = arith.constant dense<0.000000e+00> : vector<40x40xf32>
    %dot_general3A_19 = tpu.matmul %convert_element_type3A_11, %convert_element_type3A_18, %dot_general3A {dimension_numbers = #tpu.dot_dimension_numbers<[1], [1], [0], [0], [0, 0, 1, 0], [], []>, transpose_lhs_hint = false} : vector<40x80xf32>, vector<40x80xf32>, vector<40x40xf32> -> vector<40x40xf32>
    %dot_general3A_20 = arith.constant dense<0.000000e+00> : vector<40x14xf32>
    %dot_general3A_21 = tpu.matmul %dot_general3A_19, %get3A_6, %dot_general3A_20 {dimension_numbers = #tpu.dot_dimension_numbers<[1], [0], [0], [1], [0, 0, 1, 1], [], []>, transpose_lhs_hint = false} : vector<40x40xf32>, vector<40x14xf32>, vector<40x14xf32> -> vector<40x14xf32>
    %add3A = arith.addf %dot_general3A_21, %get3A_6 : vector<40x14xf32>
    %get3A_22 = arith.constant 0 : index
    %get3A_23 = arith.constant 0 : index
    %get3A_24 = vector.load %arg5[%get3A_22, %get3A_23] : memref<14x256xf32, #tpu.memory_space<vmem>>, vector<14x256xf32>
    %dot_general3A_25 = arith.constant dense<0.000000e+00> : vector<40x256xf32>
    %dot_general3A_26 = tpu.matmul %add3A, %get3A_24, %dot_general3A_25 {dimension_numbers = #tpu.dot_dimension_numbers<[1], [0], [0], [1], [0, 0, 1, 1], [], []>, transpose_lhs_hint = false} : vector<40x14xf32>, vector<14x256xf32>, vector<40x256xf32> -> vector<40x256xf32>
    %max3A = arith.constant 0.000000e+00 : f32
    %max3A_27 = vector.broadcast %max3A : f32 to vector<40x256xf32>
    %max3A_28 = arith.maximumf %dot_general3A_26, %max3A_27 : vector<40x256xf32>
    %dot_general3A_29 = arith.constant dense<0.000000e+00> : vector<40x256xf32>
    %dot_general3A_30 = tpu.matmul %dot_general3A_19, %max3A_28, %dot_general3A_29 {dimension_numbers = #tpu.dot_dimension_numbers<[1], [0], [0], [1], [0, 0, 1, 1], [], []>, transpose_lhs_hint = false} : vector<40x40xf32>, vector<40x256xf32>, vector<40x256xf32> -> vector<40x256xf32>
    %add3A_31 = arith.addf %dot_general3A_30, %max3A_28 : vector<40x256xf32>
    %get3A_32 = arith.constant 0 : index
    %get3A_33 = arith.constant 0 : index
    %get3A_34 = vector.load %arg6[%get3A_32, %get3A_33] : memref<256x256xf32, #tpu.memory_space<vmem>>, vector<256x256xf32>
    %dot_general3A_35 = arith.constant dense<0.000000e+00> : vector<40x256xf32>
    %dot_general3A_36 = tpu.matmul %add3A_31, %get3A_34, %dot_general3A_35 {dimension_numbers = #tpu.dot_dimension_numbers<[1], [0], [0], [1], [0, 0, 1, 1], [], []>, transpose_lhs_hint = false} : vector<40x256xf32>, vector<256x256xf32>, vector<40x256xf32> -> vector<40x256xf32>
    %max3A_37 = arith.constant 0.000000e+00 : f32
    %max3A_38 = vector.broadcast %max3A_37 : f32 to vector<40x256xf32>
    %max3A_39 = arith.maximumf %dot_general3A_36, %max3A_38 : vector<40x256xf32>
    %reduce_sum3A = arith.constant dense<0.000000e+00> : vector<256xf32>
    %reduce_sum3A_40 = vector.multi_reduction <add>, %max3A_39, %reduce_sum3A [0] : vector<40x256xf32> to vector<256xf32>
    %broadcast_in_dim3A = vector.shape_cast %reduce_sum3A_40 : vector<256xf32> to vector<1x256xf32>
    %mul3A_41 = arith.constant 2.500000e-02 : f32
    %mul3A_42 = vector.broadcast %mul3A_41 : f32 to vector<1x256xf32>
    %mul3A_43 = arith.mulf %broadcast_in_dim3A, %mul3A_42 : vector<1x256xf32>
    %get3A_44 = arith.constant 0 : index
    %get3A_45 = arith.constant 0 : index
    %get3A_46 = vector.load %arg9[%get3A_44, %get3A_45] : memref<256x10xf32, #tpu.memory_space<vmem>>, vector<256x10xf32>
    %dot_general3A_47 = arith.constant dense<0.000000e+00> : vector<40x10xf32>
    %dot_general3A_48 = tpu.matmul %max3A_39, %get3A_46, %dot_general3A_47 {dimension_numbers = #tpu.dot_dimension_numbers<[1], [0], [0], [1], [0, 0, 1, 1], [], []>, transpose_lhs_hint = false} : vector<40x256xf32>, vector<256x10xf32>, vector<40x10xf32> -> vector<40x10xf32>
    %get3A_49 = arith.constant 0 : index
    %get3A_50 = arith.constant 0 : index
    %get3A_51 = vector.load %arg10[%get3A_49, %get3A_50] : memref<1x10xf32, #tpu.memory_space<vmem>>, vector<1x10xf32>
    %add3A_52 = vector.broadcast %get3A_51 : vector<1x10xf32> to vector<40x10xf32>
    %add3A_53 = arith.addf %dot_general3A_48, %add3A_52 : vector<40x10xf32>
    %reduce_max3A = arith.constant dense<0xFF800000> : vector<40xf32>
    %reduce_max3A_54 = vector.multi_reduction <maximumf>, %add3A_53, %reduce_max3A [1] : vector<40x10xf32> to vector<40xf32>
    %broadcast_in_dim3A_55 = vector.shape_cast %reduce_max3A_54 : vector<40xf32> to vector<40x1xf32>
    %sub3A = vector.broadcast %broadcast_in_dim3A_55 : vector<40x1xf32> to vector<40x10xf32>
    %sub3A_56 = arith.subf %add3A_53, %sub3A : vector<40x10xf32>
    %exp3A = math.exp %sub3A_56 : vector<40x10xf32>
    %reduce_sum3A_57 = arith.constant dense<0.000000e+00> : vector<40xf32>
    %reduce_sum3A_58 = vector.multi_reduction <add>, %exp3A, %reduce_sum3A_57 [1] : vector<40x10xf32> to vector<40xf32>
    %broadcast_in_dim3A_59 = vector.shape_cast %reduce_sum3A_58 : vector<40xf32> to vector<40x1xf32>
    %div3A = vector.broadcast %broadcast_in_dim3A_59 : vector<40x1xf32> to vector<40x10xf32>
    %div3A_60 = arith.divf %exp3A, %div3A : vector<40x10xf32>
    %slice3A = vector.extract_strided_slice %get3A_6 {offsets = [0, 4], sizes = [40, 10], strides = [1, 1]} : vector<40x14xf32> to vector<40x10xf32>
    %mul3A_61 = arith.mulf %div3A_60, %slice3A : vector<40x10xf32>
    %reduce_sum3A_62 = arith.constant dense<0.000000e+00> : vector<40xf32>
    %reduce_sum3A_63 = vector.multi_reduction <add>, %mul3A_61, %reduce_sum3A_62 [1] : vector<40x10xf32> to vector<40xf32>
    %add3A_64 = arith.constant 9.99999993E-9 : f32
    %add3A_65 = vector.broadcast %add3A_64 : f32 to vector<40xf32>
    %add3A_66 = arith.addf %reduce_sum3A_63, %add3A_65 : vector<40xf32>
    %log3A = math.log %add3A_66 : vector<40xf32>
    %reduce_sum3A_67 = vector.shape_cast %log3A : vector<40xf32> to vector<1x40xf32>
    %reduce_sum3A_68 = arith.constant dense<0.000000e+00> : vector<1xf32>
    %reduce_sum3A_69 = vector.multi_reduction <add>, %reduce_sum3A_67, %reduce_sum3A_68 [1] : vector<1x40xf32> to vector<1xf32>
    %reduce_sum3A_70 = vector.shape_cast %reduce_sum3A_69 : vector<1xf32> to vector<1x1xf32>
    %reduce_sum3A_71 = vector.extract %reduce_sum3A_70[0, 0] : f32 from vector<1x1xf32>
    %iota3A_72 = tpu.iota {dimensions = array<i32: 0>} : vector<48x1xi32>
    %lt3A = arith.constant 40 : i32
    %lt3A_73 = vector.broadcast %lt3A : i32 to vector<48x1xi32>
    %lt3A_74 = arith.cmpi slt, %iota3A_72, %lt3A_73 : vector<48x1xi32>
    %convert_element_type3A_75 = arith.extui %lt3A_74 : vector<48x1xi1> to vector<48x1xi32>
    %convert_element_type3A_76 = arith.sitofp %convert_element_type3A_75 : vector<48x1xi32> to vector<48x1xf32>
    %jit3A = arith.constant 0 : i32
    %convert_element_type3A_77 = arith.sitofp %jit3A : i32 to f32
    %pad3A = vector.broadcast %convert_element_type3A_77 : f32 to vector<8x10xf32>
    %pad3A_78 = tpu.concatenate %div3A_60, %pad3A in 0 : vector<40x10xf32>, vector<8x10xf32> -> vector<48x10xf32>
    %mul3A_79 = vector.broadcast %convert_element_type3A_76 : vector<48x1xf32> to vector<48x10xf32>
    %mul3A_80 = arith.mulf %pad3A_78, %mul3A_79 : vector<48x10xf32>
    %get3A_81 = arith.constant 0 : index
    %get3A_82 = arith.constant 0 : index
    %get3A_83 = vector.load %arg12[%get3A_81, %get3A_82] : memref<10x1xf32, #tpu.memory_space<vmem>>, vector<10x1xf32>
    %dot_general3A_84 = arith.constant dense<0.000000e+00> : vector<48x1xf32>
    %dot_general3A_85 = tpu.matmul %mul3A_80, %get3A_83, %dot_general3A_84 {dimension_numbers = #tpu.dot_dimension_numbers<[1], [0], [0], [1], [0, 0, 1, 1], [], []>, transpose_lhs_hint = false} : vector<48x10xf32>, vector<10x1xf32>, vector<48x1xf32> -> vector<48x1xf32>
    %get3A_86 = arith.constant 0 : index
    %get3A_87 = arith.constant 0 : index
    %get3A_88 = vector.load %arg14[%get3A_86, %get3A_87] : memref<256x3xf32, #tpu.memory_space<vmem>>, vector<256x3xf32>
    %dot_general3A_89 = arith.constant dense<0.000000e+00> : vector<1x3xf32>
    %dot_general3A_90 = tpu.matmul %mul3A_3, %get3A_88, %dot_general3A_89 {dimension_numbers = #tpu.dot_dimension_numbers<[1], [0], [0], [1], [0, 0, 1, 1], [], []>, transpose_lhs_hint = false} : vector<1x256xf32>, vector<256x3xf32>, vector<1x3xf32> -> vector<1x3xf32>
    %get3A_91 = arith.constant 0 : index
    %get3A_92 = arith.constant 0 : index
    %get3A_93 = vector.load %arg15[%get3A_91, %get3A_92] : memref<256x3xf32, #tpu.memory_space<vmem>>, vector<256x3xf32>
    %dot_general3A_94 = arith.constant dense<0.000000e+00> : vector<1x3xf32>
    %dot_general3A_95 = tpu.matmul %mul3A_43, %get3A_93, %dot_general3A_94 {dimension_numbers = #tpu.dot_dimension_numbers<[1], [0], [0], [1], [0, 0, 1, 1], [], []>, transpose_lhs_hint = false} : vector<1x256xf32>, vector<256x3xf32>, vector<1x3xf32> -> vector<1x3xf32>
    %add3A_96 = arith.addf %dot_general3A_90, %dot_general3A_95 : vector<1x3xf32>
    %get3A_97 = arith.constant 0 : index
    %get3A_98 = arith.constant 0 : index
    %get3A_99 = vector.load %arg21[%get3A_97, %get3A_98] : memref<1x3xf32, #tpu.memory_space<vmem>>, vector<1x3xf32>
    %add3A_100 = arith.addf %add3A_96, %get3A_99 : vector<1x3xf32>
    %get3A_101 = arith.constant 0 : index
    %get3A_102 = memref.load %arg3[%get3A_101] : memref<78xi32, #tpu.memory_space<smem>>
    %get3A_103 = arith.constant 39 : index
    %get3A_104 = memref.load %arg3[%get3A_103] : memref<78xi32, #tpu.memory_space<smem>>
    %iota3A_105 = tpu.iota {dimensions = array<i32: 0>} : vector<48x48xi32>
    %iota3A_106 = tpu.iota {dimensions = array<i32: 1>} : vector<48x48xi32>
    %eq3A_107 = vector.broadcast %get3A_104 : i32 to vector<48x48xi32>
    %eq3A_108 = arith.cmpi eq, %iota3A_105, %eq3A_107 : vector<48x48xi32>
    %eq3A_109 = vector.broadcast %get3A_102 : i32 to vector<48x48xi32>
    %eq3A_110 = arith.cmpi eq, %iota3A_106, %eq3A_109 : vector<48x48xi32>
    %and3A = arith.andi %eq3A_108, %eq3A_110 : vector<48x48xi1>
    %convert_element_type3A_111 = arith.extui %and3A : vector<48x48xi1> to vector<48x48xi32>
    %convert_element_type3A_112 = arith.sitofp %convert_element_type3A_111 : vector<48x48xi32> to vector<48x48xf32>
    %dot_general3A_113 = arith.constant dense<0.000000e+00> : vector<48x10xf32>
    %dot_general3A_114 = tpu.matmul %convert_element_type3A_112, %mul3A_80, %dot_general3A_113 {dimension_numbers = #tpu.dot_dimension_numbers<[1], [0], [0], [1], [0, 0, 1, 1], [], []>, transpose_lhs_hint = false} : vector<48x48xf32>, vector<48x10xf32>, vector<48x10xf32> -> vector<48x10xf32>
    %add3A_115 = arith.addf %dot_general3A_114, %mul3A_80 : vector<48x10xf32>
    %get3A_116 = arith.constant 0 : index
    %get3A_117 = arith.constant 0 : index
    %get3A_118 = vector.load %arg7[%get3A_116, %get3A_117] : memref<10x256xf32, #tpu.memory_space<vmem>>, vector<10x256xf32>
    %dot_general3A_119 = arith.constant dense<0.000000e+00> : vector<48x256xf32>
    %dot_general3A_120 = tpu.matmul %add3A_115, %get3A_118, %dot_general3A_119 {dimension_numbers = #tpu.dot_dimension_numbers<[1], [0], [0], [1], [0, 0, 1, 1], [], []>, transpose_lhs_hint = false} : vector<48x10xf32>, vector<10x256xf32>, vector<48x256xf32> -> vector<48x256xf32>
    %max3A_121 = arith.constant 0.000000e+00 : f32
    %max3A_122 = vector.broadcast %max3A_121 : f32 to vector<48x256xf32>
    %max3A_123 = arith.maximumf %dot_general3A_120, %max3A_122 : vector<48x256xf32>
    %dot_general3A_124 = arith.constant dense<0.000000e+00> : vector<48x256xf32>
    %dot_general3A_125 = tpu.matmul %convert_element_type3A_112, %max3A_123, %dot_general3A_124 {dimension_numbers = #tpu.dot_dimension_numbers<[1], [0], [0], [1], [0, 0, 1, 1], [], []>, transpose_lhs_hint = false} : vector<48x48xf32>, vector<48x256xf32>, vector<48x256xf32> -> vector<48x256xf32>
    %add3A_126 = arith.addf %dot_general3A_125, %max3A_123 : vector<48x256xf32>
    %get3A_127 = arith.constant 0 : index
    %get3A_128 = arith.constant 0 : index
    %get3A_129 = vector.load %arg8[%get3A_127, %get3A_128] : memref<256x256xf32, #tpu.memory_space<vmem>>, vector<256x256xf32>
    %dot_general3A_130 = arith.constant dense<0.000000e+00> : vector<48x256xf32>
    %dot_general3A_131 = tpu.matmul %add3A_126, %get3A_129, %dot_general3A_130 {dimension_numbers = #tpu.dot_dimension_numbers<[1], [0], [0], [1], [0, 0, 1, 1], [], []>, transpose_lhs_hint = false} : vector<48x256xf32>, vector<256x256xf32>, vector<48x256xf32> -> vector<48x256xf32>
    %max3A_132 = arith.constant 0.000000e+00 : f32
    %max3A_133 = vector.broadcast %max3A_132 : f32 to vector<48x256xf32>
    %max3A_134 = arith.maximumf %dot_general3A_131, %max3A_133 : vector<48x256xf32>
    %mul3A_135 = vector.broadcast %convert_element_type3A_76 : vector<48x1xf32> to vector<48x256xf32>
    %mul3A_136 = arith.mulf %max3A_134, %mul3A_135 : vector<48x256xf32>
    %reduce_sum3A_137 = arith.constant dense<0.000000e+00> : vector<256xf32>
    %reduce_sum3A_138 = vector.multi_reduction <add>, %mul3A_136, %reduce_sum3A_137 [0] : vector<48x256xf32> to vector<256xf32>
    %broadcast_in_dim3A_139 = vector.shape_cast %reduce_sum3A_138 : vector<256xf32> to vector<1x256xf32>
    %mul3A_140 = arith.constant 2.500000e-02 : f32
    %mul3A_141 = vector.broadcast %mul3A_140 : f32 to vector<1x256xf32>
    %mul3A_142 = arith.mulf %broadcast_in_dim3A_139, %mul3A_141 : vector<1x256xf32>
    %le3A = arith.constant 40 : i32
    %le3A_143 = vector.broadcast %le3A : i32 to vector<48x1xi32>
    %le3A_144 = arith.cmpi sle, %iota3A_72, %le3A_143 : vector<48x1xi32>
    %broadcast_in_dim3A_145 = arith.constant 0.000000e+00 : f32
    %broadcast_in_dim3A_146 = vector.broadcast %broadcast_in_dim3A_145 : f32 to vector<48x48xf32>
    %scan3A = arith.constant 0.000000e+00 : f32
    %scan3A_147 = arith.constant 0 : i32
    %scan3A_148 = arith.constant 39 : i32
    %scan3A_149 = arith.addi %scan3A_147, %scan3A_148 : i32
    %scan3A_150 = arith.constant 1 : i32
    %scan3A_151:5 = scf.for %scan3A_155 = %scan3A_147 to %scan3A_149 step %scan3A_150 iter_args(%scan3A_156 = %broadcast_in_dim3A_146, %scan3A_157 = %mul3A_136, %scan3A_158 = %mul3A_142, %scan3A_159 = %reduce_sum3A_71, %scan3A_160 = %scan3A) -> (vector<48x48xf32>, vector<48x256xf32>, vector<1x256xf32>, f32, f32)  : i32 {
      %get3A_161 = arith.index_cast %scan3A_155 : i32 to index
      %get3A_162 = memref.load %arg3[%get3A_161] : memref<78xi32, #tpu.memory_space<smem>>
      %add3A_163 = arith.constant 39 : i32
      %add3A_164 = arith.addi %add3A_163, %scan3A_155 : i32
      %get3A_165 = arith.index_cast %add3A_164 : i32 to index
      %get3A_166 = memref.load %arg3[%get3A_165] : memref<78xi32, #tpu.memory_space<smem>>
      %get3A_167 = arith.constant 0 : index
      %get3A_168 = arith.constant 0 : index
      %get3A_169 = vector.load %arg11[%get3A_167, %get3A_168] : memref<256x1xf32, #tpu.memory_space<vmem>>, vector<256x1xf32>
      %dot_general3A_170 = arith.constant dense<0.000000e+00> : vector<48x1xf32>
      %dot_general3A_171 = tpu.matmul %scan3A_157, %get3A_169, %dot_general3A_170 {dimension_numbers = #tpu.dot_dimension_numbers<[1], [0], [0], [1], [0, 0, 1, 1], [], []>, transpose_lhs_hint = false} : vector<48x256xf32>, vector<256x1xf32>, vector<48x1xf32> -> vector<48x1xf32>
      %add3A_172 = arith.addf %dot_general3A_171, %dot_general3A_85 : vector<48x1xf32>
      %jit3A_173 = arith.constant -1.000000e+30 : f32
      %broadcast_in_dim3A_174 = vector.broadcast %jit3A_173 : f32 to vector<48x1xf32>
      %select_n3A = arith.select %le3A_144, %add3A_172, %broadcast_in_dim3A_174 : vector<48x1xi1>, vector<48x1xf32>
      %reduce_max3A_175 = vector.shape_cast %select_n3A : vector<48x1xf32> to vector<1x48x1xf32>
      %reduce_max3A_176 = arith.constant dense<0xFF800000> : vector<1xf32>
      %reduce_max3A_177 = vector.multi_reduction <maximumf>, %reduce_max3A_175, %reduce_max3A_176 [1, 2] : vector<1x48x1xf32> to vector<1xf32>
      %reduce_max3A_178 = vector.shape_cast %reduce_max3A_177 : vector<1xf32> to vector<1x1x1xf32>
      %reduce_max3A_179 = vector.extract %reduce_max3A_178[0, 0, 0] : f32 from vector<1x1x1xf32>
      %sub3A_180 = vector.broadcast %reduce_max3A_179 : f32 to vector<48x1xf32>
      %sub3A_181 = arith.subf %select_n3A, %sub3A_180 : vector<48x1xf32>
      %exp3A_182 = math.exp %sub3A_181 : vector<48x1xf32>
      %reduce_sum3A_183 = vector.shape_cast %exp3A_182 : vector<48x1xf32> to vector<1x48x1xf32>
      %reduce_sum3A_184 = arith.constant dense<0.000000e+00> : vector<1xf32>
      %reduce_sum3A_185 = vector.multi_reduction <add>, %reduce_sum3A_183, %reduce_sum3A_184 [1, 2] : vector<1x48x1xf32> to vector<1xf32>
      %reduce_sum3A_186 = vector.shape_cast %reduce_sum3A_185 : vector<1xf32> to vector<1x1x1xf32>
      %reduce_sum3A_187 = vector.extract %reduce_sum3A_186[0, 0, 0] : f32 from vector<1x1x1xf32>
      %log3A_188 = math.log %reduce_sum3A_187 : f32
      %add3A_189 = arith.addf %reduce_max3A_179, %log3A_188 : f32
      %eq3A_190 = vector.broadcast %get3A_166 : i32 to vector<48x1xi32>
      %eq3A_191 = arith.cmpi eq, %iota3A_72, %eq3A_190 : vector<48x1xi32>
      %jit3A_192 = arith.constant 0.000000e+00 : f32
      %broadcast_in_dim3A_193 = vector.broadcast %jit3A_192 : f32 to vector<48x1xf32>
      %select_n3A_194 = arith.select %eq3A_191, %add3A_172, %broadcast_in_dim3A_193 : vector<48x1xi1>, vector<48x1xf32>
      %reduce_sum3A_195 = vector.shape_cast %select_n3A_194 : vector<48x1xf32> to vector<1x48x1xf32>
      %reduce_sum3A_196 = arith.constant dense<0.000000e+00> : vector<1xf32>
      %reduce_sum3A_197 = vector.multi_reduction <add>, %reduce_sum3A_195, %reduce_sum3A_196 [1, 2] : vector<1x48x1xf32> to vector<1xf32>
      %reduce_sum3A_198 = vector.shape_cast %reduce_sum3A_197 : vector<1xf32> to vector<1x1x1xf32>
      %reduce_sum3A_199 = vector.extract %reduce_sum3A_198[0, 0, 0] : f32 from vector<1x1x1xf32>
      %add3A_200 = arith.addf %scan3A_159, %reduce_sum3A_199 : f32
      %sub3A_201 = arith.subf %add3A_200, %add3A_189 : f32
      %iota3A_202 = tpu.iota {dimensions = array<i32: 1>} : vector<1x48xi32>
      %eq3A_203 = vector.broadcast %get3A_162 : i32 to vector<1x48xi32>
      %eq3A_204 = arith.cmpi eq, %iota3A_202, %eq3A_203 : vector<1x48xi32>
      %convert_element_type3A_205 = arith.extui %eq3A_204 : vector<1x48xi1> to vector<1x48xi32>
      %convert_element_type3A_206 = arith.sitofp %convert_element_type3A_205 : vector<1x48xi32> to vector<1x48xf32>
      %iota3A_207 = tpu.iota {dimensions = array<i32: 1>} : vector<1x48xi32>
      %eq3A_208 = vector.broadcast %get3A_166 : i32 to vector<1x48xi32>
      %eq3A_209 = arith.cmpi eq, %iota3A_207, %eq3A_208 : vector<1x48xi32>
      %convert_element_type3A_210 = arith.extui %eq3A_209 : vector<1x48xi1> to vector<1x48xi32>
      %convert_element_type3A_211 = arith.sitofp %convert_element_type3A_210 : vector<1x48xi32> to vector<1x48xf32>
      %dot_general3A_212 = arith.constant dense<0.000000e+00> : vector<1x256xf32>
      %dot_general3A_213 = tpu.matmul %convert_element_type3A_206, %scan3A_157, %dot_general3A_212 {dimension_numbers = #tpu.dot_dimension_numbers<[1], [0], [0], [1], [0, 0, 1, 1], [], []>, transpose_lhs_hint = false} : vector<1x48xf32>, vector<48x256xf32>, vector<1x256xf32> -> vector<1x256xf32>
      %dot_general3A_214 = arith.constant dense<0.000000e+00> : vector<1x256xf32>
      %dot_general3A_215 = tpu.matmul %convert_element_type3A_211, %scan3A_157, %dot_general3A_214 {dimension_numbers = #tpu.dot_dimension_numbers<[1], [0], [0], [1], [0, 0, 1, 1], [], []>, transpose_lhs_hint = false} : vector<1x48xf32>, vector<48x256xf32>, vector<1x256xf32> -> vector<1x256xf32>
      %dot_general3A_216 = arith.constant dense<0.000000e+00> : vector<1x10xf32>
      %dot_general3A_217 = tpu.matmul %convert_element_type3A_206, %mul3A_80, %dot_general3A_216 {dimension_numbers = #tpu.dot_dimension_numbers<[1], [0], [0], [1], [0, 0, 1, 1], [], []>, transpose_lhs_hint = false} : vector<1x48xf32>, vector<48x10xf32>, vector<1x10xf32> -> vector<1x10xf32>
      %dot_general3A_218 = arith.constant dense<0.000000e+00> : vector<1x10xf32>
      %dot_general3A_219 = tpu.matmul %convert_element_type3A_211, %mul3A_80, %dot_general3A_218 {dimension_numbers = #tpu.dot_dimension_numbers<[1], [0], [0], [1], [0, 0, 1, 1], [], []>, transpose_lhs_hint = false} : vector<1x48xf32>, vector<48x10xf32>, vector<1x10xf32> -> vector<1x10xf32>
      %convert_element_type3A_220 = arith.sitofp %scan3A_155 : i32 to f32
      %get3A_221 = arith.constant 0 : index
      %get3A_222 = arith.constant 0 : index
      %get3A_223 = vector.load %arg13[%get3A_221, %get3A_222] : memref<1x3xf32, #tpu.memory_space<vmem>>, vector<1x3xf32>
      %mul3A_224 = vector.broadcast %convert_element_type3A_220 : f32 to vector<1x3xf32>
      %mul3A_225 = arith.mulf %mul3A_224, %get3A_223 : vector<1x3xf32>
      %add3A_226 = arith.addf %mul3A_225, %add3A_100 : vector<1x3xf32>
      %get3A_227 = arith.constant 0 : index
      %get3A_228 = arith.constant 0 : index
      %get3A_229 = vector.load %arg16[%get3A_227, %get3A_228] : memref<256x3xf32, #tpu.memory_space<vmem>>, vector<256x3xf32>
      %dot_general3A_230 = arith.constant dense<0.000000e+00> : vector<1x3xf32>
      %dot_general3A_231 = tpu.matmul %dot_general3A_213, %get3A_229, %dot_general3A_230 {dimension_numbers = #tpu.dot_dimension_numbers<[1], [0], [0], [1], [0, 0, 1, 1], [], []>, transpose_lhs_hint = false} : vector<1x256xf32>, vector<256x3xf32>, vector<1x3xf32> -> vector<1x3xf32>
      %add3A_232 = arith.addf %add3A_226, %dot_general3A_231 : vector<1x3xf32>
      %get3A_233 = arith.constant 0 : index
      %get3A_234 = arith.constant 0 : index
      %get3A_235 = vector.load %arg17[%get3A_233, %get3A_234] : memref<10x3xf32, #tpu.memory_space<vmem>>, vector<10x3xf32>
      %dot_general3A_236 = arith.constant dense<0.000000e+00> : vector<1x3xf32>
      %dot_general3A_237 = tpu.matmul %dot_general3A_217, %get3A_235, %dot_general3A_236 {dimension_numbers = #tpu.dot_dimension_numbers<[1], [0], [0], [1], [0, 0, 1, 1], [], []>, transpose_lhs_hint = false} : vector<1x10xf32>, vector<10x3xf32>, vector<1x3xf32> -> vector<1x3xf32>
      %add3A_238 = arith.addf %add3A_232, %dot_general3A_237 : vector<1x3xf32>
      %get3A_239 = arith.constant 0 : index
      %get3A_240 = arith.constant 0 : index
      %get3A_241 = vector.load %arg18[%get3A_239, %get3A_240] : memref<256x3xf32, #tpu.memory_space<vmem>>, vector<256x3xf32>
      %dot_general3A_242 = arith.constant dense<0.000000e+00> : vector<1x3xf32>
      %dot_general3A_243 = tpu.matmul %dot_general3A_215, %get3A_241, %dot_general3A_242 {dimension_numbers = #tpu.dot_dimension_numbers<[1], [0], [0], [1], [0, 0, 1, 1], [], []>, transpose_lhs_hint = false} : vector<1x256xf32>, vector<256x3xf32>, vector<1x3xf32> -> vector<1x3xf32>
      %add3A_244 = arith.addf %add3A_238, %dot_general3A_243 : vector<1x3xf32>
      %get3A_245 = arith.constant 0 : index
      %get3A_246 = arith.constant 0 : index
      %get3A_247 = vector.load %arg19[%get3A_245, %get3A_246] : memref<10x3xf32, #tpu.memory_space<vmem>>, vector<10x3xf32>
      %dot_general3A_248 = arith.constant dense<0.000000e+00> : vector<1x3xf32>
      %dot_general3A_249 = tpu.matmul %dot_general3A_219, %get3A_247, %dot_general3A_248 {dimension_numbers = #tpu.dot_dimension_numbers<[1], [0], [0], [1], [0, 0, 1, 1], [], []>, transpose_lhs_hint = false} : vector<1x10xf32>, vector<10x3xf32>, vector<1x3xf32> -> vector<1x3xf32>
      %add3A_250 = arith.addf %add3A_244, %dot_general3A_249 : vector<1x3xf32>
      %get3A_251 = arith.constant 0 : index
      %get3A_252 = arith.constant 0 : index
      %get3A_253 = vector.load %arg20[%get3A_251, %get3A_252] : memref<256x3xf32, #tpu.memory_space<vmem>>, vector<256x3xf32>
      %dot_general3A_254 = arith.constant dense<0.000000e+00> : vector<1x3xf32>
      %dot_general3A_255 = tpu.matmul %scan3A_158, %get3A_253, %dot_general3A_254 {dimension_numbers = #tpu.dot_dimension_numbers<[1], [0], [0], [1], [0, 0, 1, 1], [], []>, transpose_lhs_hint = false} : vector<1x256xf32>, vector<256x3xf32>, vector<1x3xf32> -> vector<1x3xf32>
      %add3A_256 = arith.addf %add3A_250, %dot_general3A_255 : vector<1x3xf32>
      %reduce_max3A_257 = vector.shape_cast %add3A_256 : vector<1x3xf32> to vector<1x1x3xf32>
      %reduce_max3A_258 = arith.constant dense<0xFF800000> : vector<1xf32>
      %reduce_max3A_259 = vector.multi_reduction <maximumf>, %reduce_max3A_257, %reduce_max3A_258 [1, 2] : vector<1x1x3xf32> to vector<1xf32>
      %reduce_max3A_260 = vector.shape_cast %reduce_max3A_259 : vector<1xf32> to vector<1x1x1xf32>
      %reduce_max3A_261 = vector.extract %reduce_max3A_260[0, 0, 0] : f32 from vector<1x1x1xf32>
      %sub3A_262 = vector.broadcast %reduce_max3A_261 : f32 to vector<1x3xf32>
      %sub3A_263 = arith.subf %add3A_256, %sub3A_262 : vector<1x3xf32>
      %exp3A_264 = math.exp %sub3A_263 : vector<1x3xf32>
      %reduce_sum3A_265 = vector.shape_cast %exp3A_264 : vector<1x3xf32> to vector<1x1x3xf32>
      %reduce_sum3A_266 = arith.constant dense<0.000000e+00> : vector<1xf32>
      %reduce_sum3A_267 = vector.multi_reduction <add>, %reduce_sum3A_265, %reduce_sum3A_266 [1, 2] : vector<1x1x3xf32> to vector<1xf32>
      %reduce_sum3A_268 = vector.shape_cast %reduce_sum3A_267 : vector<1xf32> to vector<1x1x1xf32>
      %reduce_sum3A_269 = vector.extract %reduce_sum3A_268[0, 0, 0] : f32 from vector<1x1x1xf32>
      %div3A_270 = vector.broadcast %reduce_sum3A_269 : f32 to vector<1x3xf32>
      %div3A_271 = arith.divf %exp3A_264, %div3A_270 : vector<1x3xf32>
      %get3A_272 = arith.index_cast %scan3A_155 : i32 to index
      %get3A_273 = arith.constant 0 : index
      %get3A_274 = vector.load %arg4[%get3A_272, %get3A_273] : memref<39x3xf32, #tpu.memory_space<vmem>>, vector<1x3xf32>
      %mul3A_275 = arith.mulf %div3A_271, %get3A_274 : vector<1x3xf32>
      %reduce_sum3A_276 = vector.shape_cast %mul3A_275 : vector<1x3xf32> to vector<1x1x3xf32>
      %reduce_sum3A_277 = arith.constant dense<0.000000e+00> : vector<1xf32>
      %reduce_sum3A_278 = vector.multi_reduction <add>, %reduce_sum3A_276, %reduce_sum3A_277 [1, 2] : vector<1x1x3xf32> to vector<1xf32>
      %reduce_sum3A_279 = vector.shape_cast %reduce_sum3A_278 : vector<1xf32> to vector<1x1x1xf32>
      %reduce_sum3A_280 = vector.extract %reduce_sum3A_279[0, 0, 0] : f32 from vector<1x1x1xf32>
      %add3A_281 = arith.constant 9.99999993E-9 : f32
      %add3A_282 = arith.addf %reduce_sum3A_280, %add3A_281 : f32
      %log3A_283 = math.log %add3A_282 : f32
      %add3A_284 = arith.addf %sub3A_201, %log3A_283 : f32
      %ne3A = arith.cmpi ne, %get3A_162, %get3A_166 : i32
      %convert_element_type3A_285 = arith.extui %ne3A : i1 to i32
      %convert_element_type3A_286 = arith.sitofp %convert_element_type3A_285 : i32 to f32
      %eq3A_287 = vector.broadcast %get3A_166 : i32 to vector<48x48xi32>
      %eq3A_288 = arith.cmpi eq, %iota3A_105, %eq3A_287 : vector<48x48xi32>
      %eq3A_289 = vector.broadcast %get3A_162 : i32 to vector<48x48xi32>
      %eq3A_290 = arith.cmpi eq, %iota3A_106, %eq3A_289 : vector<48x48xi32>
      %and3A_291 = arith.andi %eq3A_288, %eq3A_290 : vector<48x48xi1>
      %convert_element_type3A_292 = arith.extui %and3A_291 : vector<48x48xi1> to vector<48x48xi32>
      %convert_element_type3A_293 = arith.sitofp %convert_element_type3A_292 : vector<48x48xi32> to vector<48x48xf32>
      %eq3A_294 = vector.broadcast %get3A_162 : i32 to vector<48x48xi32>
      %eq3A_295 = arith.cmpi eq, %iota3A_105, %eq3A_294 : vector<48x48xi32>
      %eq3A_296 = vector.broadcast %get3A_166 : i32 to vector<48x48xi32>
      %eq3A_297 = arith.cmpi eq, %iota3A_106, %eq3A_296 : vector<48x48xi32>
      %and3A_298 = arith.andi %eq3A_295, %eq3A_297 : vector<48x48xi1>
      %convert_element_type3A_299 = arith.extui %and3A_298 : vector<48x48xi1> to vector<48x48xi32>
      %convert_element_type3A_300 = arith.sitofp %convert_element_type3A_299 : vector<48x48xi32> to vector<48x48xf32>
      %add3A_301 = arith.addf %convert_element_type3A_293, %convert_element_type3A_300 : vector<48x48xf32>
      %mul3A_302 = vector.broadcast %convert_element_type3A_286 : f32 to vector<48x48xf32>
      %mul3A_303 = arith.mulf %mul3A_302, %add3A_301 : vector<48x48xf32>
      %add3A_304 = arith.addf %scan3A_156, %mul3A_303 : vector<48x48xf32>
      %max3A_305 = arith.maximumf %scan3A_160, %convert_element_type3A_286 : f32
      %dot_general3A_306 = arith.constant dense<0.000000e+00> : vector<48x10xf32>
      %dot_general3A_307 = tpu.matmul %add3A_304, %mul3A_80, %dot_general3A_306 {dimension_numbers = #tpu.dot_dimension_numbers<[1], [0], [0], [1], [0, 0, 1, 1], [], []>, transpose_lhs_hint = false} : vector<48x48xf32>, vector<48x10xf32>, vector<48x10xf32> -> vector<48x10xf32>
      %add3A_308 = arith.addf %dot_general3A_307, %mul3A_80 : vector<48x10xf32>
      %get3A_309 = arith.constant 0 : index
      %get3A_310 = arith.constant 0 : index
      %get3A_311 = vector.load %arg7[%get3A_309, %get3A_310] : memref<10x256xf32, #tpu.memory_space<vmem>>, vector<10x256xf32>
      %dot_general3A_312 = arith.constant dense<0.000000e+00> : vector<48x256xf32>
      %dot_general3A_313 = tpu.matmul %add3A_308, %get3A_311, %dot_general3A_312 {dimension_numbers = #tpu.dot_dimension_numbers<[1], [0], [0], [1], [0, 0, 1, 1], [], []>, transpose_lhs_hint = false} : vector<48x10xf32>, vector<10x256xf32>, vector<48x256xf32> -> vector<48x256xf32>
      %max3A_314 = arith.constant 0.000000e+00 : f32
      %max3A_315 = vector.broadcast %max3A_314 : f32 to vector<48x256xf32>
      %max3A_316 = arith.maximumf %dot_general3A_313, %max3A_315 : vector<48x256xf32>
      %dot_general3A_317 = arith.constant dense<0.000000e+00> : vector<48x256xf32>
      %dot_general3A_318 = tpu.matmul %add3A_304, %max3A_316, %dot_general3A_317 {dimension_numbers = #tpu.dot_dimension_numbers<[1], [0], [0], [1], [0, 0, 1, 1], [], []>, transpose_lhs_hint = false} : vector<48x48xf32>, vector<48x256xf32>, vector<48x256xf32> -> vector<48x256xf32>
      %add3A_319 = arith.addf %dot_general3A_318, %max3A_316 : vector<48x256xf32>
      %get3A_320 = arith.constant 0 : index
      %get3A_321 = arith.constant 0 : index
      %get3A_322 = vector.load %arg8[%get3A_320, %get3A_321] : memref<256x256xf32, #tpu.memory_space<vmem>>, vector<256x256xf32>
      %dot_general3A_323 = arith.constant dense<0.000000e+00> : vector<48x256xf32>
      %dot_general3A_324 = tpu.matmul %add3A_319, %get3A_322, %dot_general3A_323 {dimension_numbers = #tpu.dot_dimension_numbers<[1], [0], [0], [1], [0, 0, 1, 1], [], []>, transpose_lhs_hint = false} : vector<48x256xf32>, vector<256x256xf32>, vector<48x256xf32> -> vector<48x256xf32>
      %max3A_325 = arith.constant 0.000000e+00 : f32
      %max3A_326 = vector.broadcast %max3A_325 : f32 to vector<48x256xf32>
      %max3A_327 = arith.maximumf %dot_general3A_324, %max3A_326 : vector<48x256xf32>
      %mul3A_328 = vector.broadcast %convert_element_type3A_76 : vector<48x1xf32> to vector<48x256xf32>
      %mul3A_329 = arith.mulf %max3A_327, %mul3A_328 : vector<48x256xf32>
      %mul3A_330 = vector.broadcast %max3A_305 : f32 to vector<48x256xf32>
      %mul3A_331 = arith.mulf %mul3A_330, %mul3A_329 : vector<48x256xf32>
      %sub3A_332 = arith.constant 1.000000e+00 : f32
      %sub3A_333 = arith.subf %sub3A_332, %max3A_305 : f32
      %mul3A_334 = vector.broadcast %sub3A_333 : f32 to vector<48x256xf32>
      %mul3A_335 = arith.mulf %mul3A_334, %scan3A_157 : vector<48x256xf32>
      %add3A_336 = arith.addf %mul3A_331, %mul3A_335 : vector<48x256xf32>
      %reduce_sum3A_337 = arith.constant dense<0.000000e+00> : vector<256xf32>
      %reduce_sum3A_338 = vector.multi_reduction <add>, %add3A_336, %reduce_sum3A_337 [0] : vector<48x256xf32> to vector<256xf32>
      %broadcast_in_dim3A_339 = vector.shape_cast %reduce_sum3A_338 : vector<256xf32> to vector<1x256xf32>
      %mul3A_340 = arith.constant 2.500000e-02 : f32
      %mul3A_341 = vector.broadcast %mul3A_340 : f32 to vector<1x256xf32>
      %mul3A_342 = arith.mulf %broadcast_in_dim3A_339, %mul3A_341 : vector<1x256xf32>
      scf.yield %add3A_304, %add3A_336, %mul3A_342, %add3A_284, %max3A_305 : vector<48x48xf32>, vector<48x256xf32>, vector<1x256xf32>, f32, f32
    }
    %scan3A_152 = arith.constant 39 : i32
    %swap3A = arith.constant 0 : index
    %swap3A_153 = arith.constant 0 : index
    %swap3A_154 = memref.load %arg22[%swap3A, %swap3A_153] : memref<1x1xf32, #tpu.memory_space<smem>>
    memref.store %scan3A_151#3, %arg22[%swap3A, %swap3A_153] : memref<1x1xf32, #tpu.memory_space<smem>>
    return
  }
}

</mosaic_0001>

<sc_bundles>
// kernel: kernel.10.cloned.1.call-start
scs
__scs_entry_jumppad:
0x0: {  	(pc) =	sbr.rel $0x88, $3  }
0x1: {  	(tag) =	ssettag $0x0;
	lr =	simm.s32 $0x1  }
0x2: {  	[smem:$0x3F90] =	sst lr;
	_ =	strace $0xD0000000  }
0x3: {  	_ = 	snop  }
0x4: {  	_ = 	snop  }
0x5: {  	_ = 	snop  }
0x6: {  	_ = 	snop  }
0x7: {  	_ = 	snop  }
__scs_overlays_trampoline_lowered:
0x8: {  	[smem:$0x3F9F] =	sst s0  }
0x9: {  	[smem:$0x3FA0] =	sst s1  }
0xa: {  	[smem:$0x3FA1] =	sst s2  }
0xb: {  	[smem:$0x3FA2] =	sst s3  }
0xc: {  	[smem:$0x3FA3] =	sst s4  }
0xd: {  	[smem:$0x3FA4] =	sst s5  }
0xe: {  	[smem:$0x3FA5] =	sst s6  }
0xf: {  	[smem:$0x3FA6] =	sst s7  }
0x10: {  	[smem:$0x3FA7] =	sst s8  }
0x11: {  	[smem:$0x3FA8] =	sst s9;
	s0 =	simm.s32 @!p0 $0x0  }
0x12: {  	s1 =	sld [smem:$0x3F8E];
	s0 =	simm.s32 @p0 $0x1  }
0x13: {  	[smem:$0x3FA9] =	sst s0;
	s0 =	simm.s32 @!p1 $0x0  }
0x14: {  	s2 =	sld [smem:$0x3F8D];
	s0 =	simm.s32 @p1 $0x1  }
0x15: {  	[smem:$0x3FAA] =	sst s0;
	s0 =	simm.s32 @!p2 $0x0  }
0x16: {  	s3 =	sld [smem:$0x3FDB];
	s0 =	simm.s32 @p2 $0x1  }
0x17: {  	s4 =	simm.s32 $0x1BF5;
	[smem:$0x3FAC] =	sst s0  }
0x18: {  	s0 =	sld [smem:$0x3F8F];
	_ =	swait.ge [sflag:s4], $0x0  }
0x19: {  	s7 =	sld [smem:$0x3F90]  }
0x1a: {  	s8 =	sadd.s32 $0xFFFFE003, lr  }
0x1b: {  	s9 =	sadd.s32 $0xFFFFFEF7, lr;
	s5 =	simm.s32 $0xFFFFFFFF;
	p2 =	slt.u32 s8, $0xFFFFF086  }
0x1c: {  	p1 =	slt.u32 s9, $0xF7A;
	s5 =	simm.s32 @!p2 $0x0  }
0x1d: {  	s5 =	simm.s32 @p1 $0x1;
	p0 =	seq.s32 s7, s2  }
0x1e: {  	s7 =	smul.u32 @!p0 $0xF7A, s2;
	p2 =	seq.s32 @!p0 s5, $0x0  }
0x1f: {  	s9 =	smul.u32 $0xF7A, s1;
	s8 =	simm.s32 @!p0 $0x1BF5;
	p2 =	por !p2, p0  }
0x20: {  	[sflag:s8] =	ssyncset.s32 @!p0 $0xFFFFF086;
	s6 =	sadd.s32 @!p0 s3, s7;
	s7 =	simm.s32 @!p0 $0x108  }
0x21: {  	s3 =	sadd.s32 s3, s9;
	s6 =	sadd.s32 @!p0 $0x88, s6;
	s7 =	simm.s32 @p2 $0x1082  }
0x22: {  	[simem:s7], [sflag:s8] =	dma.local @!p0 [hbm:s6], $0xF7A  }
0x23: {  	s9 =	sor.u32 $0xD0000000, s2;
	s6 =	simm.s32 $0x108;
	_ =	swait.ge @!p0 [sflag:s8], $0x0  }
0x24: {  	s3 =	sadd.s32 $0x88, s3;
	s6 =	simm.s32 @!p1 $0x1082;
	[sflag:s4] =	ssyncset.s32 $0xFFFFF086  }
0x25: {  	[simem:s6], [sflag:s4] =	dma.local [hbm:s3], $0xF7A  }
0x26: {  	[smem:$0x3F90] =	sst s1;
	(tag) =	ssettag s2;
	_ =	strace s9  }
0x27: {  	s1 =	sld [smem:$0x3FA0]  }
0x28: {  	s2 =	sld [smem:$0x3FA1]  }
0x29: {  	s4 =	sld [smem:$0x3FA3]  }
0x2a: {  	p0 =	seq.s32 s5, $0x0;
	s5 =	sld [smem:$0x3FA4]  }
0x2b: {  	s6 =	sld [smem:$0x3FA5]  }
0x2c: {  	s7 =	sld [smem:$0x3FA6]  }
0x2d: {  	s3 =	simm.s32 $0x108;
	s8 =	sld [smem:$0x3FA7]  }
0x2e: {  	s3 =	simm.s32 @!p0 $0x1082;
	s9 =	sld [smem:$0x3FA8]  }
0x2f: {  	lr =	sadd.s32 s0, s3;
	s0 =	sld [smem:$0x3F9F]  }
0x30: {  	s3 =	sld [smem:$0x3FA2]  }
0x31: {  	[smem:$0x3FAB] =	sst s10  }
0x32: {  	s10 =	sld [smem:$0x3FA9];
	_ =	sdelay $0x3  }
0x33: {  	p0 =	seq.s32 s10, $0x1;
	s10 =	sld [smem:$0x3FAB];
	_ =	sdelay $0x3  }
0x34: {  	[smem:$0x3FAB] =	sst s10  }
0x35: {  	s10 =	sld [smem:$0x3FAA];
	_ =	sdelay $0x3  }
0x36: {  	p1 =	seq.s32 s10, $0x1;
	s10 =	sld [smem:$0x3FAB];
	_ =	sdelay $0x3  }
0x37: {  	[smem:$0x3FAB] =	sst s10  }
0x38: {  	s10 =	sld [smem:$0x3FAC]  }
0x39: {  	_ = 	snop;
	(pc) =	sbr.ind lr, $3  }
0x3a: {  	_ = 	snop  }
0x3b: {  	_ = 	snop  }
0x3c: {  	p2 =	seq.s32 s10, $0x1;
	s10 =	sld [smem:$0x3FAB]  }
0x3d: {  	_ =	shalt  }
0x3e: {  	_ =	shalt  }
0x3f: {  	_ =	shalt  }
0x40: {  	_ =	shalt  }
0x41: {  	_ =	shalt  }
0x42: {  	_ =	shalt  }
0x43: {  	_ =	shalt  }
0x44: {  	_ =	shalt  }
0x45: {  	_ =	shalt  }
0x46: {  	_ =	shalt  }
0x47: {  	_ =	shalt  }
0x48: {  	_ =	shalt  }
0x49: {  	_ =	shalt  }
0x4a: {  	_ =	shalt  }
0x4b: {  	_ =	shalt  }
0x4c: {  	_ =	shalt  }
0x4d: {  	_ =	shalt  }
0x4e: {  	_ =	shalt  }
0x4f: {  	_ =	shalt  }
0x50: {  	_ =	shalt  }
0x51: {  	_ =	shalt  }
0x52: {  	_ =	shalt  }
0x53: {  	_ =	shalt  }
0x54: {  	_ =	shalt  }
0x55: {  	_ =	shalt  }
0x56: {  	_ =	shalt  }
0x57: {  	_ =	shalt  }
0x58: {  	_ =	shalt  }
0x59: {  	_ =	shalt  }
0x5a: {  	_ =	shalt  }
0x5b: {  	_ =	shalt  }
0x5c: {  	_ =	shalt  }
0x5d: {  	_ =	shalt  }
0x5e: {  	_ =	shalt  }
0x5f: {  	_ =	shalt  }
0x60: {  	_ =	shalt  }
0x61: {  	_ =	shalt  }
0x62: {  	_ =	shalt  }
0x63: {  	_ =	shalt  }
0x64: {  	_ =	shalt  }
0x65: {  	_ =	shalt  }
0x66: {  	_ =	shalt  }
0x67: {  	_ =	shalt  }
0x68: {  	_ =	shalt  }
0x69: {  	_ =	shalt  }
0x6a: {  	_ =	shalt  }
0x6b: {  	_ =	shalt  }
0x6c: {  	_ =	shalt  }
0x6d: {  	_ =	shalt  }
0x6e: {  	_ =	shalt  }
0x6f: {  	_ =	shalt  }
0x70: {  	_ =	shalt  }
0x71: {  	_ =	shalt  }
0x72: {  	_ =	shalt  }
0x73: {  	_ =	shalt  }
0x74: {  	_ =	shalt  }
0x75: {  	_ =	shalt  }
0x76: {  	_ =	shalt  }
0x77: {  	_ =	shalt  }
0x78: {  	_ =	shalt  }
0x79: {  	_ =	shalt  }
0x7a: {  	_ =	shalt  }
0x7b: {  	_ =	shalt  }
0x7c: {  	_ =	shalt  }
0x7d: {  	_ =	shalt  }
0x7e: {  	_ =	shalt  }
0x7f: {  	_ =	shalt  }
0x80: {  	_ =	shalt  }
0x81: {  	_ =	shalt  }
0x82: {  	_ =	shalt  }
0x83: {  	_ =	shalt  }
0x84: {  	_ =	shalt  }
0x85: {  	_ =	shalt  }
0x86: {  	_ =	shalt  }
0x87: {  	_ =	shalt  }
.Lfunc_end0:
.L_simem_size_0:
called_computation.1_lowered:
.L_overlay_start_0:
0x88: {  	s2 =	sld [smem:$0x3FD9]  }
0x89: {  	s3 =	sld [smem:$0x3FFE];
	_ =	sdelay $0x1  }
0x8a: {  	s1 =	srdreg.scid  }
0x8b: {  	s0 =	sand.u32 $0x1, s1  }
0x8c: {  	s16 =	sshll.u32 s0, $0xA;
	s2 =	sadd.s32 s3, s2  }
0x8d: {  	s2 =	sadd.s32 s2, s16  }
0x8e: {  	[smem:$0x3FB7] =	sst s2  }
0x8f: {  	_ = 	snop  }
0x90: {  	(tm) =	ssettm $0x1  }
0x91: {  	s17 =	sld [smem:$0x3FFB];
	_ =	sdelay $0x3  }
0x92: {  	_ =	strace s17  }
0x93: {  	s2 =	sld [smem:$0x3FFC];
	_ =	sdelay $0x3  }
0x94: {  	_ =	strace s2  }
0x95: {  	s2 =	sld [smem:$0x3FFD];
	_ =	sdelay $0x3  }
0x96: {  	_ =	strace s2  }
0x97: {  	_ =	strace $0x8FFFFFFF  }
0x98: {  	s18 =	sld [smem:$0x3FDB];
	_ =	sdelay $0x1  }
0x99: {  	s19 =	simm.s32 $_scs_section_size  }
0x9a: {  	s4 =	simm.s32 $_size__tile_overlayer_lowered;
	s5 =	simm.s32 $_tile_overlayer_lowered  }
0x9b: {  	s22 =	simm.s32 $0x1BFF;
	s21 =	sshll.u32 s5, $0x1;
	s2 =	sadd.s32 s19, s18  }
0x9c: {  	s6 =	simm.s32 $0x0;
	s20 =	sshll.u32 s4, $0x1;
	s4 =	sadd.s32 s21, s2  }
0x9d: {  	[timem:s6], [sflag:s22] =	dma.local [hbm:s4], s20  }
0x9e: {  	_ =	swait.ge [sflag:s22], s20  }
0x9f: {  	s3 =	ssub.s32 $0x0, s20;
	[sflag:s22] =	ssyncset.done $0x0  }
0xa0: {  	[sflag:s22] =	ssyncadd.s32 s3;
	_ =	sdelay $0x1  }
0xa1: {  	s23 =	simm.s32 $0x1B8B  }
0xa2: {  	_ =	swait.ge [sflag:s23], $0x1  }
0xa3: {  	[sflag:s23] =	ssyncset.done $0x0  }
0xa4: {  	s25 =	simm.s32 $0x1B8E;
	s24 =	sld [smem:$0x3FFE];
	[sflag:s23] =	ssyncadd.s32 $0xFFFFFFFF  }
0xa5: {  	s26 =	simm.s32 $execute0_lowered;
	[smem:$0x3FD2] =	sst s25  }
0xa6: {  	s4 =	sshll.u32 s26, $0x1;
	_ =	strace $0x80000049;
	[dreg:$0x1] =	wrdreg $0xFFFFFFFF  }
0xa7: {  	s28 =	simm.s32 $_size_execute0_lowered;
	s2 =	sadd.s32 s2, s4;
	[dreg:$0x0] =	wrdreg $0x0  }
0xa8: {  	s4 =	sshll.u32 s28, $0x1;
	[dreg:$0x2] =	wrdreg s2  }
0xa9: {  	[dreg:$0x3] =	wrdreg s4  }
0xaa: {  	[dreg:$0x4] =	wrdreg $0xC0  }
0xab: {  	_ =	task [dreg:s6], $0x5FFFF  }
0xac: {  	[dreg:$0x1] =	wrdreg $0xFFFFFFFF  }
0xad: {  	[dreg:$0x0] =	wrdreg $0x60  }
0xae: {  	[dreg:$0x2] =	wrdreg s24  }
0xaf: {  	[dreg:$0x3] =	wrdreg $0x84000  }
0xb0: {  	[dreg:$0x4] =	wrdreg $0x9  }
0xb1: {  	_ =	task.clear_ibuf [dreg:s6], $0x5FFFF;
	_ =	strace $0x90000049  }
0xb2: {  	s29 =	simm.s32 $0x9;
	_ =	strace $0x8000004B  }
0xb3: {  	_ =	swait.ge [sflag:s29], $0x1  }
0xb4: {  	[sflag:s29] =	ssyncadd.s32 $0xFFFFFFFF  }
0xb5: {  	_ =	strace $0x9000004B  }
0xb6: {  	_ =	sfence  }
0xb7: {  	s30 =	sld [smem:$0x0];
	_ =	sdelay $0x2  }
0xb8: {  	s31 =	sshll.u32 s1, $0xD;
	s1 =	sshrl.u32 s1, $0x2  }
0xb9: {  	s3 =	sand.u32 $0x4000, s31;
	s1 =	sadd.s32 s1, s30  }
0xba: {  	s0 =	sor.u32 s3, s0;
	s1 =	sshll.u32 s1, $0x11  }
0xbb: {  	s0 =	sor.u32 s1, s0  }
0xbc: {  	s0 =	sadd.s32 $0x8F2B, s0  }
0xbd: {  	[sflag:s0] =	ssyncadd.remote.s32 $0x1  }
0xbe: {  	_ =	sfence.sel $0xFFFF  }
0xbf: {  	[dreg:$0x0] =	wrdreg $0xFFFFFFFF;
	(pc) =	sbr.abs _section_cstart, $3  }
0xc0: {  	[dreg:$0x1] =	wrdreg $0xFFFFFFFF  }
0xc1: {  	_ =	task.clear_ibuf [dreg:s6], $0x2FFFF;
	_ =	strace $0x9FFFFFFF  }
0xc2: {  	(tm) =	ssettm $0x7FFFFFFF  }
0xc3: {  	_ =	shalt  }
tec
execute0_lowered:
.L_overlay_start_1:
0x0: {  	(tag) =	ssettag $0x1  }
0x1: {  	s0 =	rddreg [dreg:$0x0]  }
0x2: {  	s2 =	rddreg [dreg:$0x1];
	s3 =	simm.s32 $0x0  }
0x3: {  	s12 =	stileid.u32;
	s1 =	srdreg.scid;
	s28 =	simm.s32 $0x200  }
0x4: {  	s29 =	simm.s32 $0x80;
	s30 =	simm.s32 $0x280;
	s31 =	simm.s32 $0x100  }
0x5: {  	[smem:$0x7FF] =	sst s3;
	s5 =	smul.u32 $0x2800, s12;
	s1 =	sand.u32 $0x1, s1  }
0x6: {  	s4 =	sadd.s32 $0x3A00, s0;
	s6 =	sadd.s32 $0xA3A00, s0;
	s9 =	sadd.s32 $0xADA00, s0  }
0x7: {  	s8 =	smul.u32 $0x50000, s12;
	s15 =	sshll.u32 s12, $0x6;
	_ =	strace $0x8000004A  }
0x8: {  	s7 =	smul.u32 $0x28000, s1;
	s1 =	ssub.s32 $0x2, s1;
	s25 =	sor.u32 $0x1C0D, s15  }
0x9: {  	s10 =	sadd.s32 s5, s0;
	s11 =	sshrl.u32 s1, $0x1;
	s8 =	sshrl.u32 s8, $0x2  }
0xa: {  	[dreg:$0xb] =	wrdreg s25;
	s7 =	sadd.s32 s5, s7;
	s8 =	sadd.s32 s8, s2  }
0xb: {  	s13 =	sadd.s32 $0xB2A00, s10;
	s5 =	sshrl.u32 s5, $0x3;
	[dreg:$0x8] =	wrdreg s8  }
0xc: {  	s1 =	ssub.s32 s1, s11;
	[dreg:$0x9] =	wrdreg s13;
	s11 =	sadd.s32 s9, s5  }
0xd: {  	s24 =	smul.u32 $0x500, s12;
	s17 =	sadd.s32 $0x10, s11;
	[dreg:$0xc] =	wrdreg s11  }
0xe: {  	s12 =	simm.s32 $0x4400;
	s19 =	sadd.s32 $0x20, s11;
	[dreg:$0xe] =	wrdreg s17  }
0xf: {  	s14 =	sshrl.u32 s7, $0x3;
	s21 =	sadd.s32 $0x30, s11;
	[dreg:$0x10] =	wrdreg s19  }
0x10: {  	s22 =	sor.u32 $0x580, s7;
	s26 =	sadd.s32 $0x40, s11;
	[dreg:$0x12] =	wrdreg s21  }
0x11: {  	s8 =	sadd.s32 s6, s14;
	s14 =	sadd.s32 s24, s9;
	[dreg:$0x14] =	wrdreg s26  }
0x12: {  	s5 =	sshrl.u32 s22, $0x3;
	s22 =	sadd.s32 $0x60, s11;
	[dreg:$0x4] =	wrdreg s14  }
0x13: {  	s10 =	simm.s32 $0x400;
	s0 =	sadd.s32 s7, s0;
	[dreg:$0x18] =	wrdreg s22  }
0x14: {  	s15 =	sor.u32 $0x500, s7;
	s24 =	sadd.s32 $0x4F0, s11;
	[dreg:$0xa] =	wrdreg s8  }
0x15: {  	s0 =	sadd.s32 $0x53A00, s0;
	s16 =	sadd.s32 $0x10, s8;
	[dreg:$0x1a] =	wrdreg s24  }
0x16: {  	s18 =	sadd.s32 $0x20, s8;
	s20 =	sadd.s32 $0x30, s8;
	[dreg:$0x1b] =	wrdreg s0  }
0x17: {  	s23 =	sadd.s32 $0x40, s8;
	s13 =	sadd.s32 $0x50, s8;
	[dreg:$0xd] =	wrdreg s16  }
0x18: {  	s5 =	sadd.s32 s5, s6;
	s17 =	sor.u32 $0x480, s7;
	[dreg:$0xf] =	wrdreg s18  }
0x19: {  	s7 =	sor.u32 $0x400, s7;
	s26 =	smax.u32 s1, $0x1;
	[dreg:$0x11] =	wrdreg s20  }
0x1a: {  	s0 =	simm.s32 $0x300;
	s1 =	simm.s32 $0x180;
	[dreg:$0x13] =	wrdreg s23  }
0x1b: {  	s14 =	simm.s32 $0x5;
	s22 =	simm.s32 $0x8;
	[dreg:$0x15] =	wrdreg s13  }
0x1c: {  	[dreg:$0x3] =	wrdreg s5;
	s16 =	sshrl.u32 s15, $0x3;
	s18 =	sadd.s32 $0x50, s11  }
0x1d: {  	s9 =	sshrl.u32 s17, $0x3;
	s20 =	sadd.s32 $0x60, s8;
	s21 =	sshrl.u32 s7, $0x3  }
0x1e: {  	s23 =	sadd.s32 $0x70, s8;
	[dreg:$0x1c] =	wrdreg s26;
	s26 =	simm.s32 $0xD  }
0x1f: {  	s11 =	simm.s32 $0x2;
	s13 =	simm.s32 $0x9;
	[dreg:$0x16] =	wrdreg s18  }
0x20: {  	s15 =	simm.s32 $0x3;
	s17 =	simm.s32 $0xA;
	[dreg:$0x17] =	wrdreg s20  }
0x21: {  	s5 =	sadd.s32 s16, s6;
	s19 =	sadd.s32 s9, s6;
	[dreg:$0x19] =	wrdreg s23  }
0x22: {  	s16 =	simm.s32 $0xB;
	s18 =	simm.s32 $0x6;
	[dreg:$0x5] =	wrdreg s5  }
0x23: {  	s20 =	simm.s32 $0xC;
	s23 =	simm.s32 $0x0;
	[dreg:$0x6] =	wrdreg s19  }
0x24: {  	s5 =	sadd.s32 s21, s6;
	s6 =	simm.s32 $0x1;
	s19 =	simm.s32 $0x4  }
0x25: {  	s21 =	simm.s32 $0x7;
	[dreg:$0x7] =	wrdreg s5;
	s5 =	simm.s32 $0x380  }
.LBB2_1:
0x26: {  	s7 =	rddreg [dreg:$0x8]  }
0x27: {  	s9 =	rddreg [dreg:$0x9];
	s24 =	sshrl.u32 s7, $0x3  }
0x28: {  	[spmem:s24], [sflag:s25] =	dma.local [hbm:s9], $0x2800  }
0x29: {  	_ =	swait.ge [sflag:s26], $0x2800  }
0x2a: {  	[sflag:s26] =	ssyncset.done $0x0  }
0x2b: {  	[sflag:s26] =	ssyncadd.s32 $0xFFFFD800  }
0x2c: {  	[bflag:$0x0] =	sbarrier.arrive $0xFFFF  }
0x2d: {  	s25 =	rddreg [dreg:$0xa]  }
0x2e: {  	[tilespmem:s3], [sflag:$0x1] =	stream.linear.gather [hbm4b:s25+s3], $0x80, $0x38;
	[tilespmem:$0x1C400] =	vst v63  }
0x2f: {  	s8 =	rddreg [dreg:$0xc]  }
0x30: {  	[tilespmem:s28], [sflag:$0x5] =	stream.linear.gather [hbm4b:s8+s3], $0x80, $0x38;
	[tilespmem:$0x1C400] =	vst v63  }
0x31: {  	s9 =	rddreg [dreg:$0xd]  }
0x32: {  	[tilespmem:s29], [sflag:$0x2] =	stream.linear.gather [hbm4b:s9+s3], $0x80, $0x38;
	[tilespmem:$0x1C400] =	vst v63  }
0x33: {  	s25 =	rddreg [dreg:$0xe]  }
0x34: {  	[tilespmem:s30], [sflag:$0x6] =	stream.linear.gather [hbm4b:s25+s3], $0x80, $0x38;
	[tilespmem:$0x1C400] =	vst v63  }
0x35: {  	s8 =	rddreg [dreg:$0xf]  }
0x36: {  	[tilespmem:s31], [sflag:$0x3] =	stream.linear.gather [hbm4b:s8+s3], $0x80, $0x38;
	[tilespmem:$0x1C400] =	vst v63  }
0x37: {  	s9 =	rddreg [dreg:$0x10]  }
0x38: {  	[tilespmem:s0], [sflag:$0x7] =	stream.linear.gather [hbm4b:s9+s3], $0x80, $0x38;
	[tilespmem:$0x1C400] =	vst v63  }
0x39: {  	s25 =	rddreg [dreg:$0x11]  }
0x3a: {  	[tilespmem:s1], [sflag:$0x4] =	stream.linear.gather [hbm4b:s25+s3], $0x80, $0x38;
	[tilespmem:$0x1C400] =	vst v63  }
0x3b: {  	s8 =	rddreg [dreg:$0x12]  }
0x3c: {  	[tilespmem:s5], [sflag:$0x8] =	stream.linear.gather [hbm4b:s8+s3], $0x80, $0x38;
	[tilespmem:$0x1C400] =	vst v63  }
0x3d: {  	_ =	swait.ge [sflag:s6], $0x80  }
0x3e: {  	[sflag:s6] =	ssyncset.done $0x0  }
0x3f: {  	[sflag:s6] =	ssyncadd.s32 $0xFFFFFF80  }
0x40: {  	[tilespmem:s10], [sflag:$0x9] =	stream.indirect.gather [hbm4b:s4+s29], $0x80, s3, s29, $0xb8;
	[tilespmem:$0x1C400] =	vst v63  }
0x41: {  	_ =	swait.ge [sflag:s11], $0x80  }
0x42: {  	[sflag:s11] =	ssyncset.done $0x0  }
0x43: {  	[sflag:s11] =	ssyncadd.s32 $0xFFFFFF80  }
0x44: {  	[tilespmem:s12], [sflag:$0xA] =	stream.indirect.gather [hbm4b:s4+s29], $0x80, s29, s29, $0xb8;
	[tilespmem:$0x1C400] =	vst v63  }
0x45: {  	_ =	swait.ge [sflag:s13], $0x4000  }
0x46: {  	[sflag:s13] =	ssyncset.done $0x0  }
0x47: {  	s9 =	rddreg [dreg:$0x13];
	[sflag:s13] =	ssyncadd.s32 $0xFFFFC000  }
0x48: {  	[tilespmem:s3], [sflag:$0x1] =	stream.linear.gather [hbm4b:s9+s3], $0x80, $0x38;
	[tilespmem:$0x1C400] =	vst v63  }
0x49: {  	_ =	swait.ge [sflag:s14], $0x80  }
0x4a: {  	[sflag:s14] =	ssyncset.done $0x0  }
0x4b: {  	[sflag:s14] =	ssyncadd.s32 $0xFFFFFF80  }
0x4c: {  	[spmem:s2] =	stream.indirect.scatter.add.f32 [tilespmem:s10], [sflag:$0xB], $0x80, s28, s29, $0xb8;
	[tilespmem:$0x1C400] =	vst v63  }
0x4d: {  	_ =	swait.ge [sflag:s15], $0x80  }
0x4e: {  	[sflag:s15] =	ssyncset.done $0x0  }
0x4f: {  	[sflag:s15] =	ssyncadd.s32 $0xFFFFFF80  }
0x50: {  	_ =	swait.ge [sflag:s16], $0x4000  }
0x51: {  	[sflag:s16] =	ssyncset.done $0x0  }
0x52: {  	s25 =	rddreg [dreg:$0x14];
	[sflag:s16] =	ssyncadd.s32 $0xFFFFC000  }
0x53: {  	[tilespmem:s28], [sflag:$0x5] =	stream.linear.gather [hbm4b:s25+s3], $0x80, $0x38;
	[tilespmem:$0x1C400] =	vst v63  }
0x54: {  	_ = 	snop  }
0x55: {  	[tilespmem:s10], [sflag:$0x9] =	stream.indirect.gather [hbm4b:s4+s29], $0x80, s31, s29, $0xb8;
	[tilespmem:$0x1C400] =	vst v63  }
0x56: {  	_ =	swait.ge [sflag:s17], $0x4000  }
0x57: {  	[sflag:s17] =	ssyncset.done $0x0  }
0x58: {  	s8 =	rddreg [dreg:$0x15];
	[sflag:s17] =	ssyncadd.s32 $0xFFFFC000  }
0x59: {  	[tilespmem:s29], [sflag:$0x2] =	stream.linear.gather [hbm4b:s8+s3], $0x80, $0x38;
	[tilespmem:$0x1C400] =	vst v63  }
0x5a: {  	_ =	swait.ge [sflag:s18], $0x80  }
0x5b: {  	[sflag:s18] =	ssyncset.done $0x0  }
0x5c: {  	[sflag:s18] =	ssyncadd.s32 $0xFFFFFF80  }
0x5d: {  	[spmem:s2] =	stream.indirect.scatter.add.f32 [tilespmem:s12], [sflag:$0xC], $0x80, s30, s29, $0xb8;
	[tilespmem:$0x1C400] =	vst v63  }
0x5e: {  	_ =	swait.ge [sflag:s19], $0x80  }
0x5f: {  	[sflag:s19] =	ssyncset.done $0x0  }
0x60: {  	[sflag:s19] =	ssyncadd.s32 $0xFFFFFF80  }
0x61: {  	_ =	swait.ge [sflag:s20], $0x4000  }
0x62: {  	[sflag:s20] =	ssyncset.done $0x0  }
0x63: {  	s9 =	rddreg [dreg:$0x16];
	[sflag:s20] =	ssyncadd.s32 $0xFFFFC000  }
0x64: {  	[tilespmem:s30], [sflag:$0x6] =	stream.linear.gather [hbm4b:s9+s3], $0x80, $0x38;
	[tilespmem:$0x1C400] =	vst v63  }
0x65: {  	_ = 	snop  }
0x66: {  	[tilespmem:s12], [sflag:$0xA] =	stream.indirect.gather [hbm4b:s4+s29], $0x80, s1, s29, $0xb8;
	[tilespmem:$0x1C400] =	vst v63  }
0x67: {  	_ =	swait.ge [sflag:s13], $0x4000  }
0x68: {  	[sflag:s13] =	ssyncset.done $0x0  }
0x69: {  	s25 =	rddreg [dreg:$0x17];
	[sflag:s13] =	ssyncadd.s32 $0xFFFFC000  }
0x6a: {  	[tilespmem:s31], [sflag:$0x3] =	stream.linear.gather [hbm4b:s25+s3], $0x80, $0x38;
	[tilespmem:$0x1C400] =	vst v63  }
0x6b: {  	_ =	swait.ge [sflag:s21], $0x80  }
0x6c: {  	[sflag:s21] =	ssyncset.done $0x0  }
0x6d: {  	[sflag:s21] =	ssyncadd.s32 $0xFFFFFF80  }
0x6e: {  	[spmem:s2] =	stream.indirect.scatter.add.f32 [tilespmem:s10], [sflag:$0xB], $0x80, s0, s29, $0xb8;
	[tilespmem:$0x1C400] =	vst v63  }
0x6f: {  	_ =	swait.ge [sflag:s6], $0x80  }
0x70: {  	[sflag:s6] =	ssyncset.done $0x0  }
0x71: {  	[sflag:s6] =	ssyncadd.s32 $0xFFFFFF80  }
0x72: {  	_ =	swait.ge [sflag:s16], $0x4000  }
0x73: {  	[sflag:s16] =	ssyncset.done $0x0  }
0x74: {  	s8 =	rddreg [dreg:$0x18];
	[sflag:s16] =	ssyncadd.s32 $0xFFFFC000  }
0x75: {  	[tilespmem:s0], [sflag:$0x7] =	stream.linear.gather [hbm4b:s8+s3], $0x80, $0x38;
	[tilespmem:$0x1C400] =	vst v63  }
0x76: {  	_ = 	snop  }
0x77: {  	[tilespmem:s10], [sflag:$0x9] =	stream.indirect.gather [hbm4b:s4+s29], $0x80, s3, s29, $0xb8;
	[tilespmem:$0x1C400] =	vst v63  }
0x78: {  	_ =	swait.ge [sflag:s17], $0x4000  }
0x79: {  	[sflag:s17] =	ssyncset.done $0x0  }
0x7a: {  	s9 =	rddreg [dreg:$0x19];
	[sflag:s17] =	ssyncadd.s32 $0xFFFFC000  }
0x7b: {  	[tilespmem:s1], [sflag:$0x4] =	stream.linear.gather [hbm4b:s9+s3], $0x80, $0x38;
	[tilespmem:$0x1C400] =	vst v63  }
0x7c: {  	_ =	swait.ge [sflag:s22], $0x80  }
0x7d: {  	[sflag:s22] =	ssyncset.done $0x0  }
0x7e: {  	[sflag:s22] =	ssyncadd.s32 $0xFFFFFF80  }
0x7f: {  	[spmem:s2] =	stream.indirect.scatter.add.f32 [tilespmem:s12], [sflag:$0xC], $0x80, s5, s29, $0xb8;
	[tilespmem:$0x1C400] =	vst v63  }
0x80: {  	_ =	swait.ge [sflag:s11], $0x80  }
0x81: {  	[sflag:s11] =	ssyncset.done $0x0  }
0x82: {  	[sflag:s11] =	ssyncadd.s32 $0xFFFFFF80  }
0x83: {  	_ =	swait.ge [sflag:s20], $0x4000  }
0x84: {  	s25 =	rddreg [dreg:$0x4]  }
0x85: {  	[sflag:s20] =	ssyncset.done $0x0;
	s7 =	sadd.s32 $0x0, s25  }
0x86: {  	[sflag:s20] =	ssyncadd.s32 $0xFFFFC000;
	s9 =	sadd.s32 $0x70, s7  }
0x87: {  	[tilespmem:s5], [sflag:$0x8] =	stream.linear.gather [hbm4b:s9+s3], $0x80, $0x38;
	[tilespmem:$0x1C400] =	vst v63  }
0x88: {  	_ = 	snop  }
0x89: {  	[tilespmem:s12], [sflag:$0xA] =	stream.indirect.gather [hbm4b:s4+s29], $0x80, s29, s29, $0xb8;
	[tilespmem:$0x1C400] =	vst v63  }
0x8a: {  	_ =	swait.ge [sflag:s13], $0x4000  }
0x8b: {  	s8 =	rddreg [dreg:$0x7];
	[sflag:s13] =	ssyncset.done $0x0  }
0x8c: {  	[sflag:s13] =	ssyncadd.s32 $0xFFFFC000;
	s9 =	sadd.s32 $0x0, s8  }
0x8d: {  	[tilespmem:s3], [sflag:$0x1] =	stream.linear.gather [hbm4b:s9+s3], $0x80, $0x38;
	[tilespmem:$0x1C400] =	vst v63  }
0x8e: {  	_ =	swait.ge [sflag:s14], $0x80  }
0x8f: {  	[sflag:s14] =	ssyncset.done $0x0  }
0x90: {  	[sflag:s14] =	ssyncadd.s32 $0xFFFFFF80  }
0x91: {  	[spmem:s2] =	stream.indirect.scatter.add.f32 [tilespmem:s10], [sflag:$0xB], $0x80, s28, s29, $0xb8;
	[tilespmem:$0x1C400] =	vst v63  }
0x92: {  	_ =	swait.ge [sflag:s15], $0x80  }
0x93: {  	[sflag:s15] =	ssyncset.done $0x0  }
0x94: {  	[sflag:s15] =	ssyncadd.s32 $0xFFFFFF80  }
0x95: {  	_ =	swait.ge [sflag:s16], $0x4000  }
0x96: {  	[sflag:s16] =	ssyncset.done $0x0  }
0x97: {  	s25 =	sadd.s32 $0x80, s7;
	[sflag:s16] =	ssyncadd.s32 $0xFFFFC000  }
0x98: {  	[tilespmem:s28], [sflag:$0x5] =	stream.linear.gather [hbm4b:s25+s3], $0x80, $0x38;
	[tilespmem:$0x1C400] =	vst v63  }
0x99: {  	_ = 	snop  }
0x9a: {  	[tilespmem:s10], [sflag:$0x9] =	stream.indirect.gather [hbm4b:s4+s29], $0x80, s31, s29, $0xb8;
	[tilespmem:$0x1C400] =	vst v63  }
0x9b: {  	_ =	swait.ge [sflag:s17], $0x4000  }
0x9c: {  	s8 =	rddreg [dreg:$0x6];
	[sflag:s17] =	ssyncset.done $0x0  }
0x9d: {  	[sflag:s17] =	ssyncadd.s32 $0xFFFFC000;
	s9 =	sadd.s32 $0x0, s8  }
0x9e: {  	[tilespmem:s29], [sflag:$0x2] =	stream.linear.gather [hbm4b:s9+s3], $0x80, $0x38;
	[tilespmem:$0x1C400] =	vst v63  }
0x9f: {  	_ =	swait.ge [sflag:s18], $0x80  }
0xa0: {  	[sflag:s18] =	ssyncset.done $0x0  }
0xa1: {  	[sflag:s18] =	ssyncadd.s32 $0xFFFFFF80  }
0xa2: {  	[spmem:s2] =	stream.indirect.scatter.add.f32 [tilespmem:s12], [sflag:$0xC], $0x80, s30, s29, $0xb8;
	[tilespmem:$0x1C400] =	vst v63  }
0xa3: {  	_ =	swait.ge [sflag:s19], $0x80  }
0xa4: {  	[sflag:s19] =	ssyncset.done $0x0  }
0xa5: {  	[sflag:s19] =	ssyncadd.s32 $0xFFFFFF80  }
0xa6: {  	_ =	swait.ge [sflag:s20], $0x4000  }
0xa7: {  	[sflag:s20] =	ssyncset.done $0x0  }
0xa8: {  	s25 =	sadd.s32 $0x90, s7;
	[sflag:s20] =	ssyncadd.s32 $0xFFFFC000  }
0xa9: {  	[tilespmem:s30], [sflag:$0x6] =	stream.linear.gather [hbm4b:s25+s3], $0x80, $0x38;
	[tilespmem:$0x1C400] =	vst v63  }
0xaa: {  	_ = 	snop  }
0xab: {  	[tilespmem:s12], [sflag:$0xA] =	stream.indirect.gather [hbm4b:s4+s29], $0x80, s1, s29, $0xb8;
	[tilespmem:$0x1C400] =	vst v63  }
0xac: {  	_ =	swait.ge [sflag:s13], $0x4000  }
0xad: {  	s8 =	rddreg [dreg:$0x5];
	[sflag:s13] =	ssyncset.done $0x0  }
0xae: {  	[sflag:s13] =	ssyncadd.s32 $0xFFFFC000;
	s9 =	sadd.s32 $0x0, s8  }
0xaf: {  	[tilespmem:s31], [sflag:$0x3] =	stream.linear.gather [hbm4b:s9+s3], $0x80, $0x38;
	[tilespmem:$0x1C400] =	vst v63  }
0xb0: {  	_ =	swait.ge [sflag:s21], $0x80  }
0xb1: {  	[sflag:s21] =	ssyncset.done $0x0  }
0xb2: {  	[sflag:s21] =	ssyncadd.s32 $0xFFFFFF80  }
0xb3: {  	[spmem:s2] =	stream.indirect.scatter.add.f32 [tilespmem:s10], [sflag:$0xB], $0x80, s0, s29, $0xb8;
	[tilespmem:$0x1C400] =	vst v63  }
0xb4: {  	_ =	swait.ge [sflag:s6], $0x80  }
0xb5: {  	[sflag:s6] =	ssyncset.done $0x0  }
0xb6: {  	[sflag:s6] =	ssyncadd.s32 $0xFFFFFF80  }
0xb7: {  	_ =	swait.ge [sflag:s16], $0x4000  }
0xb8: {  	[sflag:s16] =	ssyncset.done $0x0  }
0xb9: {  	s7 =	sadd.s32 $0xA0, s7;
	[sflag:s16] =	ssyncadd.s32 $0xFFFFC000  }
0xba: {  	[tilespmem:s0], [sflag:$0x7] =	stream.linear.gather [hbm4b:s7+s3], $0x80, $0x38;
	[tilespmem:$0x1C400] =	vst v63  }
0xbb: {  	_ = 	snop  }
0xbc: {  	[tilespmem:s10], [sflag:$0x9] =	stream.indirect.gather [hbm4b:s4+s29], $0x80, s3, s29, $0xb8;
	[tilespmem:$0x1C400] =	vst v63  }
0xbd: {  	_ =	swait.ge [sflag:s17], $0x4000  }
0xbe: {  	s25 =	rddreg [dreg:$0x3];
	[sflag:s17] =	ssyncset.done $0x0  }
0xbf: {  	[sflag:s17] =	ssyncadd.s32 $0xFFFFC000;
	s7 =	sadd.s32 $0x0, s25  }
0xc0: {  	[tilespmem:s1], [sflag:$0x4] =	stream.linear.gather [hbm4b:s7+s3], $0x80, $0x38;
	[tilespmem:$0x1C400] =	vst v63  }
0xc1: {  	_ =	swait.ge [sflag:s22], $0x80  }
0xc2: {  	[sflag:s22] =	ssyncset.done $0x0  }
0xc3: {  	s25 =	simm.s32 $0x40;
	[sflag:s22] =	ssyncadd.s32 $0xFFFFFF80  }
.LBB2_2:
0xc4: {  	[spmem:s2] =	stream.indirect.scatter.add.f32 [tilespmem:s12], [sflag:$0xC], $0x80, s5, s29, $0xb8;
	[tilespmem:$0x1C400] =	vst v63  }
0xc5: {  	_ =	swait.ge [sflag:s11], $0x80  }
0xc6: {  	[sflag:s11] =	ssyncset.done $0x0  }
0xc7: {  	[sflag:s11] =	ssyncadd.s32 $0xFFFFFF80  }
0xc8: {  	_ =	swait.ge [sflag:s20], $0x4000  }
0xc9: {  	s7 =	smov.u32 s25;
	s9 =	rddreg [dreg:$0x4]  }
0xca: {  	[sflag:s20] =	ssyncset.done $0x0;
	s9 =	sadd.s32 s7, s9  }
0xcb: {  	[sflag:s20] =	ssyncadd.s32 $0xFFFFC000;
	s8 =	sadd.s32 $0x70, s9  }
0xcc: {  	[tilespmem:s5], [sflag:$0x8] =	stream.linear.gather [hbm4b:s8+s3], $0x80, $0x38;
	[tilespmem:$0x1C400] =	vst v63  }
0xcd: {  	_ = 	snop  }
0xce: {  	[tilespmem:s12], [sflag:$0xA] =	stream.indirect.gather [hbm4b:s4+s29], $0x80, s29, s29, $0xb8;
	[tilespmem:$0x1C400] =	vst v63  }
0xcf: {  	_ =	swait.ge [sflag:s13], $0x4000  }
0xd0: {  	s8 =	rddreg [dreg:$0x7];
	[sflag:s13] =	ssyncset.done $0x0  }
0xd1: {  	[sflag:s13] =	ssyncadd.s32 $0xFFFFC000;
	s8 =	sadd.s32 s7, s8  }
0xd2: {  	[tilespmem:s3], [sflag:$0x1] =	stream.linear.gather [hbm4b:s8+s3], $0x80, $0x38;
	[tilespmem:$0x1C400] =	vst v63  }
0xd3: {  	_ =	swait.ge [sflag:s14], $0x80  }
0xd4: {  	[sflag:s14] =	ssyncset.done $0x0  }
0xd5: {  	[sflag:s14] =	ssyncadd.s32 $0xFFFFFF80  }
0xd6: {  	[spmem:s2] =	stream.indirect.scatter.add.f32 [tilespmem:s10], [sflag:$0xB], $0x80, s28, s29, $0xb8;
	[tilespmem:$0x1C400] =	vst v63  }
0xd7: {  	_ =	swait.ge [sflag:s15], $0x80  }
0xd8: {  	[sflag:s15] =	ssyncset.done $0x0  }
0xd9: {  	[sflag:s15] =	ssyncadd.s32 $0xFFFFFF80  }
0xda: {  	_ =	swait.ge [sflag:s16], $0x4000  }
0xdb: {  	[sflag:s16] =	ssyncset.done $0x0  }
0xdc: {  	s8 =	sadd.s32 $0x80, s9;
	[sflag:s16] =	ssyncadd.s32 $0xFFFFC000  }
0xdd: {  	[tilespmem:s28], [sflag:$0x5] =	stream.linear.gather [hbm4b:s8+s3], $0x80, $0x38;
	[tilespmem:$0x1C400] =	vst v63  }
0xde: {  	_ = 	snop  }
0xdf: {  	[tilespmem:s10], [sflag:$0x9] =	stream.indirect.gather [hbm4b:s4+s29], $0x80, s31, s29, $0xb8;
	[tilespmem:$0x1C400] =	vst v63  }
0xe0: {  	_ =	swait.ge [sflag:s17], $0x4000  }
0xe1: {  	s8 =	rddreg [dreg:$0x6];
	[sflag:s17] =	ssyncset.done $0x0  }
0xe2: {  	[sflag:s17] =	ssyncadd.s32 $0xFFFFC000;
	s8 =	sadd.s32 s7, s8  }
0xe3: {  	[tilespmem:s29], [sflag:$0x2] =	stream.linear.gather [hbm4b:s8+s3], $0x80, $0x38;
	[tilespmem:$0x1C400] =	vst v63  }
0xe4: {  	_ =	swait.ge [sflag:s18], $0x80  }
0xe5: {  	[sflag:s18] =	ssyncset.done $0x0  }
0xe6: {  	[sflag:s18] =	ssyncadd.s32 $0xFFFFFF80  }
0xe7: {  	[spmem:s2] =	stream.indirect.scatter.add.f32 [tilespmem:s12], [sflag:$0xC], $0x80, s30, s29, $0xb8;
	[tilespmem:$0x1C400] =	vst v63  }
0xe8: {  	_ =	swait.ge [sflag:s19], $0x80  }
0xe9: {  	[sflag:s19] =	ssyncset.done $0x0  }
0xea: {  	[sflag:s19] =	ssyncadd.s32 $0xFFFFFF80  }
0xeb: {  	_ =	swait.ge [sflag:s20], $0x4000  }
0xec: {  	[sflag:s20] =	ssyncset.done $0x0  }
0xed: {  	s8 =	sadd.s32 $0x90, s9;
	[sflag:s20] =	ssyncadd.s32 $0xFFFFC000  }
0xee: {  	[tilespmem:s30], [sflag:$0x6] =	stream.linear.gather [hbm4b:s8+s3], $0x80, $0x38;
	[tilespmem:$0x1C400] =	vst v63  }
0xef: {  	_ = 	snop  }
0xf0: {  	[tilespmem:s12], [sflag:$0xA] =	stream.indirect.gather [hbm4b:s4+s29], $0x80, s1, s29, $0xb8;
	[tilespmem:$0x1C400] =	vst v63  }
0xf1: {  	_ =	swait.ge [sflag:s13], $0x4000  }
0xf2: {  	s8 =	rddreg [dreg:$0x5];
	[sflag:s13] =	ssyncset.done $0x0  }
0xf3: {  	[sflag:s13] =	ssyncadd.s32 $0xFFFFC000;
	s8 =	sadd.s32 s7, s8  }
0xf4: {  	[tilespmem:s31], [sflag:$0x3] =	stream.linear.gather [hbm4b:s8+s3], $0x80, $0x38;
	[tilespmem:$0x1C400] =	vst v63  }
0xf5: {  	_ =	swait.ge [sflag:s21], $0x80  }
0xf6: {  	[sflag:s21] =	ssyncset.done $0x0  }
0xf7: {  	[sflag:s21] =	ssyncadd.s32 $0xFFFFFF80  }
0xf8: {  	[spmem:s2] =	stream.indirect.scatter.add.f32 [tilespmem:s10], [sflag:$0xB], $0x80, s0, s29, $0xb8;
	[tilespmem:$0x1C400] =	vst v63  }
0xf9: {  	_ =	swait.ge [sflag:s6], $0x80  }
0xfa: {  	[sflag:s6] =	ssyncset.done $0x0  }
0xfb: {  	[sflag:s6] =	ssyncadd.s32 $0xFFFFFF80  }
0xfc: {  	_ =	swait.ge [sflag:s16], $0x4000  }
0xfd: {  	[sflag:s16] =	ssyncset.done $0x0  }
0xfe: {  	s9 =	sadd.s32 $0xA0, s9;
	[sflag:s16] =	ssyncadd.s32 $0xFFFFC000  }
0xff: {  	[tilespmem:s0], [sflag:$0x7] =	stream.linear.gather [hbm4b:s9+s3], $0x80, $0x38;
	[tilespmem:$0x1C400] =	vst v63  }
0x100: {  	_ = 	snop  }
0x101: {  	[tilespmem:s10], [sflag:$0x9] =	stream.indirect.gather [hbm4b:s4+s29], $0x80, s3, s29, $0xb8;
	[tilespmem:$0x1C400] =	vst v63  }
0x102: {  	_ =	swait.ge [sflag:s17], $0x4000  }
0x103: {  	p0 =	sne.s32 s25, $0x440;
	s9 =	rddreg [dreg:$0x3];
	[sflag:s17] =	ssyncset.done $0x0  }
.Ltmp0:
0x104: {  	[sflag:s17] =	ssyncadd.s32 $0xFFFFC000;
	s7 =	sadd.s32 s7, s9;
	(pc) =	sbr.rel @p0 .LBB2_2-.Ltmp0, $4  }
0x105: {  	[tilespmem:s1], [sflag:$0x4] =	stream.linear.gather [hbm4b:s7+s3], $0x80, $0x38;
	[tilespmem:$0x1C400] =	vst v63  }
0x106: {  	_ =	swait.ge [sflag:s22], $0x80  }
0x107: {  	[sflag:s22] =	ssyncset.done $0x0  }
0x108: {  	s25 =	sadd.s32 $0x40, s25;
	[sflag:s22] =	ssyncadd.s32 $0xFFFFFF80  }
0x109: {  	[spmem:s2] =	stream.indirect.scatter.add.f32 [tilespmem:s12], [sflag:$0xC], $0x80, s5, s29, $0xb8;
	[tilespmem:$0x1C400] =	vst v63  }
0x10a: {  	_ =	swait.ge [sflag:s11], $0x80  }
0x10b: {  	[sflag:s11] =	ssyncset.done $0x0  }
0x10c: {  	[sflag:s11] =	ssyncadd.s32 $0xFFFFFF80  }
0x10d: {  	_ =	swait.ge [sflag:s20], $0x4000  }
0x10e: {  	[sflag:s20] =	ssyncset.done $0x0  }
0x10f: {  	s7 =	rddreg [dreg:$0x1a];
	[sflag:s20] =	ssyncadd.s32 $0xFFFFC000  }
0x110: {  	[tilespmem:s5], [sflag:$0x8] =	stream.linear.gather [hbm4b:s7+s3], $0x80, $0x38;
	[tilespmem:$0x1C400] =	vst v63  }
0x111: {  	_ = 	snop  }
0x112: {  	[tilespmem:s12], [sflag:$0xA] =	stream.indirect.gather [hbm4b:s4+s29], $0x80, s29, s29, $0xb8;
	[tilespmem:$0x1C400] =	vst v63  }
0x113: {  	_ =	swait.ge [sflag:s13], $0x4000  }
0x114: {  	[sflag:s13] =	ssyncset.done $0x0  }
0x115: {  	[sflag:s13] =	ssyncadd.s32 $0xFFFFC000  }
0x116: {  	_ =	swait.ge [sflag:s14], $0x80  }
0x117: {  	[sflag:s14] =	ssyncset.done $0x0  }
0x118: {  	[sflag:s14] =	ssyncadd.s32 $0xFFFFFF80  }
0x119: {  	[spmem:s2] =	stream.indirect.scatter.add.f32 [tilespmem:s10], [sflag:$0xB], $0x80, s28, s29, $0xb8;
	[tilespmem:$0x1C400] =	vst v63  }
0x11a: {  	_ =	swait.ge [sflag:s15], $0x80  }
0x11b: {  	[sflag:s15] =	ssyncset.done $0x0  }
0x11c: {  	[sflag:s15] =	ssyncadd.s32 $0xFFFFFF80  }
0x11d: {  	_ =	swait.ge [sflag:s16], $0x4000  }
0x11e: {  	[sflag:s16] =	ssyncset.done $0x0  }
0x11f: {  	[sflag:s16] =	ssyncadd.s32 $0xFFFFC000  }
0x120: {  	[tilespmem:s10], [sflag:$0x9] =	stream.indirect.gather [hbm4b:s4+s29], $0x80, s31, s29, $0xb8;
	[tilespmem:$0x1C400] =	vst v63  }
0x121: {  	_ =	swait.ge [sflag:s17], $0x4000  }
0x122: {  	[sflag:s17] =	ssyncset.done $0x0  }
0x123: {  	[sflag:s17] =	ssyncadd.s32 $0xFFFFC000  }
0x124: {  	_ =	swait.ge [sflag:s18], $0x80  }
0x125: {  	[sflag:s18] =	ssyncset.done $0x0  }
0x126: {  	[sflag:s18] =	ssyncadd.s32 $0xFFFFFF80  }
0x127: {  	[spmem:s2] =	stream.indirect.scatter.add.f32 [tilespmem:s12], [sflag:$0xC], $0x80, s30, s29, $0xb8;
	[tilespmem:$0x1C400] =	vst v63  }
0x128: {  	_ =	swait.ge [sflag:s19], $0x80  }
0x129: {  	[sflag:s19] =	ssyncset.done $0x0  }
0x12a: {  	[sflag:s19] =	ssyncadd.s32 $0xFFFFFF80  }
0x12b: {  	_ =	swait.ge [sflag:s20], $0x4000  }
0x12c: {  	[sflag:s20] =	ssyncset.done $0x0  }
0x12d: {  	[sflag:s20] =	ssyncadd.s32 $0xFFFFC000  }
0x12e: {  	[tilespmem:s12], [sflag:$0xA] =	stream.indirect.gather [hbm4b:s4+s29], $0x80, s1, s29, $0xb8;
	[tilespmem:$0x1C400] =	vst v63  }
0x12f: {  	_ =	swait.ge [sflag:s13], $0x4000  }
0x130: {  	[sflag:s13] =	ssyncset.done $0x0  }
0x131: {  	[sflag:s13] =	ssyncadd.s32 $0xFFFFC000  }
0x132: {  	_ =	swait.ge [sflag:s21], $0x80  }
0x133: {  	[sflag:s21] =	ssyncset.done $0x0  }
0x134: {  	[sflag:s21] =	ssyncadd.s32 $0xFFFFFF80  }
0x135: {  	[spmem:s2] =	stream.indirect.scatter.add.f32 [tilespmem:s10], [sflag:$0xB], $0x80, s0, s29, $0xb8;
	[tilespmem:$0x1C400] =	vst v63  }
0x136: {  	_ =	swait.ge [sflag:s17], $0x4000  }
0x137: {  	[sflag:s17] =	ssyncset.done $0x0  }
0x138: {  	[sflag:s17] =	ssyncadd.s32 $0xFFFFC000  }
0x139: {  	_ =	swait.ge [sflag:s22], $0x80  }
0x13a: {  	[sflag:s22] =	ssyncset.done $0x0  }
0x13b: {  	[sflag:s22] =	ssyncadd.s32 $0xFFFFFF80  }
0x13c: {  	[spmem:s2] =	stream.indirect.scatter.add.f32 [tilespmem:s12], [sflag:$0xC], $0x80, s5, s29, $0xb8;
	[tilespmem:$0x1C400] =	vst v63  }
0x13d: {  	_ =	swait.ge [sflag:s16], $0x4000  }
0x13e: {  	[sflag:s16] =	ssyncset.done $0x0  }
0x13f: {  	[sflag:s16] =	ssyncadd.s32 $0xFFFFC000  }
0x140: {  	_ =	swait.ge [sflag:s20], $0x4000  }
0x141: {  	[sflag:s20] =	ssyncset.done $0x0  }
0x142: {  	[sflag:s20] =	ssyncadd.s32 $0xFFFFC000  }
0x143: {  	[bflag:$0x0] =	sbarrier.arrive $0xFFFF  }
0x144: {  	s25 =	rddreg [dreg:$0xb]  }
0x145: {  	s9 =	rddreg [dreg:$0x1b]  }
0x146: {  	[hbm:s9], [sflag:s25] =	dma.local [spmem:s24], $0x2800  }
0x147: {  	_ =	swait.ge [sflag:s26], $0x2800  }
0x148: {  	s23 =	sadd.s32 $0x1, s23;
	s24 =	rddreg [dreg:$0x1c]  }
0x149: {  	p0 =	sne.s32 s23, s24  }
.Ltmp1:
0x14a: {  	_ = 	snop;
	(pc) =	sbr.rel @p0 .LBB2_1-.Ltmp1, $3  }
0x14b: {  	_ =	sdelay $0x1  }
0x14c: {  	[sflag:s26] =	ssyncset.done $0x0  }
0x14d: {  	[sflag:s26] =	ssyncadd.s32 $0xFFFFD800  }
0x14e: {  	_ =	sfence.sel $0x180000  }
0x14f: {  	[bflag:$0x0] =	sbarrier.arrive $0xFFFF  }
0x150: {  	_ =	strace $0x9000004A  }
0x151: {  	s0 =	stileid.u32;
	[bflag:$0x2] =	sbarrier.arrive $0xFFFF  }
0x152: {  	p0 =	sne.s32 s0, $0x0;
	s0 =	rddreg [dreg:$0x2]  }
0x153: {  	s0 =	sadd.s32 @!p0 $0x100000, s0  }
0x154: {  	[sflag:s0] =	ssyncadd.tile.s32 @!p0 $0x1;
	_ =	shalt  }
.Lfunc_end2:
_tile_overlayer_lowered:
.L_overlay_start_2:
0x155: {  	(tag) =	ssettag $0x2  }
0x156: {  	s0 =	rddreg [dreg:$0x0];
	s2 =	stileid.u32  }
0x157: {  	s1 =	rddreg [dreg:$0x1];
	p0 =	sne.s32 s2, $0x0  }
0x158: {  	s3 =	rddreg [dreg:$0x2];
	[bflag:$0x3] =	sbarrier.arrive $0xFFFF;
	s2 =	simm.s32 @!p0 $0x1C0D  }
0x159: {  	[timem:s3], [sflag:s2] =	dma.local @!p0 [hbm:s0], s1  }
0x15a: {  	s0 =	simm.s32 @!p0 $0xD  }
0x15b: {  	_ =	swait.ge @!p0 [sflag:s0], s1  }
0x15c: {  	s1 =	ssub.s32 @!p0 $0x0, s1;
	[sflag:s0] =	ssyncset.done @!p0 $0x0  }
0x15d: {  	[sflag:s0] =	ssyncadd.s32 @!p0 s1  }
0x15e: {  	[bflag:$0x3] =	sbarrier.arrive $0xFFFF  }
0x15f: {  	_ =	shalt  }

// kernel: kernel.7.cloned.1.call-start
scs
__scs_entry_jumppad:
0x0: {  	(pc) =	sbr.rel $0x88, $3  }
0x1: {  	(tag) =	ssettag $0x0;
	lr =	simm.s32 $0x1  }
0x2: {  	[smem:$0x3F90] =	sst lr;
	_ =	strace $0xD0000000  }
0x3: {  	_ = 	snop  }
0x4: {  	_ = 	snop  }
0x5: {  	_ = 	snop  }
0x6: {  	_ = 	snop  }
0x7: {  	_ = 	snop  }
__scs_overlays_trampoline_lowered:
0x8: {  	[smem:$0x3F9F] =	sst s0  }
0x9: {  	[smem:$0x3FA0] =	sst s1  }
0xa: {  	[smem:$0x3FA1] =	sst s2  }
0xb: {  	[smem:$0x3FA2] =	sst s3  }
0xc: {  	[smem:$0x3FA3] =	sst s4  }
0xd: {  	[smem:$0x3FA4] =	sst s5  }
0xe: {  	[smem:$0x3FA5] =	sst s6  }
0xf: {  	[smem:$0x3FA6] =	sst s7  }
0x10: {  	[smem:$0x3FA7] =	sst s8  }
0x11: {  	[smem:$0x3FA8] =	sst s9;
	s0 =	simm.s32 @!p0 $0x0  }
0x12: {  	s1 =	sld [smem:$0x3F8E];
	s0 =	simm.s32 @p0 $0x1  }
0x13: {  	[smem:$0x3FA9] =	sst s0;
	s0 =	simm.s32 @!p1 $0x0  }
0x14: {  	s2 =	sld [smem:$0x3F8D];
	s0 =	simm.s32 @p1 $0x1  }
0x15: {  	[smem:$0x3FAA] =	sst s0;
	s0 =	simm.s32 @!p2 $0x0  }
0x16: {  	s3 =	sld [smem:$0x3FDB];
	s0 =	simm.s32 @p2 $0x1  }
0x17: {  	s4 =	simm.s32 $0x1BF5;
	[smem:$0x3FAC] =	sst s0  }
0x18: {  	s0 =	sld [smem:$0x3F8F];
	_ =	swait.ge [sflag:s4], $0x0  }
0x19: {  	s7 =	sld [smem:$0x3F90]  }
0x1a: {  	s8 =	sadd.s32 $0xFFFFE003, lr  }
0x1b: {  	s9 =	sadd.s32 $0xFFFFFEF7, lr;
	s5 =	simm.s32 $0xFFFFFFFF;
	p2 =	slt.u32 s8, $0xFFFFF086  }
0x1c: {  	p1 =	slt.u32 s9, $0xF7A;
	s5 =	simm.s32 @!p2 $0x0  }
0x1d: {  	s5 =	simm.s32 @p1 $0x1;
	p0 =	seq.s32 s7, s2  }
0x1e: {  	s7 =	smul.u32 @!p0 $0xF7A, s2;
	p2 =	seq.s32 @!p0 s5, $0x0  }
0x1f: {  	s9 =	smul.u32 $0xF7A, s1;
	s8 =	simm.s32 @!p0 $0x1BF5;
	p2 =	por !p2, p0  }
0x20: {  	[sflag:s8] =	ssyncset.s32 @!p0 $0xFFFFF086;
	s6 =	sadd.s32 @!p0 s3, s7;
	s7 =	simm.s32 @!p0 $0x108  }
0x21: {  	s3 =	sadd.s32 s3, s9;
	s6 =	sadd.s32 @!p0 $0x88, s6;
	s7 =	simm.s32 @p2 $0x1082  }
0x22: {  	[simem:s7], [sflag:s8] =	dma.local @!p0 [hbm:s6], $0xF7A  }
0x23: {  	s9 =	sor.u32 $0xD0000000, s2;
	s6 =	simm.s32 $0x108;
	_ =	swait.ge @!p0 [sflag:s8], $0x0  }
0x24: {  	s3 =	sadd.s32 $0x88, s3;
	s6 =	simm.s32 @!p1 $0x1082;
	[sflag:s4] =	ssyncset.s32 $0xFFFFF086  }
0x25: {  	[simem:s6], [sflag:s4] =	dma.local [hbm:s3], $0xF7A  }
0x26: {  	[smem:$0x3F90] =	sst s1;
	(tag) =	ssettag s2;
	_ =	strace s9  }
0x27: {  	s1 =	sld [smem:$0x3FA0]  }
0x28: {  	s2 =	sld [smem:$0x3FA1]  }
0x29: {  	s4 =	sld [smem:$0x3FA3]  }
0x2a: {  	p0 =	seq.s32 s5, $0x0;
	s5 =	sld [smem:$0x3FA4]  }
0x2b: {  	s6 =	sld [smem:$0x3FA5]  }
0x2c: {  	s7 =	sld [smem:$0x3FA6]  }
0x2d: {  	s3 =	simm.s32 $0x108;
	s8 =	sld [smem:$0x3FA7]  }
0x2e: {  	s3 =	simm.s32 @!p0 $0x1082;
	s9 =	sld [smem:$0x3FA8]  }
0x2f: {  	lr =	sadd.s32 s0, s3;
	s0 =	sld [smem:$0x3F9F]  }
0x30: {  	s3 =	sld [smem:$0x3FA2]  }
0x31: {  	[smem:$0x3FAB] =	sst s10  }
0x32: {  	s10 =	sld [smem:$0x3FA9];
	_ =	sdelay $0x3  }
0x33: {  	p0 =	seq.s32 s10, $0x1;
	s10 =	sld [smem:$0x3FAB];
	_ =	sdelay $0x3  }
0x34: {  	[smem:$0x3FAB] =	sst s10  }
0x35: {  	s10 =	sld [smem:$0x3FAA];
	_ =	sdelay $0x3  }
0x36: {  	p1 =	seq.s32 s10, $0x1;
	s10 =	sld [smem:$0x3FAB];
	_ =	sdelay $0x3  }
0x37: {  	[smem:$0x3FAB] =	sst s10  }
0x38: {  	s10 =	sld [smem:$0x3FAC]  }
0x39: {  	_ = 	snop;
	(pc) =	sbr.ind lr, $3  }
0x3a: {  	_ = 	snop  }
0x3b: {  	_ = 	snop  }
0x3c: {  	p2 =	seq.s32 s10, $0x1;
	s10 =	sld [smem:$0x3FAB]  }
0x3d: {  	_ =	shalt  }
0x3e: {  	_ =	shalt  }
0x3f: {  	_ =	shalt  }
0x40: {  	_ =	shalt  }
0x41: {  	_ =	shalt  }
0x42: {  	_ =	shalt  }
0x43: {  	_ =	shalt  }
0x44: {  	_ =	shalt  }
0x45: {  	_ =	shalt  }
0x46: {  	_ =	shalt  }
0x47: {  	_ =	shalt  }
0x48: {  	_ =	shalt  }
0x49: {  	_ =	shalt  }
0x4a: {  	_ =	shalt  }
0x4b: {  	_ =	shalt  }
0x4c: {  	_ =	shalt  }
0x4d: {  	_ =	shalt  }
0x4e: {  	_ =	shalt  }
0x4f: {  	_ =	shalt  }
0x50: {  	_ =	shalt  }
0x51: {  	_ =	shalt  }
0x52: {  	_ =	shalt  }
0x53: {  	_ =	shalt  }
0x54: {  	_ =	shalt  }
0x55: {  	_ =	shalt  }
0x56: {  	_ =	shalt  }
0x57: {  	_ =	shalt  }
0x58: {  	_ =	shalt  }
0x59: {  	_ =	shalt  }
0x5a: {  	_ =	shalt  }
0x5b: {  	_ =	shalt  }
0x5c: {  	_ =	shalt  }
0x5d: {  	_ =	shalt  }
0x5e: {  	_ =	shalt  }
0x5f: {  	_ =	shalt  }
0x60: {  	_ =	shalt  }
0x61: {  	_ =	shalt  }
0x62: {  	_ =	shalt  }
0x63: {  	_ =	shalt  }
0x64: {  	_ =	shalt  }
0x65: {  	_ =	shalt  }
0x66: {  	_ =	shalt  }
0x67: {  	_ =	shalt  }
0x68: {  	_ =	shalt  }
0x69: {  	_ =	shalt  }
0x6a: {  	_ =	shalt  }
0x6b: {  	_ =	shalt  }
0x6c: {  	_ =	shalt  }
0x6d: {  	_ =	shalt  }
0x6e: {  	_ =	shalt  }
0x6f: {  	_ =	shalt  }
0x70: {  	_ =	shalt  }
0x71: {  	_ =	shalt  }
0x72: {  	_ =	shalt  }
0x73: {  	_ =	shalt  }
0x74: {  	_ =	shalt  }
0x75: {  	_ =	shalt  }
0x76: {  	_ =	shalt  }
0x77: {  	_ =	shalt  }
0x78: {  	_ =	shalt  }
0x79: {  	_ =	shalt  }
0x7a: {  	_ =	shalt  }
0x7b: {  	_ =	shalt  }
0x7c: {  	_ =	shalt  }
0x7d: {  	_ =	shalt  }
0x7e: {  	_ =	shalt  }
0x7f: {  	_ =	shalt  }
0x80: {  	_ =	shalt  }
0x81: {  	_ =	shalt  }
0x82: {  	_ =	shalt  }
0x83: {  	_ =	shalt  }
0x84: {  	_ =	shalt  }
0x85: {  	_ =	shalt  }
0x86: {  	_ =	shalt  }
0x87: {  	_ =	shalt  }
.Lfunc_end0:
.L_simem_size_0:
called_computation_lowered:
.L_overlay_start_0:
0x88: {  	s2 =	sld [smem:$0x3FD9]  }
0x89: {  	s3 =	sld [smem:$0x3FFE];
	_ =	sdelay $0x1  }
0x8a: {  	s1 =	srdreg.scid  }
0x8b: {  	s0 =	sand.u32 $0x1, s1  }
0x8c: {  	s16 =	sshll.u32 s0, $0xA;
	s2 =	sadd.s32 s3, s2  }
0x8d: {  	s2 =	sadd.s32 s2, s16  }
0x8e: {  	[smem:$0x3FB7] =	sst s2  }
0x8f: {  	_ = 	snop  }
0x90: {  	(tm) =	ssettm $0x1  }
0x91: {  	s17 =	sld [smem:$0x3FFB];
	_ =	sdelay $0x3  }
0x92: {  	_ =	strace s17  }
0x93: {  	s2 =	sld [smem:$0x3FFC];
	_ =	sdelay $0x3  }
0x94: {  	_ =	strace s2  }
0x95: {  	s2 =	sld [smem:$0x3FFD];
	_ =	sdelay $0x3  }
0x96: {  	_ =	strace s2  }
0x97: {  	_ =	strace $0x8FFFFFFF  }
0x98: {  	s18 =	sld [smem:$0x3FDB];
	_ =	sdelay $0x1  }
0x99: {  	s19 =	simm.s32 $_scs_section_size  }
0x9a: {  	s4 =	simm.s32 $_size__tile_overlayer_lowered;
	s5 =	simm.s32 $_tile_overlayer_lowered  }
0x9b: {  	s22 =	simm.s32 $0x1BFF;
	s21 =	sshll.u32 s5, $0x1;
	s2 =	sadd.s32 s19, s18  }
0x9c: {  	s6 =	simm.s32 $0x0;
	s20 =	sshll.u32 s4, $0x1;
	s4 =	sadd.s32 s21, s2  }
0x9d: {  	[timem:s6], [sflag:s22] =	dma.local [hbm:s4], s20  }
0x9e: {  	_ =	swait.ge [sflag:s22], s20  }
0x9f: {  	s3 =	ssub.s32 $0x0, s20;
	[sflag:s22] =	ssyncset.done $0x0  }
0xa0: {  	[sflag:s22] =	ssyncadd.s32 s3;
	_ =	sdelay $0x1  }
0xa1: {  	s23 =	simm.s32 $0x1B8B  }
0xa2: {  	_ =	swait.ge [sflag:s23], $0x1  }
0xa3: {  	[sflag:s23] =	ssyncset.done $0x0  }
0xa4: {  	s25 =	simm.s32 $0x1B8E;
	s24 =	sld [smem:$0x3FFE];
	[sflag:s23] =	ssyncadd.s32 $0xFFFFFFFF  }
0xa5: {  	s26 =	simm.s32 $execute0_lowered;
	[smem:$0x3FD2] =	sst s25  }
0xa6: {  	s4 =	sshll.u32 s26, $0x1;
	_ =	strace $0x80000046;
	[dreg:$0x1] =	wrdreg $0xFFFFFFFF  }
0xa7: {  	s28 =	simm.s32 $_size_execute0_lowered;
	s2 =	sadd.s32 s2, s4;
	[dreg:$0x0] =	wrdreg $0x0  }
0xa8: {  	s4 =	sshll.u32 s28, $0x1;
	[dreg:$0x2] =	wrdreg s2  }
0xa9: {  	[dreg:$0x3] =	wrdreg s4  }
0xaa: {  	[dreg:$0x4] =	wrdreg $0xC0  }
0xab: {  	_ =	task [dreg:s6], $0x5FFFF  }
0xac: {  	[dreg:$0x1] =	wrdreg $0xFFFFFFFF  }
0xad: {  	[dreg:$0x0] =	wrdreg $0x60  }
0xae: {  	[dreg:$0x2] =	wrdreg s24  }
0xaf: {  	[dreg:$0x3] =	wrdreg $0x84000  }
0xb0: {  	[dreg:$0x4] =	wrdreg $0x9  }
0xb1: {  	_ =	task.clear_ibuf [dreg:s6], $0x5FFFF;
	_ =	strace $0x90000046  }
0xb2: {  	s29 =	simm.s32 $0x9;
	_ =	strace $0x80000048  }
0xb3: {  	_ =	swait.ge [sflag:s29], $0x1  }
0xb4: {  	[sflag:s29] =	ssyncadd.s32 $0xFFFFFFFF  }
0xb5: {  	_ =	strace $0x90000048  }
0xb6: {  	_ =	sfence  }
0xb7: {  	s30 =	sld [smem:$0x0];
	_ =	sdelay $0x2  }
0xb8: {  	s31 =	sshll.u32 s1, $0xD;
	s1 =	sshrl.u32 s1, $0x2  }
0xb9: {  	s3 =	sand.u32 $0x4000, s31;
	s1 =	sadd.s32 s1, s30  }
0xba: {  	s0 =	sor.u32 s3, s0;
	s1 =	sshll.u32 s1, $0x11  }
0xbb: {  	s0 =	sor.u32 s1, s0  }
0xbc: {  	s0 =	sadd.s32 $0x8F2B, s0  }
0xbd: {  	[sflag:s0] =	ssyncadd.remote.s32 $0x1  }
0xbe: {  	_ =	sfence.sel $0xFFFF  }
0xbf: {  	[dreg:$0x0] =	wrdreg $0xFFFFFFFF;
	(pc) =	sbr.abs _section_cstart, $3  }
0xc0: {  	[dreg:$0x1] =	wrdreg $0xFFFFFFFF  }
0xc1: {  	_ =	task.clear_ibuf [dreg:s6], $0x2FFFF;
	_ =	strace $0x9FFFFFFF  }
0xc2: {  	(tm) =	ssettm $0x7FFFFFFF  }
0xc3: {  	_ =	shalt  }
tec
execute0_lowered:
.L_overlay_start_1:
0x0: {  	(tag) =	ssettag $0x1  }
0x1: {  	s0 =	rddreg [dreg:$0x0]  }
0x2: {  	s2 =	rddreg [dreg:$0x1];
	s3 =	simm.s32 $0x0  }
0x3: {  	s12 =	stileid.u32;
	s1 =	srdreg.scid;
	s28 =	simm.s32 $0x200  }
0x4: {  	s29 =	simm.s32 $0x80;
	s30 =	simm.s32 $0x280;
	s31 =	simm.s32 $0x100  }
0x5: {  	[smem:$0x7FF] =	sst s3;
	s5 =	smul.u32 $0x2800, s12;
	s1 =	sand.u32 $0x1, s1  }
0x6: {  	s4 =	sadd.s32 $0x53A00, s0;
	s6 =	sadd.s32 $0xA3A00, s0;
	s9 =	sadd.s32 $0xADA00, s0  }
0x7: {  	s8 =	smul.u32 $0x50000, s12;
	s15 =	sshll.u32 s12, $0x6;
	_ =	strace $0x80000047  }
0x8: {  	s7 =	smul.u32 $0x28000, s1;
	s1 =	ssub.s32 $0x2, s1;
	s25 =	sor.u32 $0x1C0D, s15  }
0x9: {  	s10 =	sadd.s32 s5, s0;
	s11 =	sshrl.u32 s1, $0x1;
	s8 =	sshrl.u32 s8, $0x2  }
0xa: {  	[dreg:$0xb] =	wrdreg s25;
	s7 =	sadd.s32 s5, s7;
	s8 =	sadd.s32 s8, s2  }
0xb: {  	s13 =	sadd.s32 $0xB2A00, s10;
	s5 =	sshrl.u32 s5, $0x3;
	[dreg:$0x8] =	wrdreg s8  }
0xc: {  	s1 =	ssub.s32 s1, s11;
	[dreg:$0x9] =	wrdreg s13;
	s11 =	sadd.s32 s9, s5  }
0xd: {  	s24 =	smul.u32 $0x500, s12;
	s17 =	sadd.s32 $0x10, s11;
	[dreg:$0xc] =	wrdreg s11  }
0xe: {  	s12 =	simm.s32 $0x4400;
	s19 =	sadd.s32 $0x20, s11;
	[dreg:$0xe] =	wrdreg s17  }
0xf: {  	s14 =	sshrl.u32 s7, $0x3;
	s21 =	sadd.s32 $0x30, s11;
	[dreg:$0x10] =	wrdreg s19  }
0x10: {  	s22 =	sor.u32 $0x580, s7;
	s26 =	sadd.s32 $0x40, s11;
	[dreg:$0x12] =	wrdreg s21  }
0x11: {  	s8 =	sadd.s32 s6, s14;
	s14 =	sadd.s32 s24, s9;
	[dreg:$0x14] =	wrdreg s26  }
0x12: {  	s5 =	sshrl.u32 s22, $0x3;
	s22 =	sadd.s32 $0x60, s11;
	[dreg:$0x4] =	wrdreg s14  }
0x13: {  	s10 =	simm.s32 $0x400;
	s0 =	sadd.s32 s7, s0;
	[dreg:$0x18] =	wrdreg s22  }
0x14: {  	s15 =	sor.u32 $0x500, s7;
	s24 =	sadd.s32 $0x4F0, s11;
	[dreg:$0xa] =	wrdreg s8  }
0x15: {  	s0 =	sadd.s32 $0xDAA00, s0;
	s16 =	sadd.s32 $0x10, s8;
	[dreg:$0x1a] =	wrdreg s24  }
0x16: {  	s18 =	sadd.s32 $0x20, s8;
	s20 =	sadd.s32 $0x30, s8;
	[dreg:$0x1b] =	wrdreg s0  }
0x17: {  	s23 =	sadd.s32 $0x40, s8;
	s13 =	sadd.s32 $0x50, s8;
	[dreg:$0xd] =	wrdreg s16  }
0x18: {  	s5 =	sadd.s32 s5, s6;
	s17 =	sor.u32 $0x480, s7;
	[dreg:$0xf] =	wrdreg s18  }
0x19: {  	s7 =	sor.u32 $0x400, s7;
	s26 =	smax.u32 s1, $0x1;
	[dreg:$0x11] =	wrdreg s20  }
0x1a: {  	s0 =	simm.s32 $0x300;
	s1 =	simm.s32 $0x180;
	[dreg:$0x13] =	wrdreg s23  }
0x1b: {  	s14 =	simm.s32 $0x5;
	s22 =	simm.s32 $0x8;
	[dreg:$0x15] =	wrdreg s13  }
0x1c: {  	[dreg:$0x3] =	wrdreg s5;
	s16 =	sshrl.u32 s15, $0x3;
	s18 =	sadd.s32 $0x50, s11  }
0x1d: {  	s9 =	sshrl.u32 s17, $0x3;
	s20 =	sadd.s32 $0x60, s8;
	s21 =	sshrl.u32 s7, $0x3  }
0x1e: {  	s23 =	sadd.s32 $0x70, s8;
	[dreg:$0x1c] =	wrdreg s26;
	s26 =	simm.s32 $0xD  }
0x1f: {  	s11 =	simm.s32 $0x2;
	s13 =	simm.s32 $0x9;
	[dreg:$0x16] =	wrdreg s18  }
0x20: {  	s15 =	simm.s32 $0x3;
	s17 =	simm.s32 $0xA;
	[dreg:$0x17] =	wrdreg s20  }
0x21: {  	s5 =	sadd.s32 s16, s6;
	s19 =	sadd.s32 s9, s6;
	[dreg:$0x19] =	wrdreg s23  }
0x22: {  	s16 =	simm.s32 $0xB;
	s18 =	simm.s32 $0x6;
	[dreg:$0x5] =	wrdreg s5  }
0x23: {  	s20 =	simm.s32 $0xC;
	s23 =	simm.s32 $0x0;
	[dreg:$0x6] =	wrdreg s19  }
0x24: {  	s5 =	sadd.s32 s21, s6;
	s6 =	simm.s32 $0x1;
	s19 =	simm.s32 $0x4  }
0x25: {  	s21 =	simm.s32 $0x7;
	[dreg:$0x7] =	wrdreg s5;
	s5 =	simm.s32 $0x380  }
.LBB2_1:
0x26: {  	s7 =	rddreg [dreg:$0x8]  }
0x27: {  	s9 =	rddreg [dreg:$0x9];
	s24 =	sshrl.u32 s7, $0x3  }
0x28: {  	[spmem:s24], [sflag:s25] =	dma.local [hbm:s9], $0x2800  }
0x29: {  	_ =	swait.ge [sflag:s26], $0x2800  }
0x2a: {  	[sflag:s26] =	ssyncset.done $0x0  }
0x2b: {  	[sflag:s26] =	ssyncadd.s32 $0xFFFFD800  }
0x2c: {  	[bflag:$0x0] =	sbarrier.arrive $0xFFFF  }
0x2d: {  	s25 =	rddreg [dreg:$0xa]  }
0x2e: {  	[tilespmem:s3], [sflag:$0x1] =	stream.linear.gather [hbm4b:s25+s3], $0x80, $0x38;
	[tilespmem:$0x1C400] =	vst v63  }
0x2f: {  	s8 =	rddreg [dreg:$0xc]  }
0x30: {  	[tilespmem:s28], [sflag:$0x5] =	stream.linear.gather [hbm4b:s8+s3], $0x80, $0x38;
	[tilespmem:$0x1C400] =	vst v63  }
0x31: {  	s9 =	rddreg [dreg:$0xd]  }
0x32: {  	[tilespmem:s29], [sflag:$0x2] =	stream.linear.gather [hbm4b:s9+s3], $0x80, $0x38;
	[tilespmem:$0x1C400] =	vst v63  }
0x33: {  	s25 =	rddreg [dreg:$0xe]  }
0x34: {  	[tilespmem:s30], [sflag:$0x6] =	stream.linear.gather [hbm4b:s25+s3], $0x80, $0x38;
	[tilespmem:$0x1C400] =	vst v63  }
0x35: {  	s8 =	rddreg [dreg:$0xf]  }
0x36: {  	[tilespmem:s31], [sflag:$0x3] =	stream.linear.gather [hbm4b:s8+s3], $0x80, $0x38;
	[tilespmem:$0x1C400] =	vst v63  }
0x37: {  	s9 =	rddreg [dreg:$0x10]  }
0x38: {  	[tilespmem:s0], [sflag:$0x7] =	stream.linear.gather [hbm4b:s9+s3], $0x80, $0x38;
	[tilespmem:$0x1C400] =	vst v63  }
0x39: {  	s25 =	rddreg [dreg:$0x11]  }
0x3a: {  	[tilespmem:s1], [sflag:$0x4] =	stream.linear.gather [hbm4b:s25+s3], $0x80, $0x38;
	[tilespmem:$0x1C400] =	vst v63  }
0x3b: {  	s8 =	rddreg [dreg:$0x12]  }
0x3c: {  	[tilespmem:s5], [sflag:$0x8] =	stream.linear.gather [hbm4b:s8+s3], $0x80, $0x38;
	[tilespmem:$0x1C400] =	vst v63  }
0x3d: {  	_ =	swait.ge [sflag:s6], $0x80  }
0x3e: {  	[sflag:s6] =	ssyncset.done $0x0  }
0x3f: {  	[sflag:s6] =	ssyncadd.s32 $0xFFFFFF80  }
0x40: {  	[tilespmem:s10], [sflag:$0x9] =	stream.indirect.gather [hbm4b:s4+s29], $0x80, s3, s29, $0xb8;
	[tilespmem:$0x1C400] =	vst v63  }
0x41: {  	_ =	swait.ge [sflag:s11], $0x80  }
0x42: {  	[sflag:s11] =	ssyncset.done $0x0  }
0x43: {  	[sflag:s11] =	ssyncadd.s32 $0xFFFFFF80  }
0x44: {  	[tilespmem:s12], [sflag:$0xA] =	stream.indirect.gather [hbm4b:s4+s29], $0x80, s29, s29, $0xb8;
	[tilespmem:$0x1C400] =	vst v63  }
0x45: {  	_ =	swait.ge [sflag:s13], $0x4000  }
0x46: {  	[sflag:s13] =	ssyncset.done $0x0  }
0x47: {  	s9 =	rddreg [dreg:$0x13];
	[sflag:s13] =	ssyncadd.s32 $0xFFFFC000  }
0x48: {  	[tilespmem:s3], [sflag:$0x1] =	stream.linear.gather [hbm4b:s9+s3], $0x80, $0x38;
	[tilespmem:$0x1C400] =	vst v63  }
0x49: {  	_ =	swait.ge [sflag:s14], $0x80  }
0x4a: {  	[sflag:s14] =	ssyncset.done $0x0  }
0x4b: {  	[sflag:s14] =	ssyncadd.s32 $0xFFFFFF80  }
0x4c: {  	[spmem:s2] =	stream.indirect.scatter.add.f32 [tilespmem:s10], [sflag:$0xB], $0x80, s28, s29, $0xb8;
	[tilespmem:$0x1C400] =	vst v63  }
0x4d: {  	_ =	swait.ge [sflag:s15], $0x80  }
0x4e: {  	[sflag:s15] =	ssyncset.done $0x0  }
0x4f: {  	[sflag:s15] =	ssyncadd.s32 $0xFFFFFF80  }
0x50: {  	_ =	swait.ge [sflag:s16], $0x4000  }
0x51: {  	[sflag:s16] =	ssyncset.done $0x0  }
0x52: {  	s25 =	rddreg [dreg:$0x14];
	[sflag:s16] =	ssyncadd.s32 $0xFFFFC000  }
0x53: {  	[tilespmem:s28], [sflag:$0x5] =	stream.linear.gather [hbm4b:s25+s3], $0x80, $0x38;
	[tilespmem:$0x1C400] =	vst v63  }
0x54: {  	_ = 	snop  }
0x55: {  	[tilespmem:s10], [sflag:$0x9] =	stream.indirect.gather [hbm4b:s4+s29], $0x80, s31, s29, $0xb8;
	[tilespmem:$0x1C400] =	vst v63  }
0x56: {  	_ =	swait.ge [sflag:s17], $0x4000  }
0x57: {  	[sflag:s17] =	ssyncset.done $0x0  }
0x58: {  	s8 =	rddreg [dreg:$0x15];
	[sflag:s17] =	ssyncadd.s32 $0xFFFFC000  }
0x59: {  	[tilespmem:s29], [sflag:$0x2] =	stream.linear.gather [hbm4b:s8+s3], $0x80, $0x38;
	[tilespmem:$0x1C400] =	vst v63  }
0x5a: {  	_ =	swait.ge [sflag:s18], $0x80  }
0x5b: {  	[sflag:s18] =	ssyncset.done $0x0  }
0x5c: {  	[sflag:s18] =	ssyncadd.s32 $0xFFFFFF80  }
0x5d: {  	[spmem:s2] =	stream.indirect.scatter.add.f32 [tilespmem:s12], [sflag:$0xC], $0x80, s30, s29, $0xb8;
	[tilespmem:$0x1C400] =	vst v63  }
0x5e: {  	_ =	swait.ge [sflag:s19], $0x80  }
0x5f: {  	[sflag:s19] =	ssyncset.done $0x0  }
0x60: {  	[sflag:s19] =	ssyncadd.s32 $0xFFFFFF80  }
0x61: {  	_ =	swait.ge [sflag:s20], $0x4000  }
0x62: {  	[sflag:s20] =	ssyncset.done $0x0  }
0x63: {  	s9 =	rddreg [dreg:$0x16];
	[sflag:s20] =	ssyncadd.s32 $0xFFFFC000  }
0x64: {  	[tilespmem:s30], [sflag:$0x6] =	stream.linear.gather [hbm4b:s9+s3], $0x80, $0x38;
	[tilespmem:$0x1C400] =	vst v63  }
0x65: {  	_ = 	snop  }
0x66: {  	[tilespmem:s12], [sflag:$0xA] =	stream.indirect.gather [hbm4b:s4+s29], $0x80, s1, s29, $0xb8;
	[tilespmem:$0x1C400] =	vst v63  }
0x67: {  	_ =	swait.ge [sflag:s13], $0x4000  }
0x68: {  	[sflag:s13] =	ssyncset.done $0x0  }
0x69: {  	s25 =	rddreg [dreg:$0x17];
	[sflag:s13] =	ssyncadd.s32 $0xFFFFC000  }
0x6a: {  	[tilespmem:s31], [sflag:$0x3] =	stream.linear.gather [hbm4b:s25+s3], $0x80, $0x38;
	[tilespmem:$0x1C400] =	vst v63  }
0x6b: {  	_ =	swait.ge [sflag:s21], $0x80  }
0x6c: {  	[sflag:s21] =	ssyncset.done $0x0  }
0x6d: {  	[sflag:s21] =	ssyncadd.s32 $0xFFFFFF80  }
0x6e: {  	[spmem:s2] =	stream.indirect.scatter.add.f32 [tilespmem:s10], [sflag:$0xB], $0x80, s0, s29, $0xb8;
	[tilespmem:$0x1C400] =	vst v63  }
0x6f: {  	_ =	swait.ge [sflag:s6], $0x80  }
0x70: {  	[sflag:s6] =	ssyncset.done $0x0  }
0x71: {  	[sflag:s6] =	ssyncadd.s32 $0xFFFFFF80  }
0x72: {  	_ =	swait.ge [sflag:s16], $0x4000  }
0x73: {  	[sflag:s16] =	ssyncset.done $0x0  }
0x74: {  	s8 =	rddreg [dreg:$0x18];
	[sflag:s16] =	ssyncadd.s32 $0xFFFFC000  }
0x75: {  	[tilespmem:s0], [sflag:$0x7] =	stream.linear.gather [hbm4b:s8+s3], $0x80, $0x38;
	[tilespmem:$0x1C400] =	vst v63  }
0x76: {  	_ = 	snop  }
0x77: {  	[tilespmem:s10], [sflag:$0x9] =	stream.indirect.gather [hbm4b:s4+s29], $0x80, s3, s29, $0xb8;
	[tilespmem:$0x1C400] =	vst v63  }
0x78: {  	_ =	swait.ge [sflag:s17], $0x4000  }
0x79: {  	[sflag:s17] =	ssyncset.done $0x0  }
0x7a: {  	s9 =	rddreg [dreg:$0x19];
	[sflag:s17] =	ssyncadd.s32 $0xFFFFC000  }
0x7b: {  	[tilespmem:s1], [sflag:$0x4] =	stream.linear.gather [hbm4b:s9+s3], $0x80, $0x38;
	[tilespmem:$0x1C400] =	vst v63  }
0x7c: {  	_ =	swait.ge [sflag:s22], $0x80  }
0x7d: {  	[sflag:s22] =	ssyncset.done $0x0  }
0x7e: {  	[sflag:s22] =	ssyncadd.s32 $0xFFFFFF80  }
0x7f: {  	[spmem:s2] =	stream.indirect.scatter.add.f32 [tilespmem:s12], [sflag:$0xC], $0x80, s5, s29, $0xb8;
	[tilespmem:$0x1C400] =	vst v63  }
0x80: {  	_ =	swait.ge [sflag:s11], $0x80  }
0x81: {  	[sflag:s11] =	ssyncset.done $0x0  }
0x82: {  	[sflag:s11] =	ssyncadd.s32 $0xFFFFFF80  }
0x83: {  	_ =	swait.ge [sflag:s20], $0x4000  }
0x84: {  	s25 =	rddreg [dreg:$0x4]  }
0x85: {  	[sflag:s20] =	ssyncset.done $0x0;
	s7 =	sadd.s32 $0x0, s25  }
0x86: {  	[sflag:s20] =	ssyncadd.s32 $0xFFFFC000;
	s9 =	sadd.s32 $0x70, s7  }
0x87: {  	[tilespmem:s5], [sflag:$0x8] =	stream.linear.gather [hbm4b:s9+s3], $0x80, $0x38;
	[tilespmem:$0x1C400] =	vst v63  }
0x88: {  	_ = 	snop  }
0x89: {  	[tilespmem:s12], [sflag:$0xA] =	stream.indirect.gather [hbm4b:s4+s29], $0x80, s29, s29, $0xb8;
	[tilespmem:$0x1C400] =	vst v63  }
0x8a: {  	_ =	swait.ge [sflag:s13], $0x4000  }
0x8b: {  	s8 =	rddreg [dreg:$0x7];
	[sflag:s13] =	ssyncset.done $0x0  }
0x8c: {  	[sflag:s13] =	ssyncadd.s32 $0xFFFFC000;
	s9 =	sadd.s32 $0x0, s8  }
0x8d: {  	[tilespmem:s3], [sflag:$0x1] =	stream.linear.gather [hbm4b:s9+s3], $0x80, $0x38;
	[tilespmem:$0x1C400] =	vst v63  }
0x8e: {  	_ =	swait.ge [sflag:s14], $0x80  }
0x8f: {  	[sflag:s14] =	ssyncset.done $0x0  }
0x90: {  	[sflag:s14] =	ssyncadd.s32 $0xFFFFFF80  }
0x91: {  	[spmem:s2] =	stream.indirect.scatter.add.f32 [tilespmem:s10], [sflag:$0xB], $0x80, s28, s29, $0xb8;
	[tilespmem:$0x1C400] =	vst v63  }
0x92: {  	_ =	swait.ge [sflag:s15], $0x80  }
0x93: {  	[sflag:s15] =	ssyncset.done $0x0  }
0x94: {  	[sflag:s15] =	ssyncadd.s32 $0xFFFFFF80  }
0x95: {  	_ =	swait.ge [sflag:s16], $0x4000  }
0x96: {  	[sflag:s16] =	ssyncset.done $0x0  }
0x97: {  	s25 =	sadd.s32 $0x80, s7;
	[sflag:s16] =	ssyncadd.s32 $0xFFFFC000  }
0x98: {  	[tilespmem:s28], [sflag:$0x5] =	stream.linear.gather [hbm4b:s25+s3], $0x80, $0x38;
	[tilespmem:$0x1C400] =	vst v63  }
0x99: {  	_ = 	snop  }
0x9a: {  	[tilespmem:s10], [sflag:$0x9] =	stream.indirect.gather [hbm4b:s4+s29], $0x80, s31, s29, $0xb8;
	[tilespmem:$0x1C400] =	vst v63  }
0x9b: {  	_ =	swait.ge [sflag:s17], $0x4000  }
0x9c: {  	s8 =	rddreg [dreg:$0x6];
	[sflag:s17] =	ssyncset.done $0x0  }
0x9d: {  	[sflag:s17] =	ssyncadd.s32 $0xFFFFC000;
	s9 =	sadd.s32 $0x0, s8  }
0x9e: {  	[tilespmem:s29], [sflag:$0x2] =	stream.linear.gather [hbm4b:s9+s3], $0x80, $0x38;
	[tilespmem:$0x1C400] =	vst v63  }
0x9f: {  	_ =	swait.ge [sflag:s18], $0x80  }
0xa0: {  	[sflag:s18] =	ssyncset.done $0x0  }
0xa1: {  	[sflag:s18] =	ssyncadd.s32 $0xFFFFFF80  }
0xa2: {  	[spmem:s2] =	stream.indirect.scatter.add.f32 [tilespmem:s12], [sflag:$0xC], $0x80, s30, s29, $0xb8;
	[tilespmem:$0x1C400] =	vst v63  }
0xa3: {  	_ =	swait.ge [sflag:s19], $0x80  }
0xa4: {  	[sflag:s19] =	ssyncset.done $0x0  }
0xa5: {  	[sflag:s19] =	ssyncadd.s32 $0xFFFFFF80  }
0xa6: {  	_ =	swait.ge [sflag:s20], $0x4000  }
0xa7: {  	[sflag:s20] =	ssyncset.done $0x0  }
0xa8: {  	s25 =	sadd.s32 $0x90, s7;
	[sflag:s20] =	ssyncadd.s32 $0xFFFFC000  }
0xa9: {  	[tilespmem:s30], [sflag:$0x6] =	stream.linear.gather [hbm4b:s25+s3], $0x80, $0x38;
	[tilespmem:$0x1C400] =	vst v63  }
0xaa: {  	_ = 	snop  }
0xab: {  	[tilespmem:s12], [sflag:$0xA] =	stream.indirect.gather [hbm4b:s4+s29], $0x80, s1, s29, $0xb8;
	[tilespmem:$0x1C400] =	vst v63  }
0xac: {  	_ =	swait.ge [sflag:s13], $0x4000  }
0xad: {  	s8 =	rddreg [dreg:$0x5];
	[sflag:s13] =	ssyncset.done $0x0  }
0xae: {  	[sflag:s13] =	ssyncadd.s32 $0xFFFFC000;
	s9 =	sadd.s32 $0x0, s8  }
0xaf: {  	[tilespmem:s31], [sflag:$0x3] =	stream.linear.gather [hbm4b:s9+s3], $0x80, $0x38;
	[tilespmem:$0x1C400] =	vst v63  }
0xb0: {  	_ =	swait.ge [sflag:s21], $0x80  }
0xb1: {  	[sflag:s21] =	ssyncset.done $0x0  }
0xb2: {  	[sflag:s21] =	ssyncadd.s32 $0xFFFFFF80  }
0xb3: {  	[spmem:s2] =	stream.indirect.scatter.add.f32 [tilespmem:s10], [sflag:$0xB], $0x80, s0, s29, $0xb8;
	[tilespmem:$0x1C400] =	vst v63  }
0xb4: {  	_ =	swait.ge [sflag:s6], $0x80  }
0xb5: {  	[sflag:s6] =	ssyncset.done $0x0  }
0xb6: {  	[sflag:s6] =	ssyncadd.s32 $0xFFFFFF80  }
0xb7: {  	_ =	swait.ge [sflag:s16], $0x4000  }
0xb8: {  	[sflag:s16] =	ssyncset.done $0x0  }
0xb9: {  	s7 =	sadd.s32 $0xA0, s7;
	[sflag:s16] =	ssyncadd.s32 $0xFFFFC000  }
0xba: {  	[tilespmem:s0], [sflag:$0x7] =	stream.linear.gather [hbm4b:s7+s3], $0x80, $0x38;
	[tilespmem:$0x1C400] =	vst v63  }
0xbb: {  	_ = 	snop  }
0xbc: {  	[tilespmem:s10], [sflag:$0x9] =	stream.indirect.gather [hbm4b:s4+s29], $0x80, s3, s29, $0xb8;
	[tilespmem:$0x1C400] =	vst v63  }
0xbd: {  	_ =	swait.ge [sflag:s17], $0x4000  }
0xbe: {  	s25 =	rddreg [dreg:$0x3];
	[sflag:s17] =	ssyncset.done $0x0  }
0xbf: {  	[sflag:s17] =	ssyncadd.s32 $0xFFFFC000;
	s7 =	sadd.s32 $0x0, s25  }
0xc0: {  	[tilespmem:s1], [sflag:$0x4] =	stream.linear.gather [hbm4b:s7+s3], $0x80, $0x38;
	[tilespmem:$0x1C400] =	vst v63  }
0xc1: {  	_ =	swait.ge [sflag:s22], $0x80  }
0xc2: {  	[sflag:s22] =	ssyncset.done $0x0  }
0xc3: {  	s25 =	simm.s32 $0x40;
	[sflag:s22] =	ssyncadd.s32 $0xFFFFFF80  }
.LBB2_2:
0xc4: {  	[spmem:s2] =	stream.indirect.scatter.add.f32 [tilespmem:s12], [sflag:$0xC], $0x80, s5, s29, $0xb8;
	[tilespmem:$0x1C400] =	vst v63  }
0xc5: {  	_ =	swait.ge [sflag:s11], $0x80  }
0xc6: {  	[sflag:s11] =	ssyncset.done $0x0  }
0xc7: {  	[sflag:s11] =	ssyncadd.s32 $0xFFFFFF80  }
0xc8: {  	_ =	swait.ge [sflag:s20], $0x4000  }
0xc9: {  	s7 =	smov.u32 s25;
	s9 =	rddreg [dreg:$0x4]  }
0xca: {  	[sflag:s20] =	ssyncset.done $0x0;
	s9 =	sadd.s32 s7, s9  }
0xcb: {  	[sflag:s20] =	ssyncadd.s32 $0xFFFFC000;
	s8 =	sadd.s32 $0x70, s9  }
0xcc: {  	[tilespmem:s5], [sflag:$0x8] =	stream.linear.gather [hbm4b:s8+s3], $0x80, $0x38;
	[tilespmem:$0x1C400] =	vst v63  }
0xcd: {  	_ = 	snop  }
0xce: {  	[tilespmem:s12], [sflag:$0xA] =	stream.indirect.gather [hbm4b:s4+s29], $0x80, s29, s29, $0xb8;
	[tilespmem:$0x1C400] =	vst v63  }
0xcf: {  	_ =	swait.ge [sflag:s13], $0x4000  }
0xd0: {  	s8 =	rddreg [dreg:$0x7];
	[sflag:s13] =	ssyncset.done $0x0  }
0xd1: {  	[sflag:s13] =	ssyncadd.s32 $0xFFFFC000;
	s8 =	sadd.s32 s7, s8  }
0xd2: {  	[tilespmem:s3], [sflag:$0x1] =	stream.linear.gather [hbm4b:s8+s3], $0x80, $0x38;
	[tilespmem:$0x1C400] =	vst v63  }
0xd3: {  	_ =	swait.ge [sflag:s14], $0x80  }
0xd4: {  	[sflag:s14] =	ssyncset.done $0x0  }
0xd5: {  	[sflag:s14] =	ssyncadd.s32 $0xFFFFFF80  }
0xd6: {  	[spmem:s2] =	stream.indirect.scatter.add.f32 [tilespmem:s10], [sflag:$0xB], $0x80, s28, s29, $0xb8;
	[tilespmem:$0x1C400] =	vst v63  }
0xd7: {  	_ =	swait.ge [sflag:s15], $0x80  }
0xd8: {  	[sflag:s15] =	ssyncset.done $0x0  }
0xd9: {  	[sflag:s15] =	ssyncadd.s32 $0xFFFFFF80  }
0xda: {  	_ =	swait.ge [sflag:s16], $0x4000  }
0xdb: {  	[sflag:s16] =	ssyncset.done $0x0  }
0xdc: {  	s8 =	sadd.s32 $0x80, s9;
	[sflag:s16] =	ssyncadd.s32 $0xFFFFC000  }
0xdd: {  	[tilespmem:s28], [sflag:$0x5] =	stream.linear.gather [hbm4b:s8+s3], $0x80, $0x38;
	[tilespmem:$0x1C400] =	vst v63  }
0xde: {  	_ = 	snop  }
0xdf: {  	[tilespmem:s10], [sflag:$0x9] =	stream.indirect.gather [hbm4b:s4+s29], $0x80, s31, s29, $0xb8;
	[tilespmem:$0x1C400] =	vst v63  }
0xe0: {  	_ =	swait.ge [sflag:s17], $0x4000  }
0xe1: {  	s8 =	rddreg [dreg:$0x6];
	[sflag:s17] =	ssyncset.done $0x0  }
0xe2: {  	[sflag:s17] =	ssyncadd.s32 $0xFFFFC000;
	s8 =	sadd.s32 s7, s8  }
0xe3: {  	[tilespmem:s29], [sflag:$0x2] =	stream.linear.gather [hbm4b:s8+s3], $0x80, $0x38;
	[tilespmem:$0x1C400] =	vst v63  }
0xe4: {  	_ =	swait.ge [sflag:s18], $0x80  }
0xe5: {  	[sflag:s18] =	ssyncset.done $0x0  }
0xe6: {  	[sflag:s18] =	ssyncadd.s32 $0xFFFFFF80  }
0xe7: {  	[spmem:s2] =	stream.indirect.scatter.add.f32 [tilespmem:s12], [sflag:$0xC], $0x80, s30, s29, $0xb8;
	[tilespmem:$0x1C400] =	vst v63  }
0xe8: {  	_ =	swait.ge [sflag:s19], $0x80  }
0xe9: {  	[sflag:s19] =	ssyncset.done $0x0  }
0xea: {  	[sflag:s19] =	ssyncadd.s32 $0xFFFFFF80  }
0xeb: {  	_ =	swait.ge [sflag:s20], $0x4000  }
0xec: {  	[sflag:s20] =	ssyncset.done $0x0  }
0xed: {  	s8 =	sadd.s32 $0x90, s9;
	[sflag:s20] =	ssyncadd.s32 $0xFFFFC000  }
0xee: {  	[tilespmem:s30], [sflag:$0x6] =	stream.linear.gather [hbm4b:s8+s3], $0x80, $0x38;
	[tilespmem:$0x1C400] =	vst v63  }
0xef: {  	_ = 	snop  }
0xf0: {  	[tilespmem:s12], [sflag:$0xA] =	stream.indirect.gather [hbm4b:s4+s29], $0x80, s1, s29, $0xb8;
	[tilespmem:$0x1C400] =	vst v63  }
0xf1: {  	_ =	swait.ge [sflag:s13], $0x4000  }
0xf2: {  	s8 =	rddreg [dreg:$0x5];
	[sflag:s13] =	ssyncset.done $0x0  }
0xf3: {  	[sflag:s13] =	ssyncadd.s32 $0xFFFFC000;
	s8 =	sadd.s32 s7, s8  }
0xf4: {  	[tilespmem:s31], [sflag:$0x3] =	stream.linear.gather [hbm4b:s8+s3], $0x80, $0x38;
	[tilespmem:$0x1C400] =	vst v63  }
0xf5: {  	_ =	swait.ge [sflag:s21], $0x80  }
0xf6: {  	[sflag:s21] =	ssyncset.done $0x0  }
0xf7: {  	[sflag:s21] =	ssyncadd.s32 $0xFFFFFF80  }
0xf8: {  	[spmem:s2] =	stream.indirect.scatter.add.f32 [tilespmem:s10], [sflag:$0xB], $0x80, s0, s29, $0xb8;
	[tilespmem:$0x1C400] =	vst v63  }
0xf9: {  	_ =	swait.ge [sflag:s6], $0x80  }
0xfa: {  	[sflag:s6] =	ssyncset.done $0x0  }
0xfb: {  	[sflag:s6] =	ssyncadd.s32 $0xFFFFFF80  }
0xfc: {  	_ =	swait.ge [sflag:s16], $0x4000  }
0xfd: {  	[sflag:s16] =	ssyncset.done $0x0  }
0xfe: {  	s9 =	sadd.s32 $0xA0, s9;
	[sflag:s16] =	ssyncadd.s32 $0xFFFFC000  }
0xff: {  	[tilespmem:s0], [sflag:$0x7] =	stream.linear.gather [hbm4b:s9+s3], $0x80, $0x38;
	[tilespmem:$0x1C400] =	vst v63  }
0x100: {  	_ = 	snop  }
0x101: {  	[tilespmem:s10], [sflag:$0x9] =	stream.indirect.gather [hbm4b:s4+s29], $0x80, s3, s29, $0xb8;
	[tilespmem:$0x1C400] =	vst v63  }
0x102: {  	_ =	swait.ge [sflag:s17], $0x4000  }
0x103: {  	p0 =	sne.s32 s25, $0x440;
	s9 =	rddreg [dreg:$0x3];
	[sflag:s17] =	ssyncset.done $0x0  }
.Ltmp0:
0x104: {  	[sflag:s17] =	ssyncadd.s32 $0xFFFFC000;
	s7 =	sadd.s32 s7, s9;
	(pc) =	sbr.rel @p0 .LBB2_2-.Ltmp0, $4  }
0x105: {  	[tilespmem:s1], [sflag:$0x4] =	stream.linear.gather [hbm4b:s7+s3], $0x80, $0x38;
	[tilespmem:$0x1C400] =	vst v63  }
0x106: {  	_ =	swait.ge [sflag:s22], $0x80  }
0x107: {  	[sflag:s22] =	ssyncset.done $0x0  }
0x108: {  	s25 =	sadd.s32 $0x40, s25;
	[sflag:s22] =	ssyncadd.s32 $0xFFFFFF80  }
0x109: {  	[spmem:s2] =	stream.indirect.scatter.add.f32 [tilespmem:s12], [sflag:$0xC], $0x80, s5, s29, $0xb8;
	[tilespmem:$0x1C400] =	vst v63  }
0x10a: {  	_ =	swait.ge [sflag:s11], $0x80  }
0x10b: {  	[sflag:s11] =	ssyncset.done $0x0  }
0x10c: {  	[sflag:s11] =	ssyncadd.s32 $0xFFFFFF80  }
0x10d: {  	_ =	swait.ge [sflag:s20], $0x4000  }
0x10e: {  	[sflag:s20] =	ssyncset.done $0x0  }
0x10f: {  	s7 =	rddreg [dreg:$0x1a];
	[sflag:s20] =	ssyncadd.s32 $0xFFFFC000  }
0x110: {  	[tilespmem:s5], [sflag:$0x8] =	stream.linear.gather [hbm4b:s7+s3], $0x80, $0x38;
	[tilespmem:$0x1C400] =	vst v63  }
0x111: {  	_ = 	snop  }
0x112: {  	[tilespmem:s12], [sflag:$0xA] =	stream.indirect.gather [hbm4b:s4+s29], $0x80, s29, s29, $0xb8;
	[tilespmem:$0x1C400] =	vst v63  }
0x113: {  	_ =	swait.ge [sflag:s13], $0x4000  }
0x114: {  	[sflag:s13] =	ssyncset.done $0x0  }
0x115: {  	[sflag:s13] =	ssyncadd.s32 $0xFFFFC000  }
0x116: {  	_ =	swait.ge [sflag:s14], $0x80  }
0x117: {  	[sflag:s14] =	ssyncset.done $0x0  }
0x118: {  	[sflag:s14] =	ssyncadd.s32 $0xFFFFFF80  }
0x119: {  	[spmem:s2] =	stream.indirect.scatter.add.f32 [tilespmem:s10], [sflag:$0xB], $0x80, s28, s29, $0xb8;
	[tilespmem:$0x1C400] =	vst v63  }
0x11a: {  	_ =	swait.ge [sflag:s15], $0x80  }
0x11b: {  	[sflag:s15] =	ssyncset.done $0x0  }
0x11c: {  	[sflag:s15] =	ssyncadd.s32 $0xFFFFFF80  }
0x11d: {  	_ =	swait.ge [sflag:s16], $0x4000  }
0x11e: {  	[sflag:s16] =	ssyncset.done $0x0  }
0x11f: {  	[sflag:s16] =	ssyncadd.s32 $0xFFFFC000  }
0x120: {  	[tilespmem:s10], [sflag:$0x9] =	stream.indirect.gather [hbm4b:s4+s29], $0x80, s31, s29, $0xb8;
	[tilespmem:$0x1C400] =	vst v63  }
0x121: {  	_ =	swait.ge [sflag:s17], $0x4000  }
0x122: {  	[sflag:s17] =	ssyncset.done $0x0  }
0x123: {  	[sflag:s17] =	ssyncadd.s32 $0xFFFFC000  }
0x124: {  	_ =	swait.ge [sflag:s18], $0x80  }
0x125: {  	[sflag:s18] =	ssyncset.done $0x0  }
0x126: {  	[sflag:s18] =	ssyncadd.s32 $0xFFFFFF80  }
0x127: {  	[spmem:s2] =	stream.indirect.scatter.add.f32 [tilespmem:s12], [sflag:$0xC], $0x80, s30, s29, $0xb8;
	[tilespmem:$0x1C400] =	vst v63  }
0x128: {  	_ =	swait.ge [sflag:s19], $0x80  }
0x129: {  	[sflag:s19] =	ssyncset.done $0x0  }
0x12a: {  	[sflag:s19] =	ssyncadd.s32 $0xFFFFFF80  }
0x12b: {  	_ =	swait.ge [sflag:s20], $0x4000  }
0x12c: {  	[sflag:s20] =	ssyncset.done $0x0  }
0x12d: {  	[sflag:s20] =	ssyncadd.s32 $0xFFFFC000  }
0x12e: {  	[tilespmem:s12], [sflag:$0xA] =	stream.indirect.gather [hbm4b:s4+s29], $0x80, s1, s29, $0xb8;
	[tilespmem:$0x1C400] =	vst v63  }
0x12f: {  	_ =	swait.ge [sflag:s13], $0x4000  }
0x130: {  	[sflag:s13] =	ssyncset.done $0x0  }
0x131: {  	[sflag:s13] =	ssyncadd.s32 $0xFFFFC000  }
0x132: {  	_ =	swait.ge [sflag:s21], $0x80  }
0x133: {  	[sflag:s21] =	ssyncset.done $0x0  }
0x134: {  	[sflag:s21] =	ssyncadd.s32 $0xFFFFFF80  }
0x135: {  	[spmem:s2] =	stream.indirect.scatter.add.f32 [tilespmem:s10], [sflag:$0xB], $0x80, s0, s29, $0xb8;
	[tilespmem:$0x1C400] =	vst v63  }
0x136: {  	_ =	swait.ge [sflag:s17], $0x4000  }
0x137: {  	[sflag:s17] =	ssyncset.done $0x0  }
0x138: {  	[sflag:s17] =	ssyncadd.s32 $0xFFFFC000  }
0x139: {  	_ =	swait.ge [sflag:s22], $0x80  }
0x13a: {  	[sflag:s22] =	ssyncset.done $0x0  }
0x13b: {  	[sflag:s22] =	ssyncadd.s32 $0xFFFFFF80  }
0x13c: {  	[spmem:s2] =	stream.indirect.scatter.add.f32 [tilespmem:s12], [sflag:$0xC], $0x80, s5, s29, $0xb8;
	[tilespmem:$0x1C400] =	vst v63  }
0x13d: {  	_ =	swait.ge [sflag:s16], $0x4000  }
0x13e: {  	[sflag:s16] =	ssyncset.done $0x0  }
0x13f: {  	[sflag:s16] =	ssyncadd.s32 $0xFFFFC000  }
0x140: {  	_ =	swait.ge [sflag:s20], $0x4000  }
0x141: {  	[sflag:s20] =	ssyncset.done $0x0  }
0x142: {  	[sflag:s20] =	ssyncadd.s32 $0xFFFFC000  }
0x143: {  	[bflag:$0x0] =	sbarrier.arrive $0xFFFF  }
0x144: {  	s25 =	rddreg [dreg:$0xb]  }
0x145: {  	s9 =	rddreg [dreg:$0x1b]  }
0x146: {  	[hbm:s9], [sflag:s25] =	dma.local [spmem:s24], $0x2800  }
0x147: {  	_ =	swait.ge [sflag:s26], $0x2800  }
0x148: {  	s23 =	sadd.s32 $0x1, s23;
	s24 =	rddreg [dreg:$0x1c]  }
0x149: {  	p0 =	sne.s32 s23, s24  }
.Ltmp1:
0x14a: {  	_ = 	snop;
	(pc) =	sbr.rel @p0 .LBB2_1-.Ltmp1, $3  }
0x14b: {  	_ =	sdelay $0x1  }
0x14c: {  	[sflag:s26] =	ssyncset.done $0x0  }
0x14d: {  	[sflag:s26] =	ssyncadd.s32 $0xFFFFD800  }
0x14e: {  	_ =	sfence.sel $0x180000  }
0x14f: {  	[bflag:$0x0] =	sbarrier.arrive $0xFFFF  }
0x150: {  	_ =	strace $0x90000047  }
0x151: {  	s0 =	stileid.u32;
	[bflag:$0x2] =	sbarrier.arrive $0xFFFF  }
0x152: {  	p0 =	sne.s32 s0, $0x0;
	s0 =	rddreg [dreg:$0x2]  }
0x153: {  	s0 =	sadd.s32 @!p0 $0x100000, s0  }
0x154: {  	[sflag:s0] =	ssyncadd.tile.s32 @!p0 $0x1;
	_ =	shalt  }
.Lfunc_end2:
_tile_overlayer_lowered:
.L_overlay_start_2:
0x155: {  	(tag) =	ssettag $0x2  }
0x156: {  	s0 =	rddreg [dreg:$0x0];
	s2 =	stileid.u32  }
0x157: {  	s1 =	rddreg [dreg:$0x1];
	p0 =	sne.s32 s2, $0x0  }
0x158: {  	s3 =	rddreg [dreg:$0x2];
	[bflag:$0x3] =	sbarrier.arrive $0xFFFF;
	s2 =	simm.s32 @!p0 $0x1C0D  }
0x159: {  	[timem:s3], [sflag:s2] =	dma.local @!p0 [hbm:s0], s1  }
0x15a: {  	s0 =	simm.s32 @!p0 $0xD  }
0x15b: {  	_ =	swait.ge @!p0 [sflag:s0], s1  }
0x15c: {  	s1 =	ssub.s32 @!p0 $0x0, s1;
	[sflag:s0] =	ssyncset.done @!p0 $0x0  }
0x15d: {  	[sflag:s0] =	ssyncadd.s32 @!p0 s1  }
0x15e: {  	[bflag:$0x3] =	sbarrier.arrive $0xFFFF  }
0x15f: {  	_ =	shalt  }

</sc_bundles>
